<compile_context>
chip_gen: v7x
topology: tpu7x:2x2x1
jax: 0.10.2.dev20260603
libtpu: 0.0.44.dev20260713+nightly
codegen_flags: <defaults>
</compile_context>

<pallas_src>
import jax
import jax.numpy as jnp
from jax import lax
from jax.experimental import pallas as pl
from jax.experimental.pallas import tpu as pltpu
from jax.experimental.pallas import tpu_sc as plsc

N_ENT_ = 100000
N_REL_ = 1000
D_ = 128
H_ = 128
N_SEL_ = 8192
NE_ = 524288

NW = 32
EW = NE_ // NW
CH = 128
NCH = EW // CH
SEL_W = N_SEL_ // NW
ACC_SLICE = N_SEL_ // 16
NBUF = 2
IB = 32
NB = NCH // IB


def _sc_body(ne_hbm, nr_hbm, off_hbm, sel_hbm, et_hbm, rt_hbm,
             pe_hbm, pr_hbm, rows_out_hbm,
             off_win, seg_v, idxb, headA, headB, idx1_v, rows0, rows1,
             acc_sh, tab_sh,
             sg0, sg1, ss0, ss1):
    cid = lax.axis_index("c")
    sid = lax.axis_index("s")
    wid = cid * 16 + sid
    e_lo = wid * EW
    rows_b = (rows0, rows1)
    head_b = (headA, headB)
    sem_g = (sg0, sg1)
    sem_s = (ss0, ss1)

    def drain(sem, ref):
        pltpu.make_async_copy(et_hbm.at[pl.ds(0, CH)], ref, sem).wait()

    @pl.when(sid < 7)
    def _():
        pltpu.sync_copy(rt_hbm.at[pl.ds(sid * 128, 128)],
                        tab_sh.at[pl.ds(sid * 128, 128)])

    @pl.when(sid == 7)
    def _():
        pltpu.sync_copy(rt_hbm.at[pl.ds(7 * 128, N_REL_ - 7 * 128)],
                        tab_sh.at[pl.ds(7 * 128, N_REL_ - 7 * 128)])

    b0 = wid * SEL_W
    pltpu.sync_copy(sel_hbm.at[pl.ds(b0, CH)], idx1_v)
    pltpu.async_copy(et_hbm.at[idx1_v], rows1, sem_g[1])

    zf = jnp.zeros((16,), jnp.float32)

    @pl.loop(0, CH)
    def _(i):
        for c8 in range(8):
            rows0[i, pl.ds(c8 * 16, 16)] = zf

    for q in range(ACC_SLICE // CH):
        pltpu.sync_copy(rows0,
                        acc_sh.at[pl.ds(sid * ACC_SLICE + q * CH, CH)])

    drain(sem_g[1], rows1)
    pltpu.sync_copy(rows1, rows_out_hbm.at[pl.ds(b0, CH)])
    pltpu.sync_copy(sel_hbm.at[pl.ds(b0 + CH, CH)], idx1_v)
    pltpu.async_copy(et_hbm.at[idx1_v], rows1, sem_g[1])

    zi = jnp.zeros((16,), jnp.int32)

    @pl.loop(0, NCH)
    def _(i):
        for c8 in range(8):
            seg_v[i, pl.ds(c8 * 16, 16)] = zi

    ones = jnp.full((16,), 1, jnp.int32)
    OWIN = 512

    def win_body(w, bcnt0):
        pltpu.sync_copy(off_hbm.at[pl.ds(w * OWIN, OWIN)], off_win)

        def mk_body(k, bcnt):
            offv = off_win[pl.ds(k * 16, 16)]
            inside = jnp.logical_and(offv > e_lo, offv < e_lo + EW)
            p = offv - e_lo
            prow = p // CH
            pcol = p - prow * CH
            plsc.addupdate_scatter(seg_v, [prow, pcol], ones, mask=inside)
            return bcnt + jnp.where(offv <= e_lo, 1, 0)

        return pl.loop(0, OWIN // 16, init_carry=bcnt0)(mk_body)

    bcnt = pl.loop(0, N_SEL_ // OWIN,
                   init_carry=jnp.zeros((16,), jnp.int32))(win_body)
    base = jnp.sum(bcnt) - 1

    def cs_body(i, carry):
        for c8 in range(8):
            v = seg_v[i, pl.ds(c8 * 16, 16)]
            c = plsc.cumsum(v) + carry
            seg_v[i, pl.ds(c8 * 16, 16)] = c + base
            carry = c[15]
        return carry

    pl.loop(0, NCH, init_carry=jnp.int32(0))(cs_body)

    drain(sem_g[1], rows1)
    pltpu.sync_copy(rows1, rows_out_hbm.at[pl.ds(b0 + CH, CH)])

    plsc.subcore_barrier()

    def pipe_pass(src_ref, idx2_hbm):
        base = wid * EW
        for S in range(NB):
            pltpu.sync_copy(idx2_hbm.at[pl.ds(base + S * IB * CH, IB * CH)],
                            idxb)
            if S + 1 < NB:
                pltpu.sync_copy(
                    idx2_hbm.at[pl.ds(base + (S + 1) * IB * CH, CH)],
                    head_b[(S + 1) % 2])
            if S == 0:
                pltpu.async_copy(src_ref.at[idxb.at[pl.ds(0, CH)]],
                                 rows_b[0], sem_g[0])

            @pl.loop(0, IB // 2 - 1)
            def _(q):
                for b in range(2):
                    c = q * 2 + b
                    ci = S * IB + c
                    bj = 1 - b
                    drain(sem_g[b], rows_b[b])
                    pltpu.async_copy(rows_b[b], acc_sh.at[seg_v.at[ci]],
                                     sem_s[b], add=True)
                    if S == 0:
                        @pl.when(ci >= 1)
                        def _():
                            drain(sem_s[bj], rows_b[bj])
                    else:
                        drain(sem_s[bj], rows_b[bj])
                    pltpu.async_copy(src_ref.at[idxb.at[pl.ds((c + 1) * CH,
                                                              CH)]],
                                     rows_b[bj], sem_g[bj])

            for c in (IB - 2, IB - 1):
                b = c % 2
                bj = 1 - b
                ci = S * IB + c
                drain(sem_g[b], rows_b[b])
                pltpu.async_copy(rows_b[b], acc_sh.at[seg_v.at[ci]],
                                 sem_s[b], add=True)
                if c == IB - 2:
                    drain(sem_s[bj], rows_b[bj])
                    pltpu.async_copy(
                        src_ref.at[idxb.at[pl.ds((IB - 1) * CH, CH)]],
                        rows_b[bj], sem_g[bj])
                elif S + 1 < NB:
                    drain(sem_s[bj], rows_b[bj])
                    pltpu.async_copy(src_ref.at[head_b[(S + 1) % 2]],
                                     rows_b[bj], sem_g[bj])

        for b in range(2):
            drain(sem_s[b], rows_b[b])

    pipe_pass(et_hbm, ne_hbm)

    plsc.subcore_barrier()
    o = cid * N_SEL_ + sid * ACC_SLICE
    pltpu.sync_copy(acc_sh.at[pl.ds(sid * ACC_SLICE, ACC_SLICE)],
                    pe_hbm.at[pl.ds(o, ACC_SLICE)])

    @pl.loop(0, CH)
    def _(i):
        for c8 in range(8):
            rows0[i, pl.ds(c8 * 16, 16)] = zf

    for q in range(ACC_SLICE // CH):
        pltpu.sync_copy(rows0,
                        acc_sh.at[pl.ds(sid * ACC_SLICE + q * CH, CH)])
    plsc.subcore_barrier()

    pipe_pass(tab_sh, nr_hbm)

    plsc.subcore_barrier()
    pltpu.sync_copy(acc_sh.at[pl.ds(sid * ACC_SLICE, ACC_SLICE)],
                    pr_hbm.at[pl.ds(o, ACC_SLICE)])


def _sc_bags(neighbor_entities, neighbor_relations, offsets, entities,
             entity_table, relation_table):
    f32 = jnp.float32
    mesh = plsc.VectorSubcoreMesh(core_axis_name="c", subcore_axis_name="s")
    out_type = (jax.ShapeDtypeStruct((2 * N_SEL_, D_), f32),
                jax.ShapeDtypeStruct((2 * N_SEL_, D_), f32),
                jax.ShapeDtypeStruct((N_SEL_, D_), f32))
    scratch = [
        pltpu.VMEM((512,), jnp.int32),
        pltpu.VMEM((NCH, CH), jnp.int32),
        pltpu.VMEM((IB * CH,), jnp.int32),
        pltpu.VMEM((CH,), jnp.int32),
        pltpu.VMEM((CH,), jnp.int32),
        pltpu.VMEM((CH,), jnp.int32),
        pltpu.VMEM((CH, D_), f32),
        pltpu.VMEM((CH, D_), f32),
        pltpu.VMEM_SHARED((N_SEL_, D_), f32),
        pltpu.VMEM_SHARED((N_REL_, D_), f32),
        pltpu.SemaphoreType.DMA,
        pltpu.SemaphoreType.DMA,
        pltpu.SemaphoreType.DMA,
        pltpu.SemaphoreType.DMA,
    ]
    return pl.kernel(
        _sc_body, out_type=out_type, mesh=mesh, scratch_types=scratch,
        compiler_params=pltpu.CompilerParams(needs_layout_passes=False))(
        neighbor_entities, neighbor_relations, offsets, entities,
        entity_table, relation_table)


def _tc_node_body(r_ref, pe0_ref, pe1_ref, pr0_ref, pr1_ref,
                  off0_ref, off1_ref, wtT_ref, wnaT_ref, wnbT_ref,
                  bsum_ref, out_ref):
    cnt = (off1_ref[...] - off0_ref[...]).astype(jnp.float32)
    inv = 1.0 / jnp.maximum(cnt, 1.0)
    mean_e = (pe0_ref[...] + pe1_ref[...]) * inv
    mean_r = (pr0_ref[...] + pr1_ref[...]) * inv
    acc = jnp.dot(r_ref[...], wtT_ref[...],
                  preferred_element_type=jnp.float32)
    acc += jnp.dot(mean_e, wnaT_ref[...], preferred_element_type=jnp.float32)
    acc += jnp.dot(mean_r, wnbT_ref[...], preferred_element_type=jnp.float32)
    out_ref[...] = jnp.maximum(acc + bsum_ref[...], 0.0)


def _tc_pair_body(node_ref, wrT_ref, wpT_ref, br_ref, bpp_ref, out_ref):
    pair = jnp.dot(node_ref[...], wrT_ref[...],
                   preferred_element_type=jnp.float32) + br_ref[...]
    pair = jnp.maximum(pair, 0.0)
    out_ref[...] = jnp.dot(pair, wpT_ref[...],
                           preferred_element_type=jnp.float32) + bpp_ref[...]


def kernel(entities, neighbor_entities, neighbor_relations, offsets,
           entity_table, relation_table, Wn, bn, Wt, bt, Wr, br, Wp, bp):
    f32 = jnp.float32

    part_e, part_r, rows = _sc_bags(neighbor_entities, neighbor_relations,
                                    offsets, entities,
                                    entity_table, relation_table)

    offsets_ext = jnp.concatenate([offsets, jnp.full((8,), NE_, jnp.int32)])
    off0 = offsets_ext[:N_SEL_, None]
    off1 = offsets_ext[1:N_SEL_ + 1, None]
    wtT = Wt.T
    wnaT = Wn[:, :D_].T
    wnbT = Wn[:, D_:].T
    bsum = (bt + bn)[None, :]

    node = pl.pallas_call(
        _tc_node_body,
        out_shape=jax.ShapeDtypeStruct((N_SEL_, H_), f32),
    )(rows, part_e[:N_SEL_], part_e[N_SEL_:], part_r[:N_SEL_],
      part_r[N_SEL_:], off0, off1, wtT, wnaT, wnbT, bsum)

    node2 = node.reshape(N_SEL_ // 2, 2 * H_)
    wrT = Wr.T
    wpT = Wp.T
    bpp = bp[None, :]

    return pl.pallas_call(
        _tc_pair_body,
        out_shape=jax.ShapeDtypeStruct((N_SEL_ // 2, N_REL_ - 1), f32),
    )(node2, wrT, wpT, br[None, :], bpp)

# --- scband reference (transcript-rebuilt; emitter-appended) ---
"""Pipeline reference for scband-summary-27178553049428 (READ-ONLY COPY).

The authoritative reference and input builder live on the scoring server;
editing this copy changes nothing except your own understanding.
"""

import jax, jax.numpy as jnp
import numpy as np

N_ENT = 100000
N_REL = 1000
D = 128
H = 128
N_SEL = 8192
NE = 524288


def _segment_mean(vals, seg, num):
    s = jax.ops.segment_sum(vals, seg, num_segments=num)
    c = jax.ops.segment_sum(jnp.ones((vals.shape[0],), vals.dtype), seg, num_segments=num)
    return s / jnp.maximum(c, 1.0)[:, None]


def setup_inputs(seed: int = 0):
    key = jax.random.key(seed)
    ks = jax.random.split(key, 10)
    entities = jax.random.randint(ks[0], (N_SEL,), 0, N_ENT, dtype=jnp.int32)
    neighbor_entities = jax.random.randint(ks[1], (NE,), 0, N_ENT, dtype=jnp.int32)
    neighbor_relations = jax.random.randint(ks[2], (NE,), 0, N_REL, dtype=jnp.int32)
    offsets = jnp.sort(jax.random.randint(ks[3], (N_SEL,), 0, NE, dtype=jnp.int32))
    offsets = offsets.at[0].set(0)
    entity_table = jax.random.normal(ks[4], (N_ENT, D), dtype=jnp.float32) * 0.02
    relation_table = jax.random.normal(ks[5], (N_REL, D), dtype=jnp.float32) * 0.02
    Wn = jax.random.normal(ks[6], (H, 2 * D), dtype=jnp.float32) * (1.0 / np.sqrt(2 * D))
    bn = jnp.zeros((H,), jnp.float32)
    Wt = jax.random.normal(ks[7], (H, D), dtype=jnp.float32) * (1.0 / np.sqrt(D))
    bt = jnp.zeros((H,), jnp.float32)
    Wr = jax.random.normal(ks[8], (H, 2 * H), dtype=jnp.float32) * (1.0 / np.sqrt(2 * H))
    br = jnp.zeros((H,), jnp.float32)
    Wp = jax.random.normal(ks[9], (N_REL - 1, H), dtype=jnp.float32) * (1.0 / np.sqrt(H))
    bp = jnp.zeros((N_REL - 1,), jnp.float32)
    return {
        "entities": entities,
        "neighbor_entities": neighbor_entities,
        "neighbor_relations": neighbor_relations,
        "offsets": offsets,
        "entity_table": entity_table,
        "relation_table": relation_table,
        "Wn": Wn, "bn": bn,
        "Wt": Wt, "bt": bt,
        "Wr": Wr, "br": br,
        "Wp": Wp, "bp": bp,
    }


def reference(entities, neighbor_entities, neighbor_relations, offsets,
              entity_table, relation_table, Wn, bn, Wt, bt, Wr, br, Wp, bp):
    # transform_layer on gathered entity embeddings
    e = jnp.take(entity_table, entities, axis=0)
    e = e @ Wt.T + bt
    # embedding_bag (mode='mean') over variable-length neighbor bags defined by offsets
    seg = jnp.clip(jnp.searchsorted(offsets, jnp.arange(NE), side="right") - 1, 0, N_SEL - 1)
    nbr_e = _segment_mean(jnp.take(entity_table, neighbor_entities, axis=0), seg, N_SEL)
    nbr_r = _segment_mean(jnp.take(relation_table, neighbor_relations, axis=0), seg, N_SEL)
    # neighbor_layer on concat(entity_bag, relation_bag)
    nbr = jnp.concatenate([nbr_e, nbr_r], axis=-1) @ Wn.T + bn
    node = jax.nn.relu(e + nbr)
    # pair of entities per support pair -> view(batch, 2*H)
    node = node.reshape(N_SEL // 2, 2 * H)
    pair = jax.nn.relu(node @ Wr.T + br)
    # predict=True path
    scores = pair @ Wp.T + bp
    return scores

if __name__ == "__main__":
    import jax
    _d = setup_inputs()
    print(jax.jit(kernel)(*tuple(_d.values())))

</pallas_src>

<mosaic_0001>
#map = affine_map<(d0, d1) -> (0)>
#map1 = affine_map<(d0, d1) -> (0, 0)>
module attributes {stable_mosaic.version = 14 : i64} {
  func.func @_sc_body(%arg0: i32, %arg1: i32, %arg2: memref<524288xi32, #tpu.memory_space<hbm>>, %arg3: memref<524288xi32, #tpu.memory_space<hbm>>, %arg4: memref<8192xi32, #tpu.memory_space<hbm>>, %arg5: memref<8192xi32, #tpu.memory_space<hbm>>, %arg6: memref<100000x128xf32, #tpu.memory_space<hbm>>, %arg7: memref<1000x128xf32, #tpu.memory_space<hbm>>, %arg8: memref<16384x128xf32, #tpu.memory_space<hbm>>, %arg9: memref<16384x128xf32, #tpu.memory_space<hbm>>, %arg10: memref<8192x128xf32, #tpu.memory_space<hbm>>, %arg11: memref<512xi32, #tpu.memory_space<vmem>>, %arg12: memref<128x128xi32, #tpu.memory_space<vmem>>, %arg13: memref<4096xi32, #tpu.memory_space<vmem>>, %arg14: memref<128xi32, #tpu.memory_space<vmem>>, %arg15: memref<128xi32, #tpu.memory_space<vmem>>, %arg16: memref<128xi32, #tpu.memory_space<vmem>>, %arg17: memref<128x128xf32, #tpu.memory_space<vmem>>, %arg18: memref<128x128xf32, #tpu.memory_space<vmem>>, %arg19: memref<8192x128xf32, #tpu.memory_space<vmem_shared>>, %arg20: memref<1000x128xf32, #tpu.memory_space<vmem_shared>>, %arg21: memref<!tpu.dma_semaphore, #tpu.memory_space<semaphore_mem>>, %arg22: memref<!tpu.dma_semaphore, #tpu.memory_space<semaphore_mem>>, %arg23: memref<!tpu.dma_semaphore, #tpu.memory_space<semaphore_mem>>, %arg24: memref<!tpu.dma_semaphore, #tpu.memory_space<semaphore_mem>>) attributes {dimension_semantics = [#tpu.dimension_semantics<core_parallel>, #tpu.dimension_semantics<subcore_parallel>], iteration_bounds = array<i64: 2, 16>, scalar_prefetch = 0 : i64, scratch_operands = 14 : i64, tpu.core_type = #tpu.core_type<sc_vector_subcore>, window_params = [{transform_indices = #map}, {transform_indices = #map}, {transform_indices = #map}, {transform_indices = #map}, {transform_indices = #map1}, {transform_indices = #map1}, {transform_indices = #map1}, {transform_indices = #map1}, {transform_indices = #map1}]} {
    %mul3A = arith.constant 16 : i32
    %mul3A_0 = arith.muli %arg0, %mul3A : i32
    %add3A = arith.addi %mul3A_0, %arg1 : i32
    %mul3A_1 = arith.constant 16384 : i32
    %mul3A_2 = arith.muli %add3A, %mul3A_1 : i32
    %lt3A = arith.constant 7 : i32
    %lt3A_3 = arith.cmpi slt, %arg1, %lt3A : i32
    %convert_element_type3A = arith.extui %lt3A_3 : i1 to i32
    %cond3A = arith.constant 0 : i32
    %cond3A_4 = arith.cmpi ne, %convert_element_type3A, %cond3A : i32
    scf.if %cond3A_4 {
      %mul3A_569 = arith.constant 128 : i32
      %mul3A_570 = arith.muli %arg1, %mul3A_569 : i32
      %mul3A_571 = arith.constant 128 : i32
      %mul3A_572 = arith.muli %arg1, %mul3A_571 : i32
      "tpu.region"() ({
        %run_scoped3A = tpu.sem_alloc : memref<!tpu.dma_semaphore, #tpu.memory_space<semaphore_mem>>
        %dma_start3A_573 = arith.constant 0 : i32
        %dma_start3A_574 = tpu.memref_slice %arg20[%mul3A_572, %dma_start3A_573] : memref<1000x128xf32, #tpu.memory_space<vmem_shared>> -> memref<128x128xf32, #tpu.memory_space<vmem_shared>>
        %dma_start3A_575 = arith.constant 0 : i32
        %dma_start3A_576 = tpu.memref_slice %arg7[%mul3A_570, %dma_start3A_575] : memref<1000x128xf32, #tpu.memory_space<hbm>> -> memref<128x128xf32, #tpu.memory_space<hbm>>
        tpu.enqueue_dma source(%dma_start3A_576 : memref<128x128xf32, #tpu.memory_space<hbm>>) target(%dma_start3A_574 : memref<128x128xf32, #tpu.memory_space<vmem_shared>>) target_semaphore(%run_scoped3A : memref<!tpu.dma_semaphore, #tpu.memory_space<semaphore_mem>>)
        %dma_wait3A_577 = arith.constant 0 : i32
        %dma_wait3A_578 = tpu.memref_slice %arg20[%mul3A_572, %dma_wait3A_577] : memref<1000x128xf32, #tpu.memory_space<vmem_shared>> -> memref<128x128xf32, #tpu.memory_space<vmem_shared>>
        %dma_wait3A_579 = arith.constant 0 : i32
        %dma_wait3A_580 = tpu.memref_slice %arg7[%mul3A_570, %dma_wait3A_579] : memref<1000x128xf32, #tpu.memory_space<hbm>> -> memref<128x128xf32, #tpu.memory_space<hbm>>
        tpu.wait_dma2 semaphore(%run_scoped3A : memref<!tpu.dma_semaphore, #tpu.memory_space<semaphore_mem>>) src(%dma_wait3A_580 : memref<128x128xf32, #tpu.memory_space<hbm>>) dst(%dma_wait3A_578 : memref<128x128xf32, #tpu.memory_space<vmem_shared>>)
        tpu.yield
      }) : () -> ()
    } else {
    }
    %eq3A = arith.constant 7 : i32
    %eq3A_5 = arith.cmpi eq, %arg1, %eq3A : i32
    %convert_element_type3A_6 = arith.extui %eq3A_5 : i1 to i32
    %cond3A_7 = arith.constant 0 : i32
    %cond3A_8 = arith.cmpi ne, %convert_element_type3A_6, %cond3A_7 : i32
    scf.if %cond3A_8 {
      "tpu.region"() ({
        %run_scoped3A = tpu.sem_alloc : memref<!tpu.dma_semaphore, #tpu.memory_space<semaphore_mem>>
        %dma_start3A_569 = arith.constant 896 : i32
        %dma_start3A_570 = arith.constant 0 : i32
        %dma_start3A_571 = tpu.memref_slice %arg20[%dma_start3A_569, %dma_start3A_570] : memref<1000x128xf32, #tpu.memory_space<vmem_shared>> -> memref<104x128xf32, #tpu.memory_space<vmem_shared>>
        %dma_start3A_572 = arith.constant 896 : i32
        %dma_start3A_573 = arith.constant 0 : i32
        %dma_start3A_574 = tpu.memref_slice %arg7[%dma_start3A_572, %dma_start3A_573] : memref<1000x128xf32, #tpu.memory_space<hbm>> -> memref<104x128xf32, #tpu.memory_space<hbm>>
        tpu.enqueue_dma source(%dma_start3A_574 : memref<104x128xf32, #tpu.memory_space<hbm>>) target(%dma_start3A_571 : memref<104x128xf32, #tpu.memory_space<vmem_shared>>) target_semaphore(%run_scoped3A : memref<!tpu.dma_semaphore, #tpu.memory_space<semaphore_mem>>)
        %dma_wait3A_575 = arith.constant 896 : i32
        %dma_wait3A_576 = arith.constant 0 : i32
        %dma_wait3A_577 = tpu.memref_slice %arg20[%dma_wait3A_575, %dma_wait3A_576] : memref<1000x128xf32, #tpu.memory_space<vmem_shared>> -> memref<104x128xf32, #tpu.memory_space<vmem_shared>>
        %dma_wait3A_578 = arith.constant 896 : i32
        %dma_wait3A_579 = arith.constant 0 : i32
        %dma_wait3A_580 = tpu.memref_slice %arg7[%dma_wait3A_578, %dma_wait3A_579] : memref<1000x128xf32, #tpu.memory_space<hbm>> -> memref<104x128xf32, #tpu.memory_space<hbm>>
        tpu.wait_dma2 semaphore(%run_scoped3A : memref<!tpu.dma_semaphore, #tpu.memory_space<semaphore_mem>>) src(%dma_wait3A_580 : memref<104x128xf32, #tpu.memory_space<hbm>>) dst(%dma_wait3A_577 : memref<104x128xf32, #tpu.memory_space<vmem_shared>>)
        tpu.yield
      }) : () -> ()
    } else {
    }
    %mul3A_9 = arith.constant 256 : i32
    %mul3A_10 = arith.muli %add3A, %mul3A_9 : i32
    "tpu.region"() ({
      %run_scoped3A = tpu.sem_alloc : memref<!tpu.dma_semaphore, #tpu.memory_space<semaphore_mem>>
      %dma_start3A_569 = tpu.memref_slice %arg5[%mul3A_10] : memref<8192xi32, #tpu.memory_space<hbm>> -> memref<128xi32, #tpu.memory_space<hbm>>
      %dma_start3A_570 = tpu.memref_slice %arg5[%mul3A_10] : memref<8192xi32, #tpu.memory_space<hbm>> -> memref<128xi32, #tpu.memory_space<hbm>>
      tpu.enqueue_dma source(%dma_start3A_570 : memref<128xi32, #tpu.memory_space<hbm>>) target(%arg16 : memref<128xi32, #tpu.memory_space<vmem>>) target_semaphore(%run_scoped3A : memref<!tpu.dma_semaphore, #tpu.memory_space<semaphore_mem>>)
      %dma_wait3A_571 = tpu.memref_slice %arg5[%mul3A_10] : memref<8192xi32, #tpu.memory_space<hbm>> -> memref<128xi32, #tpu.memory_space<hbm>>
      %dma_wait3A_572 = tpu.memref_slice %arg5[%mul3A_10] : memref<8192xi32, #tpu.memory_space<hbm>> -> memref<128xi32, #tpu.memory_space<hbm>>
      tpu.wait_dma2 semaphore(%run_scoped3A : memref<!tpu.dma_semaphore, #tpu.memory_space<semaphore_mem>>) src(%dma_wait3A_572 : memref<128xi32, #tpu.memory_space<hbm>>) dst(%arg16 : memref<128xi32, #tpu.memory_space<vmem>>)
      tpu.yield
    }) : () -> ()
    %dma_start3A = arith.constant 0 : i32
    %dma_start3A_11 = arith.constant 0 : i32
    %dma_start3A_12 = tpu.memref_slice %arg6[%dma_start3A, %dma_start3A_11] : memref<100000x128xf32, #tpu.memory_space<hbm>> -> memref<100000x128xf32, #tpu.memory_space<hbm>>
    tpu.enqueue_indirect_dma source(%dma_start3A_12 : memref<100000x128xf32, #tpu.memory_space<hbm>>) target(%arg18 : memref<128x128xf32, #tpu.memory_space<vmem>>) offsets(%arg16 : memref<128xi32, #tpu.memory_space<vmem>>) semaphore(%arg22 : memref<!tpu.dma_semaphore, #tpu.memory_space<semaphore_mem>>)
    %broadcast_in_dim3A = arith.constant 0.000000e+00 : f32
    %broadcast_in_dim3A_13 = vector.broadcast %broadcast_in_dim3A : f32 to vector<16xf32>
    %scan3A = arith.constant 0 : i32
    %scan3A_14 = arith.constant 128 : i32
    %scan3A_15 = arith.addi %scan3A, %scan3A_14 : i32
    %scan3A_16 = arith.constant 1 : i32
    scf.for %scan3A_569 = %scan3A to %scan3A_15 step %scan3A_16  : i32 {
      %mul3A_570 = arith.constant 1 : i32
      %mul3A_571 = arith.muli %scan3A_569, %mul3A_570 : i32
      %add3A_572 = arith.constant 0 : i32
      %add3A_573 = arith.addi %add3A_572, %mul3A_571 : i32
      %swap3A = arith.index_cast %add3A_573 : i32 to index
      %swap3A_574 = arith.constant 0 : index
      %swap3A_575 = tpu.vector_load %arg17[%swap3A, %swap3A_574] {strides = array<i32>} : memref<128x128xf32, #tpu.memory_space<vmem>>, vector<16xf32>,
      tpu.vector_store %arg17[%swap3A, %swap3A_574], %broadcast_in_dim3A_13 {strides = array<i32>} : memref<128x128xf32, #tpu.memory_space<vmem>>, vector<16xf32>,
      %swap3A_576 = arith.index_cast %add3A_573 : i32 to index
      %swap3A_577 = arith.constant 16 : index
      %swap3A_578 = tpu.vector_load %arg17[%swap3A_576, %swap3A_577] {strides = array<i32>} : memref<128x128xf32, #tpu.memory_space<vmem>>, vector<16xf32>,
      tpu.vector_store %arg17[%swap3A_576, %swap3A_577], %broadcast_in_dim3A_13 {strides = array<i32>} : memref<128x128xf32, #tpu.memory_space<vmem>>, vector<16xf32>,
      %swap3A_579 = arith.index_cast %add3A_573 : i32 to index
      %swap3A_580 = arith.constant 32 : index
      %swap3A_581 = tpu.vector_load %arg17[%swap3A_579, %swap3A_580] {strides = array<i32>} : memref<128x128xf32, #tpu.memory_space<vmem>>, vector<16xf32>,
      tpu.vector_store %arg17[%swap3A_579, %swap3A_580], %broadcast_in_dim3A_13 {strides = array<i32>} : memref<128x128xf32, #tpu.memory_space<vmem>>, vector<16xf32>,
      %swap3A_582 = arith.index_cast %add3A_573 : i32 to index
      %swap3A_583 = arith.constant 48 : index
      %swap3A_584 = tpu.vector_load %arg17[%swap3A_582, %swap3A_583] {strides = array<i32>} : memref<128x128xf32, #tpu.memory_space<vmem>>, vector<16xf32>,
      tpu.vector_store %arg17[%swap3A_582, %swap3A_583], %broadcast_in_dim3A_13 {strides = array<i32>} : memref<128x128xf32, #tpu.memory_space<vmem>>, vector<16xf32>,
      %swap3A_585 = arith.index_cast %add3A_573 : i32 to index
      %swap3A_586 = arith.constant 64 : index
      %swap3A_587 = tpu.vector_load %arg17[%swap3A_585, %swap3A_586] {strides = array<i32>} : memref<128x128xf32, #tpu.memory_space<vmem>>, vector<16xf32>,
      tpu.vector_store %arg17[%swap3A_585, %swap3A_586], %broadcast_in_dim3A_13 {strides = array<i32>} : memref<128x128xf32, #tpu.memory_space<vmem>>, vector<16xf32>,
      %swap3A_588 = arith.index_cast %add3A_573 : i32 to index
      %swap3A_589 = arith.constant 80 : index
      %swap3A_590 = tpu.vector_load %arg17[%swap3A_588, %swap3A_589] {strides = array<i32>} : memref<128x128xf32, #tpu.memory_space<vmem>>, vector<16xf32>,
      tpu.vector_store %arg17[%swap3A_588, %swap3A_589], %broadcast_in_dim3A_13 {strides = array<i32>} : memref<128x128xf32, #tpu.memory_space<vmem>>, vector<16xf32>,
      %swap3A_591 = arith.index_cast %add3A_573 : i32 to index
      %swap3A_592 = arith.constant 96 : index
      %swap3A_593 = tpu.vector_load %arg17[%swap3A_591, %swap3A_592] {strides = array<i32>} : memref<128x128xf32, #tpu.memory_space<vmem>>, vector<16xf32>,
      tpu.vector_store %arg17[%swap3A_591, %swap3A_592], %broadcast_in_dim3A_13 {strides = array<i32>} : memref<128x128xf32, #tpu.memory_space<vmem>>, vector<16xf32>,
      %swap3A_594 = arith.index_cast %add3A_573 : i32 to index
      %swap3A_595 = arith.constant 112 : index
      %swap3A_596 = tpu.vector_load %arg17[%swap3A_594, %swap3A_595] {strides = array<i32>} : memref<128x128xf32, #tpu.memory_space<vmem>>, vector<16xf32>,
      tpu.vector_store %arg17[%swap3A_594, %swap3A_595], %broadcast_in_dim3A_13 {strides = array<i32>} : memref<128x128xf32, #tpu.memory_space<vmem>>, vector<16xf32>,
    }
    %scan3A_17 = arith.constant 128 : i32
    %mul3A_18 = arith.constant 512 : i32
    %mul3A_19 = arith.muli %arg1, %mul3A_18 : i32
    %add3A_20 = arith.constant 0 : i32
    %add3A_21 = arith.addi %mul3A_19, %add3A_20 : i32
    "tpu.region"() ({
      %run_scoped3A = tpu.sem_alloc : memref<!tpu.dma_semaphore, #tpu.memory_space<semaphore_mem>>
      %dma_start3A_569 = arith.constant 0 : i32
      %dma_start3A_570 = tpu.memref_slice %arg19[%add3A_21, %dma_start3A_569] : memref<8192x128xf32, #tpu.memory_space<vmem_shared>> -> memref<128x128xf32, #tpu.memory_space<vmem_shared>>
      %dma_start3A_571 = arith.constant 0 : i32
      %dma_start3A_572 = tpu.memref_slice %arg19[%add3A_21, %dma_start3A_571] : memref<8192x128xf32, #tpu.memory_space<vmem_shared>> -> memref<128x128xf32, #tpu.memory_space<vmem_shared>>
      tpu.enqueue_dma source(%arg17 : memref<128x128xf32, #tpu.memory_space<vmem>>) target(%dma_start3A_572 : memref<128x128xf32, #tpu.memory_space<vmem_shared>>) target_semaphore(%run_scoped3A : memref<!tpu.dma_semaphore, #tpu.memory_space<semaphore_mem>>)
      %dma_wait3A_573 = arith.constant 0 : i32
      %dma_wait3A_574 = tpu.memref_slice %arg19[%add3A_21, %dma_wait3A_573] : memref<8192x128xf32, #tpu.memory_space<vmem_shared>> -> memref<128x128xf32, #tpu.memory_space<vmem_shared>>
      %dma_wait3A_575 = arith.constant 0 : i32
      %dma_wait3A_576 = tpu.memref_slice %arg19[%add3A_21, %dma_wait3A_575] : memref<8192x128xf32, #tpu.memory_space<vmem_shared>> -> memref<128x128xf32, #tpu.memory_space<vmem_shared>>
      tpu.wait_dma2 semaphore(%run_scoped3A : memref<!tpu.dma_semaphore, #tpu.memory_space<semaphore_mem>>) src(%arg17 : memref<128x128xf32, #tpu.memory_space<vmem>>) dst(%dma_wait3A_576 : memref<128x128xf32, #tpu.memory_space<vmem_shared>>)
      tpu.yield
    }) : () -> ()
    %mul3A_22 = arith.constant 512 : i32
    %mul3A_23 = arith.muli %arg1, %mul3A_22 : i32
    %add3A_24 = arith.constant 128 : i32
    %add3A_25 = arith.addi %mul3A_23, %add3A_24 : i32
    "tpu.region"() ({
      %run_scoped3A = tpu.sem_alloc : memref<!tpu.dma_semaphore, #tpu.memory_space<semaphore_mem>>
      %dma_start3A_569 = arith.constant 0 : i32
      %dma_start3A_570 = tpu.memref_slice %arg19[%add3A_25, %dma_start3A_569] : memref<8192x128xf32, #tpu.memory_space<vmem_shared>> -> memref<128x128xf32, #tpu.memory_space<vmem_shared>>
      %dma_start3A_571 = arith.constant 0 : i32
      %dma_start3A_572 = tpu.memref_slice %arg19[%add3A_25, %dma_start3A_571] : memref<8192x128xf32, #tpu.memory_space<vmem_shared>> -> memref<128x128xf32, #tpu.memory_space<vmem_shared>>
      tpu.enqueue_dma source(%arg17 : memref<128x128xf32, #tpu.memory_space<vmem>>) target(%dma_start3A_572 : memref<128x128xf32, #tpu.memory_space<vmem_shared>>) target_semaphore(%run_scoped3A : memref<!tpu.dma_semaphore, #tpu.memory_space<semaphore_mem>>)
      %dma_wait3A_573 = arith.constant 0 : i32
      %dma_wait3A_574 = tpu.memref_slice %arg19[%add3A_25, %dma_wait3A_573] : memref<8192x128xf32, #tpu.memory_space<vmem_shared>> -> memref<128x128xf32, #tpu.memory_space<vmem_shared>>
      %dma_wait3A_575 = arith.constant 0 : i32
      %dma_wait3A_576 = tpu.memref_slice %arg19[%add3A_25, %dma_wait3A_575] : memref<8192x128xf32, #tpu.memory_space<vmem_shared>> -> memref<128x128xf32, #tpu.memory_space<vmem_shared>>
      tpu.wait_dma2 semaphore(%run_scoped3A : memref<!tpu.dma_semaphore, #tpu.memory_space<semaphore_mem>>) src(%arg17 : memref<128x128xf32, #tpu.memory_space<vmem>>) dst(%dma_wait3A_576 : memref<128x128xf32, #tpu.memory_space<vmem_shared>>)
      tpu.yield
    }) : () -> ()
    %mul3A_26 = arith.constant 512 : i32
    %mul3A_27 = arith.muli %arg1, %mul3A_26 : i32
    %add3A_28 = arith.constant 256 : i32
    %add3A_29 = arith.addi %mul3A_27, %add3A_28 : i32
    "tpu.region"() ({
      %run_scoped3A = tpu.sem_alloc : memref<!tpu.dma_semaphore, #tpu.memory_space<semaphore_mem>>
      %dma_start3A_569 = arith.constant 0 : i32
      %dma_start3A_570 = tpu.memref_slice %arg19[%add3A_29, %dma_start3A_569] : memref<8192x128xf32, #tpu.memory_space<vmem_shared>> -> memref<128x128xf32, #tpu.memory_space<vmem_shared>>
      %dma_start3A_571 = arith.constant 0 : i32
      %dma_start3A_572 = tpu.memref_slice %arg19[%add3A_29, %dma_start3A_571] : memref<8192x128xf32, #tpu.memory_space<vmem_shared>> -> memref<128x128xf32, #tpu.memory_space<vmem_shared>>
      tpu.enqueue_dma source(%arg17 : memref<128x128xf32, #tpu.memory_space<vmem>>) target(%dma_start3A_572 : memref<128x128xf32, #tpu.memory_space<vmem_shared>>) target_semaphore(%run_scoped3A : memref<!tpu.dma_semaphore, #tpu.memory_space<semaphore_mem>>)
      %dma_wait3A_573 = arith.constant 0 : i32
      %dma_wait3A_574 = tpu.memref_slice %arg19[%add3A_29, %dma_wait3A_573] : memref<8192x128xf32, #tpu.memory_space<vmem_shared>> -> memref<128x128xf32, #tpu.memory_space<vmem_shared>>
      %dma_wait3A_575 = arith.constant 0 : i32
      %dma_wait3A_576 = tpu.memref_slice %arg19[%add3A_29, %dma_wait3A_575] : memref<8192x128xf32, #tpu.memory_space<vmem_shared>> -> memref<128x128xf32, #tpu.memory_space<vmem_shared>>
      tpu.wait_dma2 semaphore(%run_scoped3A : memref<!tpu.dma_semaphore, #tpu.memory_space<semaphore_mem>>) src(%arg17 : memref<128x128xf32, #tpu.memory_space<vmem>>) dst(%dma_wait3A_576 : memref<128x128xf32, #tpu.memory_space<vmem_shared>>)
      tpu.yield
    }) : () -> ()
    %mul3A_30 = arith.constant 512 : i32
    %mul3A_31 = arith.muli %arg1, %mul3A_30 : i32
    %add3A_32 = arith.constant 384 : i32
    %add3A_33 = arith.addi %mul3A_31, %add3A_32 : i32
    "tpu.region"() ({
      %run_scoped3A = tpu.sem_alloc : memref<!tpu.dma_semaphore, #tpu.memory_space<semaphore_mem>>
      %dma_start3A_569 = arith.constant 0 : i32
      %dma_start3A_570 = tpu.memref_slice %arg19[%add3A_33, %dma_start3A_569] : memref<8192x128xf32, #tpu.memory_space<vmem_shared>> -> memref<128x128xf32, #tpu.memory_space<vmem_shared>>
      %dma_start3A_571 = arith.constant 0 : i32
      %dma_start3A_572 = tpu.memref_slice %arg19[%add3A_33, %dma_start3A_571] : memref<8192x128xf32, #tpu.memory_space<vmem_shared>> -> memref<128x128xf32, #tpu.memory_space<vmem_shared>>
      tpu.enqueue_dma source(%arg17 : memref<128x128xf32, #tpu.memory_space<vmem>>) target(%dma_start3A_572 : memref<128x128xf32, #tpu.memory_space<vmem_shared>>) target_semaphore(%run_scoped3A : memref<!tpu.dma_semaphore, #tpu.memory_space<semaphore_mem>>)
      %dma_wait3A_573 = arith.constant 0 : i32
      %dma_wait3A_574 = tpu.memref_slice %arg19[%add3A_33, %dma_wait3A_573] : memref<8192x128xf32, #tpu.memory_space<vmem_shared>> -> memref<128x128xf32, #tpu.memory_space<vmem_shared>>
      %dma_wait3A_575 = arith.constant 0 : i32
      %dma_wait3A_576 = tpu.memref_slice %arg19[%add3A_33, %dma_wait3A_575] : memref<8192x128xf32, #tpu.memory_space<vmem_shared>> -> memref<128x128xf32, #tpu.memory_space<vmem_shared>>
      tpu.wait_dma2 semaphore(%run_scoped3A : memref<!tpu.dma_semaphore, #tpu.memory_space<semaphore_mem>>) src(%arg17 : memref<128x128xf32, #tpu.memory_space<vmem>>) dst(%dma_wait3A_576 : memref<128x128xf32, #tpu.memory_space<vmem_shared>>)
      tpu.yield
    }) : () -> ()
    %dma_wait3A = arith.constant 0 : i32
    %dma_wait3A_34 = arith.constant 0 : i32
    %dma_wait3A_35 = tpu.memref_slice %arg6[%dma_wait3A, %dma_wait3A_34] : memref<100000x128xf32, #tpu.memory_space<hbm>> -> memref<128x128xf32, #tpu.memory_space<hbm>>
    %dma_wait3A_36 = arith.constant 0 : i32
    %dma_wait3A_37 = arith.constant 0 : i32
    %dma_wait3A_38 = tpu.memref_slice %arg6[%dma_wait3A_36, %dma_wait3A_37] : memref<100000x128xf32, #tpu.memory_space<hbm>> -> memref<128x128xf32, #tpu.memory_space<hbm>>
    tpu.wait_dma2 semaphore(%arg22 : memref<!tpu.dma_semaphore, #tpu.memory_space<semaphore_mem>>) src(%dma_wait3A_38 : memref<128x128xf32, #tpu.memory_space<hbm>>) dst(%arg18 : memref<128x128xf32, #tpu.memory_space<vmem>>)
    "tpu.region"() ({
      %run_scoped3A = tpu.sem_alloc : memref<!tpu.dma_semaphore, #tpu.memory_space<semaphore_mem>>
      %dma_start3A_569 = arith.constant 0 : i32
      %dma_start3A_570 = tpu.memref_slice %arg10[%mul3A_10, %dma_start3A_569] : memref<8192x128xf32, #tpu.memory_space<hbm>> -> memref<128x128xf32, #tpu.memory_space<hbm>>
      %dma_start3A_571 = arith.constant 0 : i32
      %dma_start3A_572 = tpu.memref_slice %arg10[%mul3A_10, %dma_start3A_571] : memref<8192x128xf32, #tpu.memory_space<hbm>> -> memref<128x128xf32, #tpu.memory_space<hbm>>
      tpu.enqueue_dma source(%arg18 : memref<128x128xf32, #tpu.memory_space<vmem>>) target(%dma_start3A_572 : memref<128x128xf32, #tpu.memory_space<hbm>>) target_semaphore(%run_scoped3A : memref<!tpu.dma_semaphore, #tpu.memory_space<semaphore_mem>>)
      %dma_wait3A_573 = arith.constant 0 : i32
      %dma_wait3A_574 = tpu.memref_slice %arg10[%mul3A_10, %dma_wait3A_573] : memref<8192x128xf32, #tpu.memory_space<hbm>> -> memref<128x128xf32, #tpu.memory_space<hbm>>
      %dma_wait3A_575 = arith.constant 0 : i32
      %dma_wait3A_576 = tpu.memref_slice %arg10[%mul3A_10, %dma_wait3A_575] : memref<8192x128xf32, #tpu.memory_space<hbm>> -> memref<128x128xf32, #tpu.memory_space<hbm>>
      tpu.wait_dma2 semaphore(%run_scoped3A : memref<!tpu.dma_semaphore, #tpu.memory_space<semaphore_mem>>) src(%arg18 : memref<128x128xf32, #tpu.memory_space<vmem>>) dst(%dma_wait3A_576 : memref<128x128xf32, #tpu.memory_space<hbm>>)
      tpu.yield
    }) : () -> ()
    %add3A_39 = arith.constant 128 : i32
    %add3A_40 = arith.addi %mul3A_10, %add3A_39 : i32
    "tpu.region"() ({
      %run_scoped3A = tpu.sem_alloc : memref<!tpu.dma_semaphore, #tpu.memory_space<semaphore_mem>>
      %dma_start3A_569 = tpu.memref_slice %arg5[%add3A_40] : memref<8192xi32, #tpu.memory_space<hbm>> -> memref<128xi32, #tpu.memory_space<hbm>>
      %dma_start3A_570 = tpu.memref_slice %arg5[%add3A_40] : memref<8192xi32, #tpu.memory_space<hbm>> -> memref<128xi32, #tpu.memory_space<hbm>>
      tpu.enqueue_dma source(%dma_start3A_570 : memref<128xi32, #tpu.memory_space<hbm>>) target(%arg16 : memref<128xi32, #tpu.memory_space<vmem>>) target_semaphore(%run_scoped3A : memref<!tpu.dma_semaphore, #tpu.memory_space<semaphore_mem>>)
      %dma_wait3A_571 = tpu.memref_slice %arg5[%add3A_40] : memref<8192xi32, #tpu.memory_space<hbm>> -> memref<128xi32, #tpu.memory_space<hbm>>
      %dma_wait3A_572 = tpu.memref_slice %arg5[%add3A_40] : memref<8192xi32, #tpu.memory_space<hbm>> -> memref<128xi32, #tpu.memory_space<hbm>>
      tpu.wait_dma2 semaphore(%run_scoped3A : memref<!tpu.dma_semaphore, #tpu.memory_space<semaphore_mem>>) src(%dma_wait3A_572 : memref<128xi32, #tpu.memory_space<hbm>>) dst(%arg16 : memref<128xi32, #tpu.memory_space<vmem>>)
      tpu.yield
    }) : () -> ()
    %dma_start3A_41 = arith.constant 0 : i32
    %dma_start3A_42 = arith.constant 0 : i32
    %dma_start3A_43 = tpu.memref_slice %arg6[%dma_start3A_41, %dma_start3A_42] : memref<100000x128xf32, #tpu.memory_space<hbm>> -> memref<100000x128xf32, #tpu.memory_space<hbm>>
    tpu.enqueue_indirect_dma source(%dma_start3A_43 : memref<100000x128xf32, #tpu.memory_space<hbm>>) target(%arg18 : memref<128x128xf32, #tpu.memory_space<vmem>>) offsets(%arg16 : memref<128xi32, #tpu.memory_space<vmem>>) semaphore(%arg22 : memref<!tpu.dma_semaphore, #tpu.memory_space<semaphore_mem>>)
    %broadcast_in_dim3A_44 = arith.constant 0 : i32
    %broadcast_in_dim3A_45 = vector.broadcast %broadcast_in_dim3A_44 : i32 to vector<16xi32>
    %scan3A_46 = arith.constant 0 : i32
    %scan3A_47 = arith.constant 128 : i32
    %scan3A_48 = arith.addi %scan3A_46, %scan3A_47 : i32
    %scan3A_49 = arith.constant 1 : i32
    scf.for %scan3A_569 = %scan3A_46 to %scan3A_48 step %scan3A_49  : i32 {
      %mul3A_570 = arith.constant 1 : i32
      %mul3A_571 = arith.muli %scan3A_569, %mul3A_570 : i32
      %add3A_572 = arith.constant 0 : i32
      %add3A_573 = arith.addi %add3A_572, %mul3A_571 : i32
      %swap3A = arith.index_cast %add3A_573 : i32 to index
      %swap3A_574 = arith.constant 0 : index
      %swap3A_575 = tpu.vector_load %arg12[%swap3A, %swap3A_574] {strides = array<i32>} : memref<128x128xi32, #tpu.memory_space<vmem>>, vector<16xi32>,
      tpu.vector_store %arg12[%swap3A, %swap3A_574], %broadcast_in_dim3A_45 {strides = array<i32>} : memref<128x128xi32, #tpu.memory_space<vmem>>, vector<16xi32>,
      %swap3A_576 = arith.index_cast %add3A_573 : i32 to index
      %swap3A_577 = arith.constant 16 : index
      %swap3A_578 = tpu.vector_load %arg12[%swap3A_576, %swap3A_577] {strides = array<i32>} : memref<128x128xi32, #tpu.memory_space<vmem>>, vector<16xi32>,
      tpu.vector_store %arg12[%swap3A_576, %swap3A_577], %broadcast_in_dim3A_45 {strides = array<i32>} : memref<128x128xi32, #tpu.memory_space<vmem>>, vector<16xi32>,
      %swap3A_579 = arith.index_cast %add3A_573 : i32 to index
      %swap3A_580 = arith.constant 32 : index
      %swap3A_581 = tpu.vector_load %arg12[%swap3A_579, %swap3A_580] {strides = array<i32>} : memref<128x128xi32, #tpu.memory_space<vmem>>, vector<16xi32>,
      tpu.vector_store %arg12[%swap3A_579, %swap3A_580], %broadcast_in_dim3A_45 {strides = array<i32>} : memref<128x128xi32, #tpu.memory_space<vmem>>, vector<16xi32>,
      %swap3A_582 = arith.index_cast %add3A_573 : i32 to index
      %swap3A_583 = arith.constant 48 : index
      %swap3A_584 = tpu.vector_load %arg12[%swap3A_582, %swap3A_583] {strides = array<i32>} : memref<128x128xi32, #tpu.memory_space<vmem>>, vector<16xi32>,
      tpu.vector_store %arg12[%swap3A_582, %swap3A_583], %broadcast_in_dim3A_45 {strides = array<i32>} : memref<128x128xi32, #tpu.memory_space<vmem>>, vector<16xi32>,
      %swap3A_585 = arith.index_cast %add3A_573 : i32 to index
      %swap3A_586 = arith.constant 64 : index
      %swap3A_587 = tpu.vector_load %arg12[%swap3A_585, %swap3A_586] {strides = array<i32>} : memref<128x128xi32, #tpu.memory_space<vmem>>, vector<16xi32>,
      tpu.vector_store %arg12[%swap3A_585, %swap3A_586], %broadcast_in_dim3A_45 {strides = array<i32>} : memref<128x128xi32, #tpu.memory_space<vmem>>, vector<16xi32>,
      %swap3A_588 = arith.index_cast %add3A_573 : i32 to index
      %swap3A_589 = arith.constant 80 : index
      %swap3A_590 = tpu.vector_load %arg12[%swap3A_588, %swap3A_589] {strides = array<i32>} : memref<128x128xi32, #tpu.memory_space<vmem>>, vector<16xi32>,
      tpu.vector_store %arg12[%swap3A_588, %swap3A_589], %broadcast_in_dim3A_45 {strides = array<i32>} : memref<128x128xi32, #tpu.memory_space<vmem>>, vector<16xi32>,
      %swap3A_591 = arith.index_cast %add3A_573 : i32 to index
      %swap3A_592 = arith.constant 96 : index
      %swap3A_593 = tpu.vector_load %arg12[%swap3A_591, %swap3A_592] {strides = array<i32>} : memref<128x128xi32, #tpu.memory_space<vmem>>, vector<16xi32>,
      tpu.vector_store %arg12[%swap3A_591, %swap3A_592], %broadcast_in_dim3A_45 {strides = array<i32>} : memref<128x128xi32, #tpu.memory_space<vmem>>, vector<16xi32>,
      %swap3A_594 = arith.index_cast %add3A_573 : i32 to index
      %swap3A_595 = arith.constant 112 : index
      %swap3A_596 = tpu.vector_load %arg12[%swap3A_594, %swap3A_595] {strides = array<i32>} : memref<128x128xi32, #tpu.memory_space<vmem>>, vector<16xi32>,
      tpu.vector_store %arg12[%swap3A_594, %swap3A_595], %broadcast_in_dim3A_45 {strides = array<i32>} : memref<128x128xi32, #tpu.memory_space<vmem>>, vector<16xi32>,
    }
    %scan3A_50 = arith.constant 128 : i32
    %broadcast_in_dim3A_51 = arith.constant 1 : i32
    %broadcast_in_dim3A_52 = vector.broadcast %broadcast_in_dim3A_51 : i32 to vector<16xi32>
    %broadcast_in_dim3A_53 = arith.constant 0 : i32
    %broadcast_in_dim3A_54 = vector.broadcast %broadcast_in_dim3A_53 : i32 to vector<16xi32>
    %scan3A_55 = arith.constant 0 : i32
    %scan3A_56 = arith.constant 16 : i32
    %scan3A_57 = arith.addi %scan3A_55, %scan3A_56 : i32
    %scan3A_58 = arith.constant 1 : i32
    %scan3A_59 = scf.for %scan3A_569 = %scan3A_55 to %scan3A_57 step %scan3A_58 iter_args(%scan3A_570 = %broadcast_in_dim3A_54) -> (vector<16xi32>)  : i32 {
      %mul3A_571 = arith.constant 1 : i32
      %mul3A_572 = arith.muli %scan3A_569, %mul3A_571 : i32
      %add3A_573 = arith.constant 0 : i32
      %add3A_574 = arith.addi %add3A_573, %mul3A_572 : i32
      %mul3A_575 = arith.constant 512 : i32
      %mul3A_576 = arith.muli %add3A_574, %mul3A_575 : i32
      "tpu.region"() ({
        %run_scoped3A = tpu.sem_alloc : memref<!tpu.dma_semaphore, #tpu.memory_space<semaphore_mem>>
        %dma_start3A_583 = tpu.memref_slice %arg4[%mul3A_576] : memref<8192xi32, #tpu.memory_space<hbm>> -> memref<512xi32, #tpu.memory_space<hbm>>
        %dma_start3A_584 = tpu.memref_slice %arg4[%mul3A_576] : memref<8192xi32, #tpu.memory_space<hbm>> -> memref<512xi32, #tpu.memory_space<hbm>>
        tpu.enqueue_dma source(%dma_start3A_584 : memref<512xi32, #tpu.memory_space<hbm>>) target(%arg11 : memref<512xi32, #tpu.memory_space<vmem>>) target_semaphore(%run_scoped3A : memref<!tpu.dma_semaphore, #tpu.memory_space<semaphore_mem>>)
        %dma_wait3A_585 = tpu.memref_slice %arg4[%mul3A_576] : memref<8192xi32, #tpu.memory_space<hbm>> -> memref<512xi32, #tpu.memory_space<hbm>>
        %dma_wait3A_586 = tpu.memref_slice %arg4[%mul3A_576] : memref<8192xi32, #tpu.memory_space<hbm>> -> memref<512xi32, #tpu.memory_space<hbm>>
        tpu.wait_dma2 semaphore(%run_scoped3A : memref<!tpu.dma_semaphore, #tpu.memory_space<semaphore_mem>>) src(%dma_wait3A_586 : memref<512xi32, #tpu.memory_space<hbm>>) dst(%arg11 : memref<512xi32, #tpu.memory_space<vmem>>)
        tpu.yield
      }) : () -> ()
      %scan3A_577 = arith.constant 0 : i32
      %scan3A_578 = arith.constant 32 : i32
      %scan3A_579 = arith.addi %scan3A_577, %scan3A_578 : i32
      %scan3A_580 = arith.constant 1 : i32
      %scan3A_581 = scf.for %scan3A_583 = %scan3A_577 to %scan3A_579 step %scan3A_580 iter_args(%scan3A_584 = %scan3A_570) -> (vector<16xi32>)  : i32 {
        %mul3A_585 = arith.constant 1 : i32
        %mul3A_586 = arith.muli %scan3A_583, %mul3A_585 : i32
        %add3A_587 = arith.constant 0 : i32
        %add3A_588 = arith.addi %add3A_587, %mul3A_586 : i32
        %mul3A_589 = arith.constant 16 : i32
        %mul3A_590 = arith.muli %add3A_588, %mul3A_589 : i32
        %get3A = arith.index_cast %mul3A_590 : i32 to index
        %get3A_591 = tpu.vector_load %arg11[%get3A] {strides = array<i32>} : memref<512xi32, #tpu.memory_space<vmem>>, vector<16xi32>,
        %gt3A = vector.broadcast %mul3A_2 : i32 to vector<16xi32>
        %gt3A_592 = arith.cmpi sgt, %get3A_591, %gt3A : vector<16xi32>
        %add3A_593 = arith.constant 16384 : i32
        %add3A_594 = arith.addi %mul3A_2, %add3A_593 : i32
        %lt3A_595 = vector.broadcast %add3A_594 : i32 to vector<16xi32>
        %lt3A_596 = arith.cmpi slt, %get3A_591, %lt3A_595 : vector<16xi32>
        %and3A = arith.andi %gt3A_592, %lt3A_596 : vector<16xi1>
        %sub3A_597 = vector.broadcast %mul3A_2 : i32 to vector<16xi32>
        %sub3A_598 = arith.subi %get3A_591, %sub3A_597 : vector<16xi32>
        %jit3A = arith.constant 128 : i32
        %div3A = vector.broadcast %jit3A : i32 to vector<16xi32>
        %div3A_599 = arith.divsi %sub3A_598, %div3A : vector<16xi32>
        %sign3A = arith.constant 0 : i32
        %sign3A_600 = vector.broadcast %sign3A : i32 to vector<16xi32>
        %sign3A_601 = arith.cmpi sgt, %sub3A_598, %sign3A_600 : vector<16xi32>
        %sign3A_602 = arith.extui %sign3A_601 : vector<16xi1> to vector<16xi32>
        %sign3A_603 = arith.constant 0 : i32
        %sign3A_604 = vector.broadcast %sign3A_603 : i32 to vector<16xi32>
        %sign3A_605 = arith.cmpi slt, %sub3A_598, %sign3A_604 : vector<16xi32>
        %sign3A_606 = arith.extui %sign3A_605 : vector<16xi1> to vector<16xi32>
        %sign3A_607 = arith.subi %sign3A_602, %sign3A_606 : vector<16xi32>
        %sign3A_608 = arith.constant 0 : i32
        %sign3A_609 = arith.cmpi sgt, %jit3A, %sign3A_608 : i32
        %sign3A_610 = arith.extui %sign3A_609 : i1 to i32
        %sign3A_611 = arith.constant 0 : i32
        %sign3A_612 = arith.cmpi slt, %jit3A, %sign3A_611 : i32
        %sign3A_613 = arith.extui %sign3A_612 : i1 to i32
        %sign3A_614 = arith.subi %sign3A_610, %sign3A_613 : i32
        %ne3A = vector.broadcast %sign3A_614 : i32 to vector<16xi32>
        %ne3A_615 = arith.cmpi ne, %sign3A_607, %ne3A : vector<16xi32>
        %rem3A = vector.broadcast %jit3A : i32 to vector<16xi32>
        %rem3A_616 = arith.remsi %sub3A_598, %rem3A : vector<16xi32>
        %ne3A_617 = arith.constant 0 : i32
        %ne3A_618 = vector.broadcast %ne3A_617 : i32 to vector<16xi32>
        %ne3A_619 = arith.cmpi ne, %rem3A_616, %ne3A_618 : vector<16xi32>
        %and3A_620 = arith.andi %ne3A_615, %ne3A_619 : vector<16xi1>
        %sub3A_621 = arith.constant 1 : i32
        %sub3A_622 = vector.broadcast %sub3A_621 : i32 to vector<16xi32>
        %sub3A_623 = arith.subi %div3A_599, %sub3A_622 : vector<16xi32>
        %select_n3A = arith.select %and3A_620, %sub3A_623, %div3A_599 : vector<16xi1>, vector<16xi32>
        %mul3A_624 = arith.constant 128 : i32
        %mul3A_625 = vector.broadcast %mul3A_624 : i32 to vector<16xi32>
        %mul3A_626 = arith.muli %select_n3A, %mul3A_625 : vector<16xi32>
        %sub3A_627 = arith.subi %sub3A_598, %mul3A_626 : vector<16xi32>
        tpu.vector_store_idx %arg12[%select_n3A, %sub3A_627], %broadcast_in_dim3A_52 masked %and3A {add = true} : memref<128x128xi32, #tpu.memory_space<vmem>>[vector<16xi32>, vector<16xi32>], vector<16xi32>, vector<16xi1>
        %le3A = vector.broadcast %mul3A_2 : i32 to vector<16xi32>
        %le3A_628 = arith.cmpi sle, %get3A_591, %le3A : vector<16xi32>
        %jit3A_629 = arith.constant 1 : i32
        %jit3A_630 = arith.constant 0 : i32
        %broadcast_in_dim3A_631 = vector.broadcast %jit3A_629 : i32 to vector<16xi32>
        %broadcast_in_dim3A_632 = vector.broadcast %jit3A_630 : i32 to vector<16xi32>
        %select_n3A_633 = arith.select %le3A_628, %broadcast_in_dim3A_631, %broadcast_in_dim3A_632 : vector<16xi1>, vector<16xi32>
        %add3A_634 = arith.addi %scan3A_584, %select_n3A_633 : vector<16xi32>
        scf.yield %add3A_634 : vector<16xi32>
      }
      %scan3A_582 = arith.constant 32 : i32
      scf.yield %scan3A_581 : vector<16xi32>
    }
    %scan3A_60 = arith.constant 16 : i32
    %reduce_sum3A = arith.constant true
    %reduce_sum3A_61 = vector.broadcast %reduce_sum3A : i1 to vector<16xi1>
    %reduce_sum3A_62 = tpu.scan <sum>, %scan3A_59 masked %reduce_sum3A_61 : vector<16xi32>, vector<16xi1> -> vector<16xi32>
    %reduce_sum3A_63 = vector.extract %reduce_sum3A_62[15] : i32 from vector<16xi32>
    %sub3A = arith.constant 1 : i32
    %sub3A_64 = arith.subi %reduce_sum3A_63, %sub3A : i32
    %scan3A_65 = arith.constant 0 : i32
    %scan3A_66 = arith.constant 0 : i32
    %scan3A_67 = arith.constant 128 : i32
    %scan3A_68 = arith.addi %scan3A_66, %scan3A_67 : i32
    %scan3A_69 = arith.constant 1 : i32
    %scan3A_70 = scf.for %scan3A_569 = %scan3A_66 to %scan3A_68 step %scan3A_69 iter_args(%scan3A_570 = %scan3A_65) -> (i32)  : i32 {
      %mul3A_571 = arith.constant 1 : i32
      %mul3A_572 = arith.muli %scan3A_569, %mul3A_571 : i32
      %add3A_573 = arith.constant 0 : i32
      %add3A_574 = arith.addi %add3A_573, %mul3A_572 : i32
      %get3A = arith.index_cast %add3A_574 : i32 to index
      %get3A_575 = arith.constant 0 : index
      %get3A_576 = tpu.vector_load %arg12[%get3A, %get3A_575] {strides = array<i32>} : memref<128x128xi32, #tpu.memory_space<vmem>>, vector<16xi32>,
      %broadcast_in_dim3A_577 = arith.constant true
      %broadcast_in_dim3A_578 = vector.broadcast %broadcast_in_dim3A_577 : i1 to vector<16xi1>
      %masked_cumsum3A = tpu.scan <sum>, %get3A_576 masked %broadcast_in_dim3A_578 : vector<16xi32>, vector<16xi1> -> vector<16xi32>
      %add3A_579 = vector.broadcast %scan3A_570 : i32 to vector<16xi32>
      %add3A_580 = arith.addi %masked_cumsum3A, %add3A_579 : vector<16xi32>
      %add3A_581 = vector.broadcast %sub3A_64 : i32 to vector<16xi32>
      %add3A_582 = arith.addi %add3A_580, %add3A_581 : vector<16xi32>
      %swap3A = arith.index_cast %add3A_574 : i32 to index
      %swap3A_583 = arith.constant 0 : index
      %swap3A_584 = tpu.vector_load %arg12[%swap3A, %swap3A_583] {strides = array<i32>} : memref<128x128xi32, #tpu.memory_space<vmem>>, vector<16xi32>,
      tpu.vector_store %arg12[%swap3A, %swap3A_583], %add3A_582 {strides = array<i32>} : memref<128x128xi32, #tpu.memory_space<vmem>>, vector<16xi32>,
      %slice3A = vector.extract_strided_slice %add3A_580 {offsets = [15], sizes = [1], strides = [1]} : vector<16xi32> to vector<1xi32>
      %squeeze3A = vector.extract %slice3A[0] : i32 from vector<1xi32>
      %get3A_585 = arith.index_cast %add3A_574 : i32 to index
      %get3A_586 = arith.constant 16 : index
      %get3A_587 = tpu.vector_load %arg12[%get3A_585, %get3A_586] {strides = array<i32>} : memref<128x128xi32, #tpu.memory_space<vmem>>, vector<16xi32>,
      %broadcast_in_dim3A_588 = arith.constant true
      %broadcast_in_dim3A_589 = vector.broadcast %broadcast_in_dim3A_588 : i1 to vector<16xi1>
      %masked_cumsum3A_590 = tpu.scan <sum>, %get3A_587 masked %broadcast_in_dim3A_589 : vector<16xi32>, vector<16xi1> -> vector<16xi32>
      %add3A_591 = vector.broadcast %squeeze3A : i32 to vector<16xi32>
      %add3A_592 = arith.addi %masked_cumsum3A_590, %add3A_591 : vector<16xi32>
      %add3A_593 = vector.broadcast %sub3A_64 : i32 to vector<16xi32>
      %add3A_594 = arith.addi %add3A_592, %add3A_593 : vector<16xi32>
      %swap3A_595 = arith.index_cast %add3A_574 : i32 to index
      %swap3A_596 = arith.constant 16 : index
      %swap3A_597 = tpu.vector_load %arg12[%swap3A_595, %swap3A_596] {strides = array<i32>} : memref<128x128xi32, #tpu.memory_space<vmem>>, vector<16xi32>,
      tpu.vector_store %arg12[%swap3A_595, %swap3A_596], %add3A_594 {strides = array<i32>} : memref<128x128xi32, #tpu.memory_space<vmem>>, vector<16xi32>,
      %slice3A_598 = vector.extract_strided_slice %add3A_592 {offsets = [15], sizes = [1], strides = [1]} : vector<16xi32> to vector<1xi32>
      %squeeze3A_599 = vector.extract %slice3A_598[0] : i32 from vector<1xi32>
      %get3A_600 = arith.index_cast %add3A_574 : i32 to index
      %get3A_601 = arith.constant 32 : index
      %get3A_602 = tpu.vector_load %arg12[%get3A_600, %get3A_601] {strides = array<i32>} : memref<128x128xi32, #tpu.memory_space<vmem>>, vector<16xi32>,
      %broadcast_in_dim3A_603 = arith.constant true
      %broadcast_in_dim3A_604 = vector.broadcast %broadcast_in_dim3A_603 : i1 to vector<16xi1>
      %masked_cumsum3A_605 = tpu.scan <sum>, %get3A_602 masked %broadcast_in_dim3A_604 : vector<16xi32>, vector<16xi1> -> vector<16xi32>
      %add3A_606 = vector.broadcast %squeeze3A_599 : i32 to vector<16xi32>
      %add3A_607 = arith.addi %masked_cumsum3A_605, %add3A_606 : vector<16xi32>
      %add3A_608 = vector.broadcast %sub3A_64 : i32 to vector<16xi32>
      %add3A_609 = arith.addi %add3A_607, %add3A_608 : vector<16xi32>
      %swap3A_610 = arith.index_cast %add3A_574 : i32 to index
      %swap3A_611 = arith.constant 32 : index
      %swap3A_612 = tpu.vector_load %arg12[%swap3A_610, %swap3A_611] {strides = array<i32>} : memref<128x128xi32, #tpu.memory_space<vmem>>, vector<16xi32>,
      tpu.vector_store %arg12[%swap3A_610, %swap3A_611], %add3A_609 {strides = array<i32>} : memref<128x128xi32, #tpu.memory_space<vmem>>, vector<16xi32>,
      %slice3A_613 = vector.extract_strided_slice %add3A_607 {offsets = [15], sizes = [1], strides = [1]} : vector<16xi32> to vector<1xi32>
      %squeeze3A_614 = vector.extract %slice3A_613[0] : i32 from vector<1xi32>
      %get3A_615 = arith.index_cast %add3A_574 : i32 to index
      %get3A_616 = arith.constant 48 : index
      %get3A_617 = tpu.vector_load %arg12[%get3A_615, %get3A_616] {strides = array<i32>} : memref<128x128xi32, #tpu.memory_space<vmem>>, vector<16xi32>,
      %broadcast_in_dim3A_618 = arith.constant true
      %broadcast_in_dim3A_619 = vector.broadcast %broadcast_in_dim3A_618 : i1 to vector<16xi1>
      %masked_cumsum3A_620 = tpu.scan <sum>, %get3A_617 masked %broadcast_in_dim3A_619 : vector<16xi32>, vector<16xi1> -> vector<16xi32>
      %add3A_621 = vector.broadcast %squeeze3A_614 : i32 to vector<16xi32>
      %add3A_622 = arith.addi %masked_cumsum3A_620, %add3A_621 : vector<16xi32>
      %add3A_623 = vector.broadcast %sub3A_64 : i32 to vector<16xi32>
      %add3A_624 = arith.addi %add3A_622, %add3A_623 : vector<16xi32>
      %swap3A_625 = arith.index_cast %add3A_574 : i32 to index
      %swap3A_626 = arith.constant 48 : index
      %swap3A_627 = tpu.vector_load %arg12[%swap3A_625, %swap3A_626] {strides = array<i32>} : memref<128x128xi32, #tpu.memory_space<vmem>>, vector<16xi32>,
      tpu.vector_store %arg12[%swap3A_625, %swap3A_626], %add3A_624 {strides = array<i32>} : memref<128x128xi32, #tpu.memory_space<vmem>>, vector<16xi32>,
      %slice3A_628 = vector.extract_strided_slice %add3A_622 {offsets = [15], sizes = [1], strides = [1]} : vector<16xi32> to vector<1xi32>
      %squeeze3A_629 = vector.extract %slice3A_628[0] : i32 from vector<1xi32>
      %get3A_630 = arith.index_cast %add3A_574 : i32 to index
      %get3A_631 = arith.constant 64 : index
      %get3A_632 = tpu.vector_load %arg12[%get3A_630, %get3A_631] {strides = array<i32>} : memref<128x128xi32, #tpu.memory_space<vmem>>, vector<16xi32>,
      %broadcast_in_dim3A_633 = arith.constant true
      %broadcast_in_dim3A_634 = vector.broadcast %broadcast_in_dim3A_633 : i1 to vector<16xi1>
      %masked_cumsum3A_635 = tpu.scan <sum>, %get3A_632 masked %broadcast_in_dim3A_634 : vector<16xi32>, vector<16xi1> -> vector<16xi32>
      %add3A_636 = vector.broadcast %squeeze3A_629 : i32 to vector<16xi32>
      %add3A_637 = arith.addi %masked_cumsum3A_635, %add3A_636 : vector<16xi32>
      %add3A_638 = vector.broadcast %sub3A_64 : i32 to vector<16xi32>
      %add3A_639 = arith.addi %add3A_637, %add3A_638 : vector<16xi32>
      %swap3A_640 = arith.index_cast %add3A_574 : i32 to index
      %swap3A_641 = arith.constant 64 : index
      %swap3A_642 = tpu.vector_load %arg12[%swap3A_640, %swap3A_641] {strides = array<i32>} : memref<128x128xi32, #tpu.memory_space<vmem>>, vector<16xi32>,
      tpu.vector_store %arg12[%swap3A_640, %swap3A_641], %add3A_639 {strides = array<i32>} : memref<128x128xi32, #tpu.memory_space<vmem>>, vector<16xi32>,
      %slice3A_643 = vector.extract_strided_slice %add3A_637 {offsets = [15], sizes = [1], strides = [1]} : vector<16xi32> to vector<1xi32>
      %squeeze3A_644 = vector.extract %slice3A_643[0] : i32 from vector<1xi32>
      %get3A_645 = arith.index_cast %add3A_574 : i32 to index
      %get3A_646 = arith.constant 80 : index
      %get3A_647 = tpu.vector_load %arg12[%get3A_645, %get3A_646] {strides = array<i32>} : memref<128x128xi32, #tpu.memory_space<vmem>>, vector<16xi32>,
      %broadcast_in_dim3A_648 = arith.constant true
      %broadcast_in_dim3A_649 = vector.broadcast %broadcast_in_dim3A_648 : i1 to vector<16xi1>
      %masked_cumsum3A_650 = tpu.scan <sum>, %get3A_647 masked %broadcast_in_dim3A_649 : vector<16xi32>, vector<16xi1> -> vector<16xi32>
      %add3A_651 = vector.broadcast %squeeze3A_644 : i32 to vector<16xi32>
      %add3A_652 = arith.addi %masked_cumsum3A_650, %add3A_651 : vector<16xi32>
      %add3A_653 = vector.broadcast %sub3A_64 : i32 to vector<16xi32>
      %add3A_654 = arith.addi %add3A_652, %add3A_653 : vector<16xi32>
      %swap3A_655 = arith.index_cast %add3A_574 : i32 to index
      %swap3A_656 = arith.constant 80 : index
      %swap3A_657 = tpu.vector_load %arg12[%swap3A_655, %swap3A_656] {strides = array<i32>} : memref<128x128xi32, #tpu.memory_space<vmem>>, vector<16xi32>,
      tpu.vector_store %arg12[%swap3A_655, %swap3A_656], %add3A_654 {strides = array<i32>} : memref<128x128xi32, #tpu.memory_space<vmem>>, vector<16xi32>,
      %slice3A_658 = vector.extract_strided_slice %add3A_652 {offsets = [15], sizes = [1], strides = [1]} : vector<16xi32> to vector<1xi32>
      %squeeze3A_659 = vector.extract %slice3A_658[0] : i32 from vector<1xi32>
      %get3A_660 = arith.index_cast %add3A_574 : i32 to index
      %get3A_661 = arith.constant 96 : index
      %get3A_662 = tpu.vector_load %arg12[%get3A_660, %get3A_661] {strides = array<i32>} : memref<128x128xi32, #tpu.memory_space<vmem>>, vector<16xi32>,
      %broadcast_in_dim3A_663 = arith.constant true
      %broadcast_in_dim3A_664 = vector.broadcast %broadcast_in_dim3A_663 : i1 to vector<16xi1>
      %masked_cumsum3A_665 = tpu.scan <sum>, %get3A_662 masked %broadcast_in_dim3A_664 : vector<16xi32>, vector<16xi1> -> vector<16xi32>
      %add3A_666 = vector.broadcast %squeeze3A_659 : i32 to vector<16xi32>
      %add3A_667 = arith.addi %masked_cumsum3A_665, %add3A_666 : vector<16xi32>
      %add3A_668 = vector.broadcast %sub3A_64 : i32 to vector<16xi32>
      %add3A_669 = arith.addi %add3A_667, %add3A_668 : vector<16xi32>
      %swap3A_670 = arith.index_cast %add3A_574 : i32 to index
      %swap3A_671 = arith.constant 96 : index
      %swap3A_672 = tpu.vector_load %arg12[%swap3A_670, %swap3A_671] {strides = array<i32>} : memref<128x128xi32, #tpu.memory_space<vmem>>, vector<16xi32>,
      tpu.vector_store %arg12[%swap3A_670, %swap3A_671], %add3A_669 {strides = array<i32>} : memref<128x128xi32, #tpu.memory_space<vmem>>, vector<16xi32>,
      %slice3A_673 = vector.extract_strided_slice %add3A_667 {offsets = [15], sizes = [1], strides = [1]} : vector<16xi32> to vector<1xi32>
      %squeeze3A_674 = vector.extract %slice3A_673[0] : i32 from vector<1xi32>
      %get3A_675 = arith.index_cast %add3A_574 : i32 to index
      %get3A_676 = arith.constant 112 : index
      %get3A_677 = tpu.vector_load %arg12[%get3A_675, %get3A_676] {strides = array<i32>} : memref<128x128xi32, #tpu.memory_space<vmem>>, vector<16xi32>,
      %broadcast_in_dim3A_678 = arith.constant true
      %broadcast_in_dim3A_679 = vector.broadcast %broadcast_in_dim3A_678 : i1 to vector<16xi1>
      %masked_cumsum3A_680 = tpu.scan <sum>, %get3A_677 masked %broadcast_in_dim3A_679 : vector<16xi32>, vector<16xi1> -> vector<16xi32>
      %add3A_681 = vector.broadcast %squeeze3A_674 : i32 to vector<16xi32>
      %add3A_682 = arith.addi %masked_cumsum3A_680, %add3A_681 : vector<16xi32>
      %add3A_683 = vector.broadcast %sub3A_64 : i32 to vector<16xi32>
      %add3A_684 = arith.addi %add3A_682, %add3A_683 : vector<16xi32>
      %swap3A_685 = arith.index_cast %add3A_574 : i32 to index
      %swap3A_686 = arith.constant 112 : index
      %swap3A_687 = tpu.vector_load %arg12[%swap3A_685, %swap3A_686] {strides = array<i32>} : memref<128x128xi32, #tpu.memory_space<vmem>>, vector<16xi32>,
      tpu.vector_store %arg12[%swap3A_685, %swap3A_686], %add3A_684 {strides = array<i32>} : memref<128x128xi32, #tpu.memory_space<vmem>>, vector<16xi32>,
      %slice3A_688 = vector.extract_strided_slice %add3A_682 {offsets = [15], sizes = [1], strides = [1]} : vector<16xi32> to vector<1xi32>
      %squeeze3A_689 = vector.extract %slice3A_688[0] : i32 from vector<1xi32>
      scf.yield %squeeze3A_689 : i32
    }
    %scan3A_71 = arith.constant 128 : i32
    %dma_wait3A_72 = arith.constant 0 : i32
    %dma_wait3A_73 = arith.constant 0 : i32
    %dma_wait3A_74 = tpu.memref_slice %arg6[%dma_wait3A_72, %dma_wait3A_73] : memref<100000x128xf32, #tpu.memory_space<hbm>> -> memref<128x128xf32, #tpu.memory_space<hbm>>
    %dma_wait3A_75 = arith.constant 0 : i32
    %dma_wait3A_76 = arith.constant 0 : i32
    %dma_wait3A_77 = tpu.memref_slice %arg6[%dma_wait3A_75, %dma_wait3A_76] : memref<100000x128xf32, #tpu.memory_space<hbm>> -> memref<128x128xf32, #tpu.memory_space<hbm>>
    tpu.wait_dma2 semaphore(%arg22 : memref<!tpu.dma_semaphore, #tpu.memory_space<semaphore_mem>>) src(%dma_wait3A_77 : memref<128x128xf32, #tpu.memory_space<hbm>>) dst(%arg18 : memref<128x128xf32, #tpu.memory_space<vmem>>)
    %add3A_78 = arith.constant 128 : i32
    %add3A_79 = arith.addi %mul3A_10, %add3A_78 : i32
    "tpu.region"() ({
      %run_scoped3A = tpu.sem_alloc : memref<!tpu.dma_semaphore, #tpu.memory_space<semaphore_mem>>
      %dma_start3A_569 = arith.constant 0 : i32
      %dma_start3A_570 = tpu.memref_slice %arg10[%add3A_79, %dma_start3A_569] : memref<8192x128xf32, #tpu.memory_space<hbm>> -> memref<128x128xf32, #tpu.memory_space<hbm>>
      %dma_start3A_571 = arith.constant 0 : i32
      %dma_start3A_572 = tpu.memref_slice %arg10[%add3A_79, %dma_start3A_571] : memref<8192x128xf32, #tpu.memory_space<hbm>> -> memref<128x128xf32, #tpu.memory_space<hbm>>
      tpu.enqueue_dma source(%arg18 : memref<128x128xf32, #tpu.memory_space<vmem>>) target(%dma_start3A_572 : memref<128x128xf32, #tpu.memory_space<hbm>>) target_semaphore(%run_scoped3A : memref<!tpu.dma_semaphore, #tpu.memory_space<semaphore_mem>>)
      %dma_wait3A_573 = arith.constant 0 : i32
      %dma_wait3A_574 = tpu.memref_slice %arg10[%add3A_79, %dma_wait3A_573] : memref<8192x128xf32, #tpu.memory_space<hbm>> -> memref<128x128xf32, #tpu.memory_space<hbm>>
      %dma_wait3A_575 = arith.constant 0 : i32
      %dma_wait3A_576 = tpu.memref_slice %arg10[%add3A_79, %dma_wait3A_575] : memref<8192x128xf32, #tpu.memory_space<hbm>> -> memref<128x128xf32, #tpu.memory_space<hbm>>
      tpu.wait_dma2 semaphore(%run_scoped3A : memref<!tpu.dma_semaphore, #tpu.memory_space<semaphore_mem>>) src(%arg18 : memref<128x128xf32, #tpu.memory_space<vmem>>) dst(%dma_wait3A_576 : memref<128x128xf32, #tpu.memory_space<hbm>>)
      tpu.yield
    }) : () -> ()
    %barrier3A = arith.constant 0 : index
    tpu.barrier barrier_id(%barrier3A)
    %mul3A_80 = arith.constant 16384 : i32
    %mul3A_81 = arith.muli %add3A, %mul3A_80 : i32
    %add3A_82 = arith.constant 0 : i32
    %add3A_83 = arith.addi %mul3A_81, %add3A_82 : i32
    "tpu.region"() ({
      %run_scoped3A = tpu.sem_alloc : memref<!tpu.dma_semaphore, #tpu.memory_space<semaphore_mem>>
      %dma_start3A_569 = tpu.memref_slice %arg2[%add3A_83] : memref<524288xi32, #tpu.memory_space<hbm>> -> memref<4096xi32, #tpu.memory_space<hbm>>
      %dma_start3A_570 = tpu.memref_slice %arg2[%add3A_83] : memref<524288xi32, #tpu.memory_space<hbm>> -> memref<4096xi32, #tpu.memory_space<hbm>>
      tpu.enqueue_dma source(%dma_start3A_570 : memref<4096xi32, #tpu.memory_space<hbm>>) target(%arg13 : memref<4096xi32, #tpu.memory_space<vmem>>) target_semaphore(%run_scoped3A : memref<!tpu.dma_semaphore, #tpu.memory_space<semaphore_mem>>)
      %dma_wait3A_571 = tpu.memref_slice %arg2[%add3A_83] : memref<524288xi32, #tpu.memory_space<hbm>> -> memref<4096xi32, #tpu.memory_space<hbm>>
      %dma_wait3A_572 = tpu.memref_slice %arg2[%add3A_83] : memref<524288xi32, #tpu.memory_space<hbm>> -> memref<4096xi32, #tpu.memory_space<hbm>>
      tpu.wait_dma2 semaphore(%run_scoped3A : memref<!tpu.dma_semaphore, #tpu.memory_space<semaphore_mem>>) src(%dma_wait3A_572 : memref<4096xi32, #tpu.memory_space<hbm>>) dst(%arg13 : memref<4096xi32, #tpu.memory_space<vmem>>)
      tpu.yield
    }) : () -> ()
    %add3A_84 = arith.constant 4096 : i32
    %add3A_85 = arith.addi %mul3A_81, %add3A_84 : i32
    "tpu.region"() ({
      %run_scoped3A = tpu.sem_alloc : memref<!tpu.dma_semaphore, #tpu.memory_space<semaphore_mem>>
      %dma_start3A_569 = tpu.memref_slice %arg2[%add3A_85] : memref<524288xi32, #tpu.memory_space<hbm>> -> memref<128xi32, #tpu.memory_space<hbm>>
      %dma_start3A_570 = tpu.memref_slice %arg2[%add3A_85] : memref<524288xi32, #tpu.memory_space<hbm>> -> memref<128xi32, #tpu.memory_space<hbm>>
      tpu.enqueue_dma source(%dma_start3A_570 : memref<128xi32, #tpu.memory_space<hbm>>) target(%arg15 : memref<128xi32, #tpu.memory_space<vmem>>) target_semaphore(%run_scoped3A : memref<!tpu.dma_semaphore, #tpu.memory_space<semaphore_mem>>)
      %dma_wait3A_571 = tpu.memref_slice %arg2[%add3A_85] : memref<524288xi32, #tpu.memory_space<hbm>> -> memref<128xi32, #tpu.memory_space<hbm>>
      %dma_wait3A_572 = tpu.memref_slice %arg2[%add3A_85] : memref<524288xi32, #tpu.memory_space<hbm>> -> memref<128xi32, #tpu.memory_space<hbm>>
      tpu.wait_dma2 semaphore(%run_scoped3A : memref<!tpu.dma_semaphore, #tpu.memory_space<semaphore_mem>>) src(%dma_wait3A_572 : memref<128xi32, #tpu.memory_space<hbm>>) dst(%arg15 : memref<128xi32, #tpu.memory_space<vmem>>)
      tpu.yield
    }) : () -> ()
    %dma_start3A_86 = arith.constant 0 : i32
    %dma_start3A_87 = tpu.memref_slice %arg13[%dma_start3A_86] : memref<4096xi32, #tpu.memory_space<vmem>> -> memref<128xi32, #tpu.memory_space<vmem>>
    %dma_start3A_88 = arith.constant 0 : i32
    %dma_start3A_89 = arith.constant 0 : i32
    %dma_start3A_90 = tpu.memref_slice %arg6[%dma_start3A_88, %dma_start3A_89] : memref<100000x128xf32, #tpu.memory_space<hbm>> -> memref<100000x128xf32, #tpu.memory_space<hbm>>
    tpu.enqueue_indirect_dma source(%dma_start3A_90 : memref<100000x128xf32, #tpu.memory_space<hbm>>) target(%arg17 : memref<128x128xf32, #tpu.memory_space<vmem>>) offsets(%dma_start3A_87 : memref<128xi32, #tpu.memory_space<vmem>>) semaphore(%arg21 : memref<!tpu.dma_semaphore, #tpu.memory_space<semaphore_mem>>)
    %scan3A_91 = arith.constant 0 : i32
    %scan3A_92 = arith.constant 15 : i32
    %scan3A_93 = arith.addi %scan3A_91, %scan3A_92 : i32
    %scan3A_94 = arith.constant 1 : i32
    scf.for %scan3A_569 = %scan3A_91 to %scan3A_93 step %scan3A_94  : i32 {
      %mul3A_570 = arith.constant 1 : i32
      %mul3A_571 = arith.muli %scan3A_569, %mul3A_570 : i32
      %add3A_572 = arith.constant 0 : i32
      %add3A_573 = arith.addi %add3A_572, %mul3A_571 : i32
      %mul3A_574 = arith.constant 2 : i32
      %mul3A_575 = arith.muli %add3A_573, %mul3A_574 : i32
      %add3A_576 = arith.constant 0 : i32
      %add3A_577 = arith.addi %mul3A_575, %add3A_576 : i32
      %add3A_578 = arith.constant 0 : i32
      %add3A_579 = arith.addi %add3A_578, %add3A_577 : i32
      %dma_wait3A_580 = arith.constant 0 : i32
      %dma_wait3A_581 = arith.constant 0 : i32
      %dma_wait3A_582 = tpu.memref_slice %arg6[%dma_wait3A_580, %dma_wait3A_581] : memref<100000x128xf32, #tpu.memory_space<hbm>> -> memref<128x128xf32, #tpu.memory_space<hbm>>
      %dma_wait3A_583 = arith.constant 0 : i32
      %dma_wait3A_584 = arith.constant 0 : i32
      %dma_wait3A_585 = tpu.memref_slice %arg6[%dma_wait3A_583, %dma_wait3A_584] : memref<100000x128xf32, #tpu.memory_space<hbm>> -> memref<128x128xf32, #tpu.memory_space<hbm>>
      tpu.wait_dma2 semaphore(%arg21 : memref<!tpu.dma_semaphore, #tpu.memory_space<semaphore_mem>>) src(%dma_wait3A_585 : memref<128x128xf32, #tpu.memory_space<hbm>>) dst(%arg17 : memref<128x128xf32, #tpu.memory_space<vmem>>)
      %dma_start3A_586 = arith.constant 0 : i32
      %dma_start3A_587 = tpu.memref_slice %arg12[%add3A_579, %dma_start3A_586] : memref<128x128xi32, #tpu.memory_space<vmem>> -> memref<1x128xi32, #tpu.memory_space<vmem>>
      %dma_start3A_588 = tpu.memref_squeeze %dma_start3A_587 : memref<1x128xi32, #tpu.memory_space<vmem>> -> memref<128xi32, #tpu.memory_space<vmem>>
      %dma_start3A_589 = arith.constant 0 : i32
      %dma_start3A_590 = arith.constant 0 : i32
      %dma_start3A_591 = tpu.memref_slice %arg19[%dma_start3A_589, %dma_start3A_590] : memref<8192x128xf32, #tpu.memory_space<vmem_shared>> -> memref<8192x128xf32, #tpu.memory_space<vmem_shared>>
      tpu.enqueue_indirect_dma source(%arg17 : memref<128x128xf32, #tpu.memory_space<vmem>>) target(%dma_start3A_591 : memref<8192x128xf32, #tpu.memory_space<vmem_shared>>) offsets(%dma_start3A_588 : memref<128xi32, #tpu.memory_space<vmem>>) semaphore(%arg23 : memref<!tpu.dma_semaphore, #tpu.memory_space<semaphore_mem>>) {add = true}
      %ge3A = arith.constant 1 : i32
      %ge3A_592 = arith.cmpi sge, %add3A_579, %ge3A : i32
      %convert_element_type3A_593 = arith.extui %ge3A_592 : i1 to i32
      %cond3A_594 = arith.constant 0 : i32
      %cond3A_595 = arith.cmpi ne, %convert_element_type3A_593, %cond3A_594 : i32
      scf.if %cond3A_595 {
        %dma_wait3A_635 = arith.constant 0 : i32
        %dma_wait3A_636 = arith.constant 0 : i32
        %dma_wait3A_637 = tpu.memref_slice %arg6[%dma_wait3A_635, %dma_wait3A_636] : memref<100000x128xf32, #tpu.memory_space<hbm>> -> memref<128x128xf32, #tpu.memory_space<hbm>>
        %dma_wait3A_638 = arith.constant 0 : i32
        %dma_wait3A_639 = arith.constant 0 : i32
        %dma_wait3A_640 = tpu.memref_slice %arg6[%dma_wait3A_638, %dma_wait3A_639] : memref<100000x128xf32, #tpu.memory_space<hbm>> -> memref<128x128xf32, #tpu.memory_space<hbm>>
        tpu.wait_dma2 semaphore(%arg24 : memref<!tpu.dma_semaphore, #tpu.memory_space<semaphore_mem>>) src(%dma_wait3A_640 : memref<128x128xf32, #tpu.memory_space<hbm>>) dst(%arg18 : memref<128x128xf32, #tpu.memory_space<vmem>>)
      } else {
      }
      %add3A_596 = arith.constant 1 : i32
      %add3A_597 = arith.addi %add3A_577, %add3A_596 : i32
      %mul3A_598 = arith.constant 128 : i32
      %mul3A_599 = arith.muli %add3A_597, %mul3A_598 : i32
      %dma_start3A_600 = tpu.memref_slice %arg13[%mul3A_599] : memref<4096xi32, #tpu.memory_space<vmem>> -> memref<128xi32, #tpu.memory_space<vmem>>
      %dma_start3A_601 = arith.constant 0 : i32
      %dma_start3A_602 = arith.constant 0 : i32
      %dma_start3A_603 = tpu.memref_slice %arg6[%dma_start3A_601, %dma_start3A_602] : memref<100000x128xf32, #tpu.memory_space<hbm>> -> memref<100000x128xf32, #tpu.memory_space<hbm>>
      tpu.enqueue_indirect_dma source(%dma_start3A_603 : memref<100000x128xf32, #tpu.memory_space<hbm>>) target(%arg18 : memref<128x128xf32, #tpu.memory_space<vmem>>) offsets(%dma_start3A_600 : memref<128xi32, #tpu.memory_space<vmem>>) semaphore(%arg22 : memref<!tpu.dma_semaphore, #tpu.memory_space<semaphore_mem>>)
      %mul3A_604 = arith.constant 2 : i32
      %mul3A_605 = arith.muli %add3A_573, %mul3A_604 : i32
      %add3A_606 = arith.constant 1 : i32
      %add3A_607 = arith.addi %mul3A_605, %add3A_606 : i32
      %add3A_608 = arith.constant 0 : i32
      %add3A_609 = arith.addi %add3A_608, %add3A_607 : i32
      %dma_wait3A_610 = arith.constant 0 : i32
      %dma_wait3A_611 = arith.constant 0 : i32
      %dma_wait3A_612 = tpu.memref_slice %arg6[%dma_wait3A_610, %dma_wait3A_611] : memref<100000x128xf32, #tpu.memory_space<hbm>> -> memref<128x128xf32, #tpu.memory_space<hbm>>
      %dma_wait3A_613 = arith.constant 0 : i32
      %dma_wait3A_614 = arith.constant 0 : i32
      %dma_wait3A_615 = tpu.memref_slice %arg6[%dma_wait3A_613, %dma_wait3A_614] : memref<100000x128xf32, #tpu.memory_space<hbm>> -> memref<128x128xf32, #tpu.memory_space<hbm>>
      tpu.wait_dma2 semaphore(%arg22 : memref<!tpu.dma_semaphore, #tpu.memory_space<semaphore_mem>>) src(%dma_wait3A_615 : memref<128x128xf32, #tpu.memory_space<hbm>>) dst(%arg18 : memref<128x128xf32, #tpu.memory_space<vmem>>)
      %dma_start3A_616 = arith.constant 0 : i32
      %dma_start3A_617 = tpu.memref_slice %arg12[%add3A_609, %dma_start3A_616] : memref<128x128xi32, #tpu.memory_space<vmem>> -> memref<1x128xi32, #tpu.memory_space<vmem>>
      %dma_start3A_618 = tpu.memref_squeeze %dma_start3A_617 : memref<1x128xi32, #tpu.memory_space<vmem>> -> memref<128xi32, #tpu.memory_space<vmem>>
      %dma_start3A_619 = arith.constant 0 : i32
      %dma_start3A_620 = arith.constant 0 : i32
      %dma_start3A_621 = tpu.memref_slice %arg19[%dma_start3A_619, %dma_start3A_620] : memref<8192x128xf32, #tpu.memory_space<vmem_shared>> -> memref<8192x128xf32, #tpu.memory_space<vmem_shared>>
      tpu.enqueue_indirect_dma source(%arg18 : memref<128x128xf32, #tpu.memory_space<vmem>>) target(%dma_start3A_621 : memref<8192x128xf32, #tpu.memory_space<vmem_shared>>) offsets(%dma_start3A_618 : memref<128xi32, #tpu.memory_space<vmem>>) semaphore(%arg24 : memref<!tpu.dma_semaphore, #tpu.memory_space<semaphore_mem>>) {add = true}
      %ge3A_622 = arith.constant 1 : i32
      %ge3A_623 = arith.cmpi sge, %add3A_609, %ge3A_622 : i32
      %convert_element_type3A_624 = arith.extui %ge3A_623 : i1 to i32
      %cond3A_625 = arith.constant 0 : i32
      %cond3A_626 = arith.cmpi ne, %convert_element_type3A_624, %cond3A_625 : i32
      scf.if %cond3A_626 {
        %dma_wait3A_635 = arith.constant 0 : i32
        %dma_wait3A_636 = arith.constant 0 : i32
        %dma_wait3A_637 = tpu.memref_slice %arg6[%dma_wait3A_635, %dma_wait3A_636] : memref<100000x128xf32, #tpu.memory_space<hbm>> -> memref<128x128xf32, #tpu.memory_space<hbm>>
        %dma_wait3A_638 = arith.constant 0 : i32
        %dma_wait3A_639 = arith.constant 0 : i32
        %dma_wait3A_640 = tpu.memref_slice %arg6[%dma_wait3A_638, %dma_wait3A_639] : memref<100000x128xf32, #tpu.memory_space<hbm>> -> memref<128x128xf32, #tpu.memory_space<hbm>>
        tpu.wait_dma2 semaphore(%arg23 : memref<!tpu.dma_semaphore, #tpu.memory_space<semaphore_mem>>) src(%dma_wait3A_640 : memref<128x128xf32, #tpu.memory_space<hbm>>) dst(%arg17 : memref<128x128xf32, #tpu.memory_space<vmem>>)
      } else {
      }
      %add3A_627 = arith.constant 1 : i32
      %add3A_628 = arith.addi %add3A_607, %add3A_627 : i32
      %mul3A_629 = arith.constant 128 : i32
      %mul3A_630 = arith.muli %add3A_628, %mul3A_629 : i32
      %dma_start3A_631 = tpu.memref_slice %arg13[%mul3A_630] : memref<4096xi32, #tpu.memory_space<vmem>> -> memref<128xi32, #tpu.memory_space<vmem>>
      %dma_start3A_632 = arith.constant 0 : i32
      %dma_start3A_633 = arith.constant 0 : i32
      %dma_start3A_634 = tpu.memref_slice %arg6[%dma_start3A_632, %dma_start3A_633] : memref<100000x128xf32, #tpu.memory_space<hbm>> -> memref<100000x128xf32, #tpu.memory_space<hbm>>
      tpu.enqueue_indirect_dma source(%dma_start3A_634 : memref<100000x128xf32, #tpu.memory_space<hbm>>) target(%arg17 : memref<128x128xf32, #tpu.memory_space<vmem>>) offsets(%dma_start3A_631 : memref<128xi32, #tpu.memory_space<vmem>>) semaphore(%arg21 : memref<!tpu.dma_semaphore, #tpu.memory_space<semaphore_mem>>)
    }
    %scan3A_95 = arith.constant 15 : i32
    %dma_wait3A_96 = arith.constant 0 : i32
    %dma_wait3A_97 = arith.constant 0 : i32
    %dma_wait3A_98 = tpu.memref_slice %arg6[%dma_wait3A_96, %dma_wait3A_97] : memref<100000x128xf32, #tpu.memory_space<hbm>> -> memref<128x128xf32, #tpu.memory_space<hbm>>
    %dma_wait3A_99 = arith.constant 0 : i32
    %dma_wait3A_100 = arith.constant 0 : i32
    %dma_wait3A_101 = tpu.memref_slice %arg6[%dma_wait3A_99, %dma_wait3A_100] : memref<100000x128xf32, #tpu.memory_space<hbm>> -> memref<128x128xf32, #tpu.memory_space<hbm>>
    tpu.wait_dma2 semaphore(%arg21 : memref<!tpu.dma_semaphore, #tpu.memory_space<semaphore_mem>>) src(%dma_wait3A_101 : memref<128x128xf32, #tpu.memory_space<hbm>>) dst(%arg17 : memref<128x128xf32, #tpu.memory_space<vmem>>)
    %dma_start3A_102 = arith.constant 30 : i32
    %dma_start3A_103 = arith.constant 0 : i32
    %dma_start3A_104 = tpu.memref_slice %arg12[%dma_start3A_102, %dma_start3A_103] : memref<128x128xi32, #tpu.memory_space<vmem>> -> memref<1x128xi32, #tpu.memory_space<vmem>>
    %dma_start3A_105 = tpu.memref_squeeze %dma_start3A_104 : memref<1x128xi32, #tpu.memory_space<vmem>> -> memref<128xi32, #tpu.memory_space<vmem>>
    %dma_start3A_106 = arith.constant 0 : i32
    %dma_start3A_107 = arith.constant 0 : i32
    %dma_start3A_108 = tpu.memref_slice %arg19[%dma_start3A_106, %dma_start3A_107] : memref<8192x128xf32, #tpu.memory_space<vmem_shared>> -> memref<8192x128xf32, #tpu.memory_space<vmem_shared>>
    tpu.enqueue_indirect_dma source(%arg17 : memref<128x128xf32, #tpu.memory_space<vmem>>) target(%dma_start3A_108 : memref<8192x128xf32, #tpu.memory_space<vmem_shared>>) offsets(%dma_start3A_105 : memref<128xi32, #tpu.memory_space<vmem>>) semaphore(%arg23 : memref<!tpu.dma_semaphore, #tpu.memory_space<semaphore_mem>>) {add = true}
    %dma_wait3A_109 = arith.constant 0 : i32
    %dma_wait3A_110 = arith.constant 0 : i32
    %dma_wait3A_111 = tpu.memref_slice %arg6[%dma_wait3A_109, %dma_wait3A_110] : memref<100000x128xf32, #tpu.memory_space<hbm>> -> memref<128x128xf32, #tpu.memory_space<hbm>>
    %dma_wait3A_112 = arith.constant 0 : i32
    %dma_wait3A_113 = arith.constant 0 : i32
    %dma_wait3A_114 = tpu.memref_slice %arg6[%dma_wait3A_112, %dma_wait3A_113] : memref<100000x128xf32, #tpu.memory_space<hbm>> -> memref<128x128xf32, #tpu.memory_space<hbm>>
    tpu.wait_dma2 semaphore(%arg24 : memref<!tpu.dma_semaphore, #tpu.memory_space<semaphore_mem>>) src(%dma_wait3A_114 : memref<128x128xf32, #tpu.memory_space<hbm>>) dst(%arg18 : memref<128x128xf32, #tpu.memory_space<vmem>>)
    %dma_start3A_115 = arith.constant 3968 : i32
    %dma_start3A_116 = tpu.memref_slice %arg13[%dma_start3A_115] : memref<4096xi32, #tpu.memory_space<vmem>> -> memref<128xi32, #tpu.memory_space<vmem>>
    %dma_start3A_117 = arith.constant 0 : i32
    %dma_start3A_118 = arith.constant 0 : i32
    %dma_start3A_119 = tpu.memref_slice %arg6[%dma_start3A_117, %dma_start3A_118] : memref<100000x128xf32, #tpu.memory_space<hbm>> -> memref<100000x128xf32, #tpu.memory_space<hbm>>
    tpu.enqueue_indirect_dma source(%dma_start3A_119 : memref<100000x128xf32, #tpu.memory_space<hbm>>) target(%arg18 : memref<128x128xf32, #tpu.memory_space<vmem>>) offsets(%dma_start3A_116 : memref<128xi32, #tpu.memory_space<vmem>>) semaphore(%arg22 : memref<!tpu.dma_semaphore, #tpu.memory_space<semaphore_mem>>)
    %dma_wait3A_120 = arith.constant 0 : i32
    %dma_wait3A_121 = arith.constant 0 : i32
    %dma_wait3A_122 = tpu.memref_slice %arg6[%dma_wait3A_120, %dma_wait3A_121] : memref<100000x128xf32, #tpu.memory_space<hbm>> -> memref<128x128xf32, #tpu.memory_space<hbm>>
    %dma_wait3A_123 = arith.constant 0 : i32
    %dma_wait3A_124 = arith.constant 0 : i32
    %dma_wait3A_125 = tpu.memref_slice %arg6[%dma_wait3A_123, %dma_wait3A_124] : memref<100000x128xf32, #tpu.memory_space<hbm>> -> memref<128x128xf32, #tpu.memory_space<hbm>>
    tpu.wait_dma2 semaphore(%arg22 : memref<!tpu.dma_semaphore, #tpu.memory_space<semaphore_mem>>) src(%dma_wait3A_125 : memref<128x128xf32, #tpu.memory_space<hbm>>) dst(%arg18 : memref<128x128xf32, #tpu.memory_space<vmem>>)
    %dma_start3A_126 = arith.constant 31 : i32
    %dma_start3A_127 = arith.constant 0 : i32
    %dma_start3A_128 = tpu.memref_slice %arg12[%dma_start3A_126, %dma_start3A_127] : memref<128x128xi32, #tpu.memory_space<vmem>> -> memref<1x128xi32, #tpu.memory_space<vmem>>
    %dma_start3A_129 = tpu.memref_squeeze %dma_start3A_128 : memref<1x128xi32, #tpu.memory_space<vmem>> -> memref<128xi32, #tpu.memory_space<vmem>>
    %dma_start3A_130 = arith.constant 0 : i32
    %dma_start3A_131 = arith.constant 0 : i32
    %dma_start3A_132 = tpu.memref_slice %arg19[%dma_start3A_130, %dma_start3A_131] : memref<8192x128xf32, #tpu.memory_space<vmem_shared>> -> memref<8192x128xf32, #tpu.memory_space<vmem_shared>>
    tpu.enqueue_indirect_dma source(%arg18 : memref<128x128xf32, #tpu.memory_space<vmem>>) target(%dma_start3A_132 : memref<8192x128xf32, #tpu.memory_space<vmem_shared>>) offsets(%dma_start3A_129 : memref<128xi32, #tpu.memory_space<vmem>>) semaphore(%arg24 : memref<!tpu.dma_semaphore, #tpu.memory_space<semaphore_mem>>) {add = true}
    %dma_wait3A_133 = arith.constant 0 : i32
    %dma_wait3A_134 = arith.constant 0 : i32
    %dma_wait3A_135 = tpu.memref_slice %arg6[%dma_wait3A_133, %dma_wait3A_134] : memref<100000x128xf32, #tpu.memory_space<hbm>> -> memref<128x128xf32, #tpu.memory_space<hbm>>
    %dma_wait3A_136 = arith.constant 0 : i32
    %dma_wait3A_137 = arith.constant 0 : i32
    %dma_wait3A_138 = tpu.memref_slice %arg6[%dma_wait3A_136, %dma_wait3A_137] : memref<100000x128xf32, #tpu.memory_space<hbm>> -> memref<128x128xf32, #tpu.memory_space<hbm>>
    tpu.wait_dma2 semaphore(%arg23 : memref<!tpu.dma_semaphore, #tpu.memory_space<semaphore_mem>>) src(%dma_wait3A_138 : memref<128x128xf32, #tpu.memory_space<hbm>>) dst(%arg17 : memref<128x128xf32, #tpu.memory_space<vmem>>)
    %dma_start3A_139 = arith.constant 0 : i32
    %dma_start3A_140 = arith.constant 0 : i32
    %dma_start3A_141 = tpu.memref_slice %arg6[%dma_start3A_139, %dma_start3A_140] : memref<100000x128xf32, #tpu.memory_space<hbm>> -> memref<100000x128xf32, #tpu.memory_space<hbm>>
    tpu.enqueue_indirect_dma source(%dma_start3A_141 : memref<100000x128xf32, #tpu.memory_space<hbm>>) target(%arg17 : memref<128x128xf32, #tpu.memory_space<vmem>>) offsets(%arg15 : memref<128xi32, #tpu.memory_space<vmem>>) semaphore(%arg21 : memref<!tpu.dma_semaphore, #tpu.memory_space<semaphore_mem>>)
    %add3A_142 = arith.constant 4096 : i32
    %add3A_143 = arith.addi %mul3A_81, %add3A_142 : i32
    "tpu.region"() ({
      %run_scoped3A = tpu.sem_alloc : memref<!tpu.dma_semaphore, #tpu.memory_space<semaphore_mem>>
      %dma_start3A_569 = tpu.memref_slice %arg2[%add3A_143] : memref<524288xi32, #tpu.memory_space<hbm>> -> memref<4096xi32, #tpu.memory_space<hbm>>
      %dma_start3A_570 = tpu.memref_slice %arg2[%add3A_143] : memref<524288xi32, #tpu.memory_space<hbm>> -> memref<4096xi32, #tpu.memory_space<hbm>>
      tpu.enqueue_dma source(%dma_start3A_570 : memref<4096xi32, #tpu.memory_space<hbm>>) target(%arg13 : memref<4096xi32, #tpu.memory_space<vmem>>) target_semaphore(%run_scoped3A : memref<!tpu.dma_semaphore, #tpu.memory_space<semaphore_mem>>)
      %dma_wait3A_571 = tpu.memref_slice %arg2[%add3A_143] : memref<524288xi32, #tpu.memory_space<hbm>> -> memref<4096xi32, #tpu.memory_space<hbm>>
      %dma_wait3A_572 = tpu.memref_slice %arg2[%add3A_143] : memref<524288xi32, #tpu.memory_space<hbm>> -> memref<4096xi32, #tpu.memory_space<hbm>>
      tpu.wait_dma2 semaphore(%run_scoped3A : memref<!tpu.dma_semaphore, #tpu.memory_space<semaphore_mem>>) src(%dma_wait3A_572 : memref<4096xi32, #tpu.memory_space<hbm>>) dst(%arg13 : memref<4096xi32, #tpu.memory_space<vmem>>)
      tpu.yield
    }) : () -> ()
    %add3A_144 = arith.constant 8192 : i32
    %add3A_145 = arith.addi %mul3A_81, %add3A_144 : i32
    "tpu.region"() ({
      %run_scoped3A = tpu.sem_alloc : memref<!tpu.dma_semaphore, #tpu.memory_space<semaphore_mem>>
      %dma_start3A_569 = tpu.memref_slice %arg2[%add3A_145] : memref<524288xi32, #tpu.memory_space<hbm>> -> memref<128xi32, #tpu.memory_space<hbm>>
      %dma_start3A_570 = tpu.memref_slice %arg2[%add3A_145] : memref<524288xi32, #tpu.memory_space<hbm>> -> memref<128xi32, #tpu.memory_space<hbm>>
      tpu.enqueue_dma source(%dma_start3A_570 : memref<128xi32, #tpu.memory_space<hbm>>) target(%arg14 : memref<128xi32, #tpu.memory_space<vmem>>) target_semaphore(%run_scoped3A : memref<!tpu.dma_semaphore, #tpu.memory_space<semaphore_mem>>)
      %dma_wait3A_571 = tpu.memref_slice %arg2[%add3A_145] : memref<524288xi32, #tpu.memory_space<hbm>> -> memref<128xi32, #tpu.memory_space<hbm>>
      %dma_wait3A_572 = tpu.memref_slice %arg2[%add3A_145] : memref<524288xi32, #tpu.memory_space<hbm>> -> memref<128xi32, #tpu.memory_space<hbm>>
      tpu.wait_dma2 semaphore(%run_scoped3A : memref<!tpu.dma_semaphore, #tpu.memory_space<semaphore_mem>>) src(%dma_wait3A_572 : memref<128xi32, #tpu.memory_space<hbm>>) dst(%arg14 : memref<128xi32, #tpu.memory_space<vmem>>)
      tpu.yield
    }) : () -> ()
    %scan3A_146 = arith.constant 0 : i32
    %scan3A_147 = arith.constant 15 : i32
    %scan3A_148 = arith.addi %scan3A_146, %scan3A_147 : i32
    %scan3A_149 = arith.constant 1 : i32
    scf.for %scan3A_569 = %scan3A_146 to %scan3A_148 step %scan3A_149  : i32 {
      %mul3A_570 = arith.constant 1 : i32
      %mul3A_571 = arith.muli %scan3A_569, %mul3A_570 : i32
      %add3A_572 = arith.constant 0 : i32
      %add3A_573 = arith.addi %add3A_572, %mul3A_571 : i32
      %mul3A_574 = arith.constant 2 : i32
      %mul3A_575 = arith.muli %add3A_573, %mul3A_574 : i32
      %add3A_576 = arith.constant 0 : i32
      %add3A_577 = arith.addi %mul3A_575, %add3A_576 : i32
      %add3A_578 = arith.constant 32 : i32
      %add3A_579 = arith.addi %add3A_578, %add3A_577 : i32
      %dma_wait3A_580 = arith.constant 0 : i32
      %dma_wait3A_581 = arith.constant 0 : i32
      %dma_wait3A_582 = tpu.memref_slice %arg6[%dma_wait3A_580, %dma_wait3A_581] : memref<100000x128xf32, #tpu.memory_space<hbm>> -> memref<128x128xf32, #tpu.memory_space<hbm>>
      %dma_wait3A_583 = arith.constant 0 : i32
      %dma_wait3A_584 = arith.constant 0 : i32
      %dma_wait3A_585 = tpu.memref_slice %arg6[%dma_wait3A_583, %dma_wait3A_584] : memref<100000x128xf32, #tpu.memory_space<hbm>> -> memref<128x128xf32, #tpu.memory_space<hbm>>
      tpu.wait_dma2 semaphore(%arg21 : memref<!tpu.dma_semaphore, #tpu.memory_space<semaphore_mem>>) src(%dma_wait3A_585 : memref<128x128xf32, #tpu.memory_space<hbm>>) dst(%arg17 : memref<128x128xf32, #tpu.memory_space<vmem>>)
      %dma_start3A_586 = arith.constant 0 : i32
      %dma_start3A_587 = tpu.memref_slice %arg12[%add3A_579, %dma_start3A_586] : memref<128x128xi32, #tpu.memory_space<vmem>> -> memref<1x128xi32, #tpu.memory_space<vmem>>
      %dma_start3A_588 = tpu.memref_squeeze %dma_start3A_587 : memref<1x128xi32, #tpu.memory_space<vmem>> -> memref<128xi32, #tpu.memory_space<vmem>>
      %dma_start3A_589 = arith.constant 0 : i32
      %dma_start3A_590 = arith.constant 0 : i32
      %dma_start3A_591 = tpu.memref_slice %arg19[%dma_start3A_589, %dma_start3A_590] : memref<8192x128xf32, #tpu.memory_space<vmem_shared>> -> memref<8192x128xf32, #tpu.memory_space<vmem_shared>>
      tpu.enqueue_indirect_dma source(%arg17 : memref<128x128xf32, #tpu.memory_space<vmem>>) target(%dma_start3A_591 : memref<8192x128xf32, #tpu.memory_space<vmem_shared>>) offsets(%dma_start3A_588 : memref<128xi32, #tpu.memory_space<vmem>>) semaphore(%arg23 : memref<!tpu.dma_semaphore, #tpu.memory_space<semaphore_mem>>) {add = true}
      %dma_wait3A_592 = arith.constant 0 : i32
      %dma_wait3A_593 = arith.constant 0 : i32
      %dma_wait3A_594 = tpu.memref_slice %arg6[%dma_wait3A_592, %dma_wait3A_593] : memref<100000x128xf32, #tpu.memory_space<hbm>> -> memref<128x128xf32, #tpu.memory_space<hbm>>
      %dma_wait3A_595 = arith.constant 0 : i32
      %dma_wait3A_596 = arith.constant 0 : i32
      %dma_wait3A_597 = tpu.memref_slice %arg6[%dma_wait3A_595, %dma_wait3A_596] : memref<100000x128xf32, #tpu.memory_space<hbm>> -> memref<128x128xf32, #tpu.memory_space<hbm>>
      tpu.wait_dma2 semaphore(%arg24 : memref<!tpu.dma_semaphore, #tpu.memory_space<semaphore_mem>>) src(%dma_wait3A_597 : memref<128x128xf32, #tpu.memory_space<hbm>>) dst(%arg18 : memref<128x128xf32, #tpu.memory_space<vmem>>)
      %add3A_598 = arith.constant 1 : i32
      %add3A_599 = arith.addi %add3A_577, %add3A_598 : i32
      %mul3A_600 = arith.constant 128 : i32
      %mul3A_601 = arith.muli %add3A_599, %mul3A_600 : i32
      %dma_start3A_602 = tpu.memref_slice %arg13[%mul3A_601] : memref<4096xi32, #tpu.memory_space<vmem>> -> memref<128xi32, #tpu.memory_space<vmem>>
      %dma_start3A_603 = arith.constant 0 : i32
      %dma_start3A_604 = arith.constant 0 : i32
      %dma_start3A_605 = tpu.memref_slice %arg6[%dma_start3A_603, %dma_start3A_604] : memref<100000x128xf32, #tpu.memory_space<hbm>> -> memref<100000x128xf32, #tpu.memory_space<hbm>>
      tpu.enqueue_indirect_dma source(%dma_start3A_605 : memref<100000x128xf32, #tpu.memory_space<hbm>>) target(%arg18 : memref<128x128xf32, #tpu.memory_space<vmem>>) offsets(%dma_start3A_602 : memref<128xi32, #tpu.memory_space<vmem>>) semaphore(%arg22 : memref<!tpu.dma_semaphore, #tpu.memory_space<semaphore_mem>>)
      %mul3A_606 = arith.constant 2 : i32
      %mul3A_607 = arith.muli %add3A_573, %mul3A_606 : i32
      %add3A_608 = arith.constant 1 : i32
      %add3A_609 = arith.addi %mul3A_607, %add3A_608 : i32
      %add3A_610 = arith.constant 32 : i32
      %add3A_611 = arith.addi %add3A_610, %add3A_609 : i32
      %dma_wait3A_612 = arith.constant 0 : i32
      %dma_wait3A_613 = arith.constant 0 : i32
      %dma_wait3A_614 = tpu.memref_slice %arg6[%dma_wait3A_612, %dma_wait3A_613] : memref<100000x128xf32, #tpu.memory_space<hbm>> -> memref<128x128xf32, #tpu.memory_space<hbm>>
      %dma_wait3A_615 = arith.constant 0 : i32
      %dma_wait3A_616 = arith.constant 0 : i32
      %dma_wait3A_617 = tpu.memref_slice %arg6[%dma_wait3A_615, %dma_wait3A_616] : memref<100000x128xf32, #tpu.memory_space<hbm>> -> memref<128x128xf32, #tpu.memory_space<hbm>>
      tpu.wait_dma2 semaphore(%arg22 : memref<!tpu.dma_semaphore, #tpu.memory_space<semaphore_mem>>) src(%dma_wait3A_617 : memref<128x128xf32, #tpu.memory_space<hbm>>) dst(%arg18 : memref<128x128xf32, #tpu.memory_space<vmem>>)
      %dma_start3A_618 = arith.constant 0 : i32
      %dma_start3A_619 = tpu.memref_slice %arg12[%add3A_611, %dma_start3A_618] : memref<128x128xi32, #tpu.memory_space<vmem>> -> memref<1x128xi32, #tpu.memory_space<vmem>>
      %dma_start3A_620 = tpu.memref_squeeze %dma_start3A_619 : memref<1x128xi32, #tpu.memory_space<vmem>> -> memref<128xi32, #tpu.memory_space<vmem>>
      %dma_start3A_621 = arith.constant 0 : i32
      %dma_start3A_622 = arith.constant 0 : i32
      %dma_start3A_623 = tpu.memref_slice %arg19[%dma_start3A_621, %dma_start3A_622] : memref<8192x128xf32, #tpu.memory_space<vmem_shared>> -> memref<8192x128xf32, #tpu.memory_space<vmem_shared>>
      tpu.enqueue_indirect_dma source(%arg18 : memref<128x128xf32, #tpu.memory_space<vmem>>) target(%dma_start3A_623 : memref<8192x128xf32, #tpu.memory_space<vmem_shared>>) offsets(%dma_start3A_620 : memref<128xi32, #tpu.memory_space<vmem>>) semaphore(%arg24 : memref<!tpu.dma_semaphore, #tpu.memory_space<semaphore_mem>>) {add = true}
      %dma_wait3A_624 = arith.constant 0 : i32
      %dma_wait3A_625 = arith.constant 0 : i32
      %dma_wait3A_626 = tpu.memref_slice %arg6[%dma_wait3A_624, %dma_wait3A_625] : memref<100000x128xf32, #tpu.memory_space<hbm>> -> memref<128x128xf32, #tpu.memory_space<hbm>>
      %dma_wait3A_627 = arith.constant 0 : i32
      %dma_wait3A_628 = arith.constant 0 : i32
      %dma_wait3A_629 = tpu.memref_slice %arg6[%dma_wait3A_627, %dma_wait3A_628] : memref<100000x128xf32, #tpu.memory_space<hbm>> -> memref<128x128xf32, #tpu.memory_space<hbm>>
      tpu.wait_dma2 semaphore(%arg23 : memref<!tpu.dma_semaphore, #tpu.memory_space<semaphore_mem>>) src(%dma_wait3A_629 : memref<128x128xf32, #tpu.memory_space<hbm>>) dst(%arg17 : memref<128x128xf32, #tpu.memory_space<vmem>>)
      %add3A_630 = arith.constant 1 : i32
      %add3A_631 = arith.addi %add3A_609, %add3A_630 : i32
      %mul3A_632 = arith.constant 128 : i32
      %mul3A_633 = arith.muli %add3A_631, %mul3A_632 : i32
      %dma_start3A_634 = tpu.memref_slice %arg13[%mul3A_633] : memref<4096xi32, #tpu.memory_space<vmem>> -> memref<128xi32, #tpu.memory_space<vmem>>
      %dma_start3A_635 = arith.constant 0 : i32
      %dma_start3A_636 = arith.constant 0 : i32
      %dma_start3A_637 = tpu.memref_slice %arg6[%dma_start3A_635, %dma_start3A_636] : memref<100000x128xf32, #tpu.memory_space<hbm>> -> memref<100000x128xf32, #tpu.memory_space<hbm>>
      tpu.enqueue_indirect_dma source(%dma_start3A_637 : memref<100000x128xf32, #tpu.memory_space<hbm>>) target(%arg17 : memref<128x128xf32, #tpu.memory_space<vmem>>) offsets(%dma_start3A_634 : memref<128xi32, #tpu.memory_space<vmem>>) semaphore(%arg21 : memref<!tpu.dma_semaphore, #tpu.memory_space<semaphore_mem>>)
    }
    %scan3A_150 = arith.constant 15 : i32
    %dma_wait3A_151 = arith.constant 0 : i32
    %dma_wait3A_152 = arith.constant 0 : i32
    %dma_wait3A_153 = tpu.memref_slice %arg6[%dma_wait3A_151, %dma_wait3A_152] : memref<100000x128xf32, #tpu.memory_space<hbm>> -> memref<128x128xf32, #tpu.memory_space<hbm>>
    %dma_wait3A_154 = arith.constant 0 : i32
    %dma_wait3A_155 = arith.constant 0 : i32
    %dma_wait3A_156 = tpu.memref_slice %arg6[%dma_wait3A_154, %dma_wait3A_155] : memref<100000x128xf32, #tpu.memory_space<hbm>> -> memref<128x128xf32, #tpu.memory_space<hbm>>
    tpu.wait_dma2 semaphore(%arg21 : memref<!tpu.dma_semaphore, #tpu.memory_space<semaphore_mem>>) src(%dma_wait3A_156 : memref<128x128xf32, #tpu.memory_space<hbm>>) dst(%arg17 : memref<128x128xf32, #tpu.memory_space<vmem>>)
    %dma_start3A_157 = arith.constant 62 : i32
    %dma_start3A_158 = arith.constant 0 : i32
    %dma_start3A_159 = tpu.memref_slice %arg12[%dma_start3A_157, %dma_start3A_158] : memref<128x128xi32, #tpu.memory_space<vmem>> -> memref<1x128xi32, #tpu.memory_space<vmem>>
    %dma_start3A_160 = tpu.memref_squeeze %dma_start3A_159 : memref<1x128xi32, #tpu.memory_space<vmem>> -> memref<128xi32, #tpu.memory_space<vmem>>
    %dma_start3A_161 = arith.constant 0 : i32
    %dma_start3A_162 = arith.constant 0 : i32
    %dma_start3A_163 = tpu.memref_slice %arg19[%dma_start3A_161, %dma_start3A_162] : memref<8192x128xf32, #tpu.memory_space<vmem_shared>> -> memref<8192x128xf32, #tpu.memory_space<vmem_shared>>
    tpu.enqueue_indirect_dma source(%arg17 : memref<128x128xf32, #tpu.memory_space<vmem>>) target(%dma_start3A_163 : memref<8192x128xf32, #tpu.memory_space<vmem_shared>>) offsets(%dma_start3A_160 : memref<128xi32, #tpu.memory_space<vmem>>) semaphore(%arg23 : memref<!tpu.dma_semaphore, #tpu.memory_space<semaphore_mem>>) {add = true}
    %dma_wait3A_164 = arith.constant 0 : i32
    %dma_wait3A_165 = arith.constant 0 : i32
    %dma_wait3A_166 = tpu.memref_slice %arg6[%dma_wait3A_164, %dma_wait3A_165] : memref<100000x128xf32, #tpu.memory_space<hbm>> -> memref<128x128xf32, #tpu.memory_space<hbm>>
    %dma_wait3A_167 = arith.constant 0 : i32
    %dma_wait3A_168 = arith.constant 0 : i32
    %dma_wait3A_169 = tpu.memref_slice %arg6[%dma_wait3A_167, %dma_wait3A_168] : memref<100000x128xf32, #tpu.memory_space<hbm>> -> memref<128x128xf32, #tpu.memory_space<hbm>>
    tpu.wait_dma2 semaphore(%arg24 : memref<!tpu.dma_semaphore, #tpu.memory_space<semaphore_mem>>) src(%dma_wait3A_169 : memref<128x128xf32, #tpu.memory_space<hbm>>) dst(%arg18 : memref<128x128xf32, #tpu.memory_space<vmem>>)
    %dma_start3A_170 = arith.constant 3968 : i32
    %dma_start3A_171 = tpu.memref_slice %arg13[%dma_start3A_170] : memref<4096xi32, #tpu.memory_space<vmem>> -> memref<128xi32, #tpu.memory_space<vmem>>
    %dma_start3A_172 = arith.constant 0 : i32
    %dma_start3A_173 = arith.constant 0 : i32
    %dma_start3A_174 = tpu.memref_slice %arg6[%dma_start3A_172, %dma_start3A_173] : memref<100000x128xf32, #tpu.memory_space<hbm>> -> memref<100000x128xf32, #tpu.memory_space<hbm>>
    tpu.enqueue_indirect_dma source(%dma_start3A_174 : memref<100000x128xf32, #tpu.memory_space<hbm>>) target(%arg18 : memref<128x128xf32, #tpu.memory_space<vmem>>) offsets(%dma_start3A_171 : memref<128xi32, #tpu.memory_space<vmem>>) semaphore(%arg22 : memref<!tpu.dma_semaphore, #tpu.memory_space<semaphore_mem>>)
    %dma_wait3A_175 = arith.constant 0 : i32
    %dma_wait3A_176 = arith.constant 0 : i32
    %dma_wait3A_177 = tpu.memref_slice %arg6[%dma_wait3A_175, %dma_wait3A_176] : memref<100000x128xf32, #tpu.memory_space<hbm>> -> memref<128x128xf32, #tpu.memory_space<hbm>>
    %dma_wait3A_178 = arith.constant 0 : i32
    %dma_wait3A_179 = arith.constant 0 : i32
    %dma_wait3A_180 = tpu.memref_slice %arg6[%dma_wait3A_178, %dma_wait3A_179] : memref<100000x128xf32, #tpu.memory_space<hbm>> -> memref<128x128xf32, #tpu.memory_space<hbm>>
    tpu.wait_dma2 semaphore(%arg22 : memref<!tpu.dma_semaphore, #tpu.memory_space<semaphore_mem>>) src(%dma_wait3A_180 : memref<128x128xf32, #tpu.memory_space<hbm>>) dst(%arg18 : memref<128x128xf32, #tpu.memory_space<vmem>>)
    %dma_start3A_181 = arith.constant 63 : i32
    %dma_start3A_182 = arith.constant 0 : i32
    %dma_start3A_183 = tpu.memref_slice %arg12[%dma_start3A_181, %dma_start3A_182] : memref<128x128xi32, #tpu.memory_space<vmem>> -> memref<1x128xi32, #tpu.memory_space<vmem>>
    %dma_start3A_184 = tpu.memref_squeeze %dma_start3A_183 : memref<1x128xi32, #tpu.memory_space<vmem>> -> memref<128xi32, #tpu.memory_space<vmem>>
    %dma_start3A_185 = arith.constant 0 : i32
    %dma_start3A_186 = arith.constant 0 : i32
    %dma_start3A_187 = tpu.memref_slice %arg19[%dma_start3A_185, %dma_start3A_186] : memref<8192x128xf32, #tpu.memory_space<vmem_shared>> -> memref<8192x128xf32, #tpu.memory_space<vmem_shared>>
    tpu.enqueue_indirect_dma source(%arg18 : memref<128x128xf32, #tpu.memory_space<vmem>>) target(%dma_start3A_187 : memref<8192x128xf32, #tpu.memory_space<vmem_shared>>) offsets(%dma_start3A_184 : memref<128xi32, #tpu.memory_space<vmem>>) semaphore(%arg24 : memref<!tpu.dma_semaphore, #tpu.memory_space<semaphore_mem>>) {add = true}
    %dma_wait3A_188 = arith.constant 0 : i32
    %dma_wait3A_189 = arith.constant 0 : i32
    %dma_wait3A_190 = tpu.memref_slice %arg6[%dma_wait3A_188, %dma_wait3A_189] : memref<100000x128xf32, #tpu.memory_space<hbm>> -> memref<128x128xf32, #tpu.memory_space<hbm>>
    %dma_wait3A_191 = arith.constant 0 : i32
    %dma_wait3A_192 = arith.constant 0 : i32
    %dma_wait3A_193 = tpu.memref_slice %arg6[%dma_wait3A_191, %dma_wait3A_192] : memref<100000x128xf32, #tpu.memory_space<hbm>> -> memref<128x128xf32, #tpu.memory_space<hbm>>
    tpu.wait_dma2 semaphore(%arg23 : memref<!tpu.dma_semaphore, #tpu.memory_space<semaphore_mem>>) src(%dma_wait3A_193 : memref<128x128xf32, #tpu.memory_space<hbm>>) dst(%arg17 : memref<128x128xf32, #tpu.memory_space<vmem>>)
    %dma_start3A_194 = arith.constant 0 : i32
    %dma_start3A_195 = arith.constant 0 : i32
    %dma_start3A_196 = tpu.memref_slice %arg6[%dma_start3A_194, %dma_start3A_195] : memref<100000x128xf32, #tpu.memory_space<hbm>> -> memref<100000x128xf32, #tpu.memory_space<hbm>>
    tpu.enqueue_indirect_dma source(%dma_start3A_196 : memref<100000x128xf32, #tpu.memory_space<hbm>>) target(%arg17 : memref<128x128xf32, #tpu.memory_space<vmem>>) offsets(%arg14 : memref<128xi32, #tpu.memory_space<vmem>>) semaphore(%arg21 : memref<!tpu.dma_semaphore, #tpu.memory_space<semaphore_mem>>)
    %add3A_197 = arith.constant 8192 : i32
    %add3A_198 = arith.addi %mul3A_81, %add3A_197 : i32
    "tpu.region"() ({
      %run_scoped3A = tpu.sem_alloc : memref<!tpu.dma_semaphore, #tpu.memory_space<semaphore_mem>>
      %dma_start3A_569 = tpu.memref_slice %arg2[%add3A_198] : memref<524288xi32, #tpu.memory_space<hbm>> -> memref<4096xi32, #tpu.memory_space<hbm>>
      %dma_start3A_570 = tpu.memref_slice %arg2[%add3A_198] : memref<524288xi32, #tpu.memory_space<hbm>> -> memref<4096xi32, #tpu.memory_space<hbm>>
      tpu.enqueue_dma source(%dma_start3A_570 : memref<4096xi32, #tpu.memory_space<hbm>>) target(%arg13 : memref<4096xi32, #tpu.memory_space<vmem>>) target_semaphore(%run_scoped3A : memref<!tpu.dma_semaphore, #tpu.memory_space<semaphore_mem>>)
      %dma_wait3A_571 = tpu.memref_slice %arg2[%add3A_198] : memref<524288xi32, #tpu.memory_space<hbm>> -> memref<4096xi32, #tpu.memory_space<hbm>>
      %dma_wait3A_572 = tpu.memref_slice %arg2[%add3A_198] : memref<524288xi32, #tpu.memory_space<hbm>> -> memref<4096xi32, #tpu.memory_space<hbm>>
      tpu.wait_dma2 semaphore(%run_scoped3A : memref<!tpu.dma_semaphore, #tpu.memory_space<semaphore_mem>>) src(%dma_wait3A_572 : memref<4096xi32, #tpu.memory_space<hbm>>) dst(%arg13 : memref<4096xi32, #tpu.memory_space<vmem>>)
      tpu.yield
    }) : () -> ()
    %add3A_199 = arith.constant 12288 : i32
    %add3A_200 = arith.addi %mul3A_81, %add3A_199 : i32
    "tpu.region"() ({
      %run_scoped3A = tpu.sem_alloc : memref<!tpu.dma_semaphore, #tpu.memory_space<semaphore_mem>>
      %dma_start3A_569 = tpu.memref_slice %arg2[%add3A_200] : memref<524288xi32, #tpu.memory_space<hbm>> -> memref<128xi32, #tpu.memory_space<hbm>>
      %dma_start3A_570 = tpu.memref_slice %arg2[%add3A_200] : memref<524288xi32, #tpu.memory_space<hbm>> -> memref<128xi32, #tpu.memory_space<hbm>>
      tpu.enqueue_dma source(%dma_start3A_570 : memref<128xi32, #tpu.memory_space<hbm>>) target(%arg15 : memref<128xi32, #tpu.memory_space<vmem>>) target_semaphore(%run_scoped3A : memref<!tpu.dma_semaphore, #tpu.memory_space<semaphore_mem>>)
      %dma_wait3A_571 = tpu.memref_slice %arg2[%add3A_200] : memref<524288xi32, #tpu.memory_space<hbm>> -> memref<128xi32, #tpu.memory_space<hbm>>
      %dma_wait3A_572 = tpu.memref_slice %arg2[%add3A_200] : memref<524288xi32, #tpu.memory_space<hbm>> -> memref<128xi32, #tpu.memory_space<hbm>>
      tpu.wait_dma2 semaphore(%run_scoped3A : memref<!tpu.dma_semaphore, #tpu.memory_space<semaphore_mem>>) src(%dma_wait3A_572 : memref<128xi32, #tpu.memory_space<hbm>>) dst(%arg15 : memref<128xi32, #tpu.memory_space<vmem>>)
      tpu.yield
    }) : () -> ()
    %scan3A_201 = arith.constant 0 : i32
    %scan3A_202 = arith.constant 15 : i32
    %scan3A_203 = arith.addi %scan3A_201, %scan3A_202 : i32
    %scan3A_204 = arith.constant 1 : i32
    scf.for %scan3A_569 = %scan3A_201 to %scan3A_203 step %scan3A_204  : i32 {
      %mul3A_570 = arith.constant 1 : i32
      %mul3A_571 = arith.muli %scan3A_569, %mul3A_570 : i32
      %add3A_572 = arith.constant 0 : i32
      %add3A_573 = arith.addi %add3A_572, %mul3A_571 : i32
      %mul3A_574 = arith.constant 2 : i32
      %mul3A_575 = arith.muli %add3A_573, %mul3A_574 : i32
      %add3A_576 = arith.constant 0 : i32
      %add3A_577 = arith.addi %mul3A_575, %add3A_576 : i32
      %add3A_578 = arith.constant 64 : i32
      %add3A_579 = arith.addi %add3A_578, %add3A_577 : i32
      %dma_wait3A_580 = arith.constant 0 : i32
      %dma_wait3A_581 = arith.constant 0 : i32
      %dma_wait3A_582 = tpu.memref_slice %arg6[%dma_wait3A_580, %dma_wait3A_581] : memref<100000x128xf32, #tpu.memory_space<hbm>> -> memref<128x128xf32, #tpu.memory_space<hbm>>
      %dma_wait3A_583 = arith.constant 0 : i32
      %dma_wait3A_584 = arith.constant 0 : i32
      %dma_wait3A_585 = tpu.memref_slice %arg6[%dma_wait3A_583, %dma_wait3A_584] : memref<100000x128xf32, #tpu.memory_space<hbm>> -> memref<128x128xf32, #tpu.memory_space<hbm>>
      tpu.wait_dma2 semaphore(%arg21 : memref<!tpu.dma_semaphore, #tpu.memory_space<semaphore_mem>>) src(%dma_wait3A_585 : memref<128x128xf32, #tpu.memory_space<hbm>>) dst(%arg17 : memref<128x128xf32, #tpu.memory_space<vmem>>)
      %dma_start3A_586 = arith.constant 0 : i32
      %dma_start3A_587 = tpu.memref_slice %arg12[%add3A_579, %dma_start3A_586] : memref<128x128xi32, #tpu.memory_space<vmem>> -> memref<1x128xi32, #tpu.memory_space<vmem>>
      %dma_start3A_588 = tpu.memref_squeeze %dma_start3A_587 : memref<1x128xi32, #tpu.memory_space<vmem>> -> memref<128xi32, #tpu.memory_space<vmem>>
      %dma_start3A_589 = arith.constant 0 : i32
      %dma_start3A_590 = arith.constant 0 : i32
      %dma_start3A_591 = tpu.memref_slice %arg19[%dma_start3A_589, %dma_start3A_590] : memref<8192x128xf32, #tpu.memory_space<vmem_shared>> -> memref<8192x128xf32, #tpu.memory_space<vmem_shared>>
      tpu.enqueue_indirect_dma source(%arg17 : memref<128x128xf32, #tpu.memory_space<vmem>>) target(%dma_start3A_591 : memref<8192x128xf32, #tpu.memory_space<vmem_shared>>) offsets(%dma_start3A_588 : memref<128xi32, #tpu.memory_space<vmem>>) semaphore(%arg23 : memref<!tpu.dma_semaphore, #tpu.memory_space<semaphore_mem>>) {add = true}
      %dma_wait3A_592 = arith.constant 0 : i32
      %dma_wait3A_593 = arith.constant 0 : i32
      %dma_wait3A_594 = tpu.memref_slice %arg6[%dma_wait3A_592, %dma_wait3A_593] : memref<100000x128xf32, #tpu.memory_space<hbm>> -> memref<128x128xf32, #tpu.memory_space<hbm>>
      %dma_wait3A_595 = arith.constant 0 : i32
      %dma_wait3A_596 = arith.constant 0 : i32
      %dma_wait3A_597 = tpu.memref_slice %arg6[%dma_wait3A_595, %dma_wait3A_596] : memref<100000x128xf32, #tpu.memory_space<hbm>> -> memref<128x128xf32, #tpu.memory_space<hbm>>
      tpu.wait_dma2 semaphore(%arg24 : memref<!tpu.dma_semaphore, #tpu.memory_space<semaphore_mem>>) src(%dma_wait3A_597 : memref<128x128xf32, #tpu.memory_space<hbm>>) dst(%arg18 : memref<128x128xf32, #tpu.memory_space<vmem>>)
      %add3A_598 = arith.constant 1 : i32
      %add3A_599 = arith.addi %add3A_577, %add3A_598 : i32
      %mul3A_600 = arith.constant 128 : i32
      %mul3A_601 = arith.muli %add3A_599, %mul3A_600 : i32
      %dma_start3A_602 = tpu.memref_slice %arg13[%mul3A_601] : memref<4096xi32, #tpu.memory_space<vmem>> -> memref<128xi32, #tpu.memory_space<vmem>>
      %dma_start3A_603 = arith.constant 0 : i32
      %dma_start3A_604 = arith.constant 0 : i32
      %dma_start3A_605 = tpu.memref_slice %arg6[%dma_start3A_603, %dma_start3A_604] : memref<100000x128xf32, #tpu.memory_space<hbm>> -> memref<100000x128xf32, #tpu.memory_space<hbm>>
      tpu.enqueue_indirect_dma source(%dma_start3A_605 : memref<100000x128xf32, #tpu.memory_space<hbm>>) target(%arg18 : memref<128x128xf32, #tpu.memory_space<vmem>>) offsets(%dma_start3A_602 : memref<128xi32, #tpu.memory_space<vmem>>) semaphore(%arg22 : memref<!tpu.dma_semaphore, #tpu.memory_space<semaphore_mem>>)
      %mul3A_606 = arith.constant 2 : i32
      %mul3A_607 = arith.muli %add3A_573, %mul3A_606 : i32
      %add3A_608 = arith.constant 1 : i32
      %add3A_609 = arith.addi %mul3A_607, %add3A_608 : i32
      %add3A_610 = arith.constant 64 : i32
      %add3A_611 = arith.addi %add3A_610, %add3A_609 : i32
      %dma_wait3A_612 = arith.constant 0 : i32
      %dma_wait3A_613 = arith.constant 0 : i32
      %dma_wait3A_614 = tpu.memref_slice %arg6[%dma_wait3A_612, %dma_wait3A_613] : memref<100000x128xf32, #tpu.memory_space<hbm>> -> memref<128x128xf32, #tpu.memory_space<hbm>>
      %dma_wait3A_615 = arith.constant 0 : i32
      %dma_wait3A_616 = arith.constant 0 : i32
      %dma_wait3A_617 = tpu.memref_slice %arg6[%dma_wait3A_615, %dma_wait3A_616] : memref<100000x128xf32, #tpu.memory_space<hbm>> -> memref<128x128xf32, #tpu.memory_space<hbm>>
      tpu.wait_dma2 semaphore(%arg22 : memref<!tpu.dma_semaphore, #tpu.memory_space<semaphore_mem>>) src(%dma_wait3A_617 : memref<128x128xf32, #tpu.memory_space<hbm>>) dst(%arg18 : memref<128x128xf32, #tpu.memory_space<vmem>>)
      %dma_start3A_618 = arith.constant 0 : i32
      %dma_start3A_619 = tpu.memref_slice %arg12[%add3A_611, %dma_start3A_618] : memref<128x128xi32, #tpu.memory_space<vmem>> -> memref<1x128xi32, #tpu.memory_space<vmem>>
      %dma_start3A_620 = tpu.memref_squeeze %dma_start3A_619 : memref<1x128xi32, #tpu.memory_space<vmem>> -> memref<128xi32, #tpu.memory_space<vmem>>
      %dma_start3A_621 = arith.constant 0 : i32
      %dma_start3A_622 = arith.constant 0 : i32
      %dma_start3A_623 = tpu.memref_slice %arg19[%dma_start3A_621, %dma_start3A_622] : memref<8192x128xf32, #tpu.memory_space<vmem_shared>> -> memref<8192x128xf32, #tpu.memory_space<vmem_shared>>
      tpu.enqueue_indirect_dma source(%arg18 : memref<128x128xf32, #tpu.memory_space<vmem>>) target(%dma_start3A_623 : memref<8192x128xf32, #tpu.memory_space<vmem_shared>>) offsets(%dma_start3A_620 : memref<128xi32, #tpu.memory_space<vmem>>) semaphore(%arg24 : memref<!tpu.dma_semaphore, #tpu.memory_space<semaphore_mem>>) {add = true}
      %dma_wait3A_624 = arith.constant 0 : i32
      %dma_wait3A_625 = arith.constant 0 : i32
      %dma_wait3A_626 = tpu.memref_slice %arg6[%dma_wait3A_624, %dma_wait3A_625] : memref<100000x128xf32, #tpu.memory_space<hbm>> -> memref<128x128xf32, #tpu.memory_space<hbm>>
      %dma_wait3A_627 = arith.constant 0 : i32
      %dma_wait3A_628 = arith.constant 0 : i32
      %dma_wait3A_629 = tpu.memref_slice %arg6[%dma_wait3A_627, %dma_wait3A_628] : memref<100000x128xf32, #tpu.memory_space<hbm>> -> memref<128x128xf32, #tpu.memory_space<hbm>>
      tpu.wait_dma2 semaphore(%arg23 : memref<!tpu.dma_semaphore, #tpu.memory_space<semaphore_mem>>) src(%dma_wait3A_629 : memref<128x128xf32, #tpu.memory_space<hbm>>) dst(%arg17 : memref<128x128xf32, #tpu.memory_space<vmem>>)
      %add3A_630 = arith.constant 1 : i32
      %add3A_631 = arith.addi %add3A_609, %add3A_630 : i32
      %mul3A_632 = arith.constant 128 : i32
      %mul3A_633 = arith.muli %add3A_631, %mul3A_632 : i32
      %dma_start3A_634 = tpu.memref_slice %arg13[%mul3A_633] : memref<4096xi32, #tpu.memory_space<vmem>> -> memref<128xi32, #tpu.memory_space<vmem>>
      %dma_start3A_635 = arith.constant 0 : i32
      %dma_start3A_636 = arith.constant 0 : i32
      %dma_start3A_637 = tpu.memref_slice %arg6[%dma_start3A_635, %dma_start3A_636] : memref<100000x128xf32, #tpu.memory_space<hbm>> -> memref<100000x128xf32, #tpu.memory_space<hbm>>
      tpu.enqueue_indirect_dma source(%dma_start3A_637 : memref<100000x128xf32, #tpu.memory_space<hbm>>) target(%arg17 : memref<128x128xf32, #tpu.memory_space<vmem>>) offsets(%dma_start3A_634 : memref<128xi32, #tpu.memory_space<vmem>>) semaphore(%arg21 : memref<!tpu.dma_semaphore, #tpu.memory_space<semaphore_mem>>)
    }
    %scan3A_205 = arith.constant 15 : i32
    %dma_wait3A_206 = arith.constant 0 : i32
    %dma_wait3A_207 = arith.constant 0 : i32
    %dma_wait3A_208 = tpu.memref_slice %arg6[%dma_wait3A_206, %dma_wait3A_207] : memref<100000x128xf32, #tpu.memory_space<hbm>> -> memref<128x128xf32, #tpu.memory_space<hbm>>
    %dma_wait3A_209 = arith.constant 0 : i32
    %dma_wait3A_210 = arith.constant 0 : i32
    %dma_wait3A_211 = tpu.memref_slice %arg6[%dma_wait3A_209, %dma_wait3A_210] : memref<100000x128xf32, #tpu.memory_space<hbm>> -> memref<128x128xf32, #tpu.memory_space<hbm>>
    tpu.wait_dma2 semaphore(%arg21 : memref<!tpu.dma_semaphore, #tpu.memory_space<semaphore_mem>>) src(%dma_wait3A_211 : memref<128x128xf32, #tpu.memory_space<hbm>>) dst(%arg17 : memref<128x128xf32, #tpu.memory_space<vmem>>)
    %dma_start3A_212 = arith.constant 94 : i32
    %dma_start3A_213 = arith.constant 0 : i32
    %dma_start3A_214 = tpu.memref_slice %arg12[%dma_start3A_212, %dma_start3A_213] : memref<128x128xi32, #tpu.memory_space<vmem>> -> memref<1x128xi32, #tpu.memory_space<vmem>>
    %dma_start3A_215 = tpu.memref_squeeze %dma_start3A_214 : memref<1x128xi32, #tpu.memory_space<vmem>> -> memref<128xi32, #tpu.memory_space<vmem>>
    %dma_start3A_216 = arith.constant 0 : i32
    %dma_start3A_217 = arith.constant 0 : i32
    %dma_start3A_218 = tpu.memref_slice %arg19[%dma_start3A_216, %dma_start3A_217] : memref<8192x128xf32, #tpu.memory_space<vmem_shared>> -> memref<8192x128xf32, #tpu.memory_space<vmem_shared>>
    tpu.enqueue_indirect_dma source(%arg17 : memref<128x128xf32, #tpu.memory_space<vmem>>) target(%dma_start3A_218 : memref<8192x128xf32, #tpu.memory_space<vmem_shared>>) offsets(%dma_start3A_215 : memref<128xi32, #tpu.memory_space<vmem>>) semaphore(%arg23 : memref<!tpu.dma_semaphore, #tpu.memory_space<semaphore_mem>>) {add = true}
    %dma_wait3A_219 = arith.constant 0 : i32
    %dma_wait3A_220 = arith.constant 0 : i32
    %dma_wait3A_221 = tpu.memref_slice %arg6[%dma_wait3A_219, %dma_wait3A_220] : memref<100000x128xf32, #tpu.memory_space<hbm>> -> memref<128x128xf32, #tpu.memory_space<hbm>>
    %dma_wait3A_222 = arith.constant 0 : i32
    %dma_wait3A_223 = arith.constant 0 : i32
    %dma_wait3A_224 = tpu.memref_slice %arg6[%dma_wait3A_222, %dma_wait3A_223] : memref<100000x128xf32, #tpu.memory_space<hbm>> -> memref<128x128xf32, #tpu.memory_space<hbm>>
    tpu.wait_dma2 semaphore(%arg24 : memref<!tpu.dma_semaphore, #tpu.memory_space<semaphore_mem>>) src(%dma_wait3A_224 : memref<128x128xf32, #tpu.memory_space<hbm>>) dst(%arg18 : memref<128x128xf32, #tpu.memory_space<vmem>>)
    %dma_start3A_225 = arith.constant 3968 : i32
    %dma_start3A_226 = tpu.memref_slice %arg13[%dma_start3A_225] : memref<4096xi32, #tpu.memory_space<vmem>> -> memref<128xi32, #tpu.memory_space<vmem>>
    %dma_start3A_227 = arith.constant 0 : i32
    %dma_start3A_228 = arith.constant 0 : i32
    %dma_start3A_229 = tpu.memref_slice %arg6[%dma_start3A_227, %dma_start3A_228] : memref<100000x128xf32, #tpu.memory_space<hbm>> -> memref<100000x128xf32, #tpu.memory_space<hbm>>
    tpu.enqueue_indirect_dma source(%dma_start3A_229 : memref<100000x128xf32, #tpu.memory_space<hbm>>) target(%arg18 : memref<128x128xf32, #tpu.memory_space<vmem>>) offsets(%dma_start3A_226 : memref<128xi32, #tpu.memory_space<vmem>>) semaphore(%arg22 : memref<!tpu.dma_semaphore, #tpu.memory_space<semaphore_mem>>)
    %dma_wait3A_230 = arith.constant 0 : i32
    %dma_wait3A_231 = arith.constant 0 : i32
    %dma_wait3A_232 = tpu.memref_slice %arg6[%dma_wait3A_230, %dma_wait3A_231] : memref<100000x128xf32, #tpu.memory_space<hbm>> -> memref<128x128xf32, #tpu.memory_space<hbm>>
    %dma_wait3A_233 = arith.constant 0 : i32
    %dma_wait3A_234 = arith.constant 0 : i32
    %dma_wait3A_235 = tpu.memref_slice %arg6[%dma_wait3A_233, %dma_wait3A_234] : memref<100000x128xf32, #tpu.memory_space<hbm>> -> memref<128x128xf32, #tpu.memory_space<hbm>>
    tpu.wait_dma2 semaphore(%arg22 : memref<!tpu.dma_semaphore, #tpu.memory_space<semaphore_mem>>) src(%dma_wait3A_235 : memref<128x128xf32, #tpu.memory_space<hbm>>) dst(%arg18 : memref<128x128xf32, #tpu.memory_space<vmem>>)
    %dma_start3A_236 = arith.constant 95 : i32
    %dma_start3A_237 = arith.constant 0 : i32
    %dma_start3A_238 = tpu.memref_slice %arg12[%dma_start3A_236, %dma_start3A_237] : memref<128x128xi32, #tpu.memory_space<vmem>> -> memref<1x128xi32, #tpu.memory_space<vmem>>
    %dma_start3A_239 = tpu.memref_squeeze %dma_start3A_238 : memref<1x128xi32, #tpu.memory_space<vmem>> -> memref<128xi32, #tpu.memory_space<vmem>>
    %dma_start3A_240 = arith.constant 0 : i32
    %dma_start3A_241 = arith.constant 0 : i32
    %dma_start3A_242 = tpu.memref_slice %arg19[%dma_start3A_240, %dma_start3A_241] : memref<8192x128xf32, #tpu.memory_space<vmem_shared>> -> memref<8192x128xf32, #tpu.memory_space<vmem_shared>>
    tpu.enqueue_indirect_dma source(%arg18 : memref<128x128xf32, #tpu.memory_space<vmem>>) target(%dma_start3A_242 : memref<8192x128xf32, #tpu.memory_space<vmem_shared>>) offsets(%dma_start3A_239 : memref<128xi32, #tpu.memory_space<vmem>>) semaphore(%arg24 : memref<!tpu.dma_semaphore, #tpu.memory_space<semaphore_mem>>) {add = true}
    %dma_wait3A_243 = arith.constant 0 : i32
    %dma_wait3A_244 = arith.constant 0 : i32
    %dma_wait3A_245 = tpu.memref_slice %arg6[%dma_wait3A_243, %dma_wait3A_244] : memref<100000x128xf32, #tpu.memory_space<hbm>> -> memref<128x128xf32, #tpu.memory_space<hbm>>
    %dma_wait3A_246 = arith.constant 0 : i32
    %dma_wait3A_247 = arith.constant 0 : i32
    %dma_wait3A_248 = tpu.memref_slice %arg6[%dma_wait3A_246, %dma_wait3A_247] : memref<100000x128xf32, #tpu.memory_space<hbm>> -> memref<128x128xf32, #tpu.memory_space<hbm>>
    tpu.wait_dma2 semaphore(%arg23 : memref<!tpu.dma_semaphore, #tpu.memory_space<semaphore_mem>>) src(%dma_wait3A_248 : memref<128x128xf32, #tpu.memory_space<hbm>>) dst(%arg17 : memref<128x128xf32, #tpu.memory_space<vmem>>)
    %dma_start3A_249 = arith.constant 0 : i32
    %dma_start3A_250 = arith.constant 0 : i32
    %dma_start3A_251 = tpu.memref_slice %arg6[%dma_start3A_249, %dma_start3A_250] : memref<100000x128xf32, #tpu.memory_space<hbm>> -> memref<100000x128xf32, #tpu.memory_space<hbm>>
    tpu.enqueue_indirect_dma source(%dma_start3A_251 : memref<100000x128xf32, #tpu.memory_space<hbm>>) target(%arg17 : memref<128x128xf32, #tpu.memory_space<vmem>>) offsets(%arg15 : memref<128xi32, #tpu.memory_space<vmem>>) semaphore(%arg21 : memref<!tpu.dma_semaphore, #tpu.memory_space<semaphore_mem>>)
    %add3A_252 = arith.constant 12288 : i32
    %add3A_253 = arith.addi %mul3A_81, %add3A_252 : i32
    "tpu.region"() ({
      %run_scoped3A = tpu.sem_alloc : memref<!tpu.dma_semaphore, #tpu.memory_space<semaphore_mem>>
      %dma_start3A_569 = tpu.memref_slice %arg2[%add3A_253] : memref<524288xi32, #tpu.memory_space<hbm>> -> memref<4096xi32, #tpu.memory_space<hbm>>
      %dma_start3A_570 = tpu.memref_slice %arg2[%add3A_253] : memref<524288xi32, #tpu.memory_space<hbm>> -> memref<4096xi32, #tpu.memory_space<hbm>>
      tpu.enqueue_dma source(%dma_start3A_570 : memref<4096xi32, #tpu.memory_space<hbm>>) target(%arg13 : memref<4096xi32, #tpu.memory_space<vmem>>) target_semaphore(%run_scoped3A : memref<!tpu.dma_semaphore, #tpu.memory_space<semaphore_mem>>)
      %dma_wait3A_571 = tpu.memref_slice %arg2[%add3A_253] : memref<524288xi32, #tpu.memory_space<hbm>> -> memref<4096xi32, #tpu.memory_space<hbm>>
      %dma_wait3A_572 = tpu.memref_slice %arg2[%add3A_253] : memref<524288xi32, #tpu.memory_space<hbm>> -> memref<4096xi32, #tpu.memory_space<hbm>>
      tpu.wait_dma2 semaphore(%run_scoped3A : memref<!tpu.dma_semaphore, #tpu.memory_space<semaphore_mem>>) src(%dma_wait3A_572 : memref<4096xi32, #tpu.memory_space<hbm>>) dst(%arg13 : memref<4096xi32, #tpu.memory_space<vmem>>)
      tpu.yield
    }) : () -> ()
    %scan3A_254 = arith.constant 0 : i32
    %scan3A_255 = arith.constant 15 : i32
    %scan3A_256 = arith.addi %scan3A_254, %scan3A_255 : i32
    %scan3A_257 = arith.constant 1 : i32
    scf.for %scan3A_569 = %scan3A_254 to %scan3A_256 step %scan3A_257  : i32 {
      %mul3A_570 = arith.constant 1 : i32
      %mul3A_571 = arith.muli %scan3A_569, %mul3A_570 : i32
      %add3A_572 = arith.constant 0 : i32
      %add3A_573 = arith.addi %add3A_572, %mul3A_571 : i32
      %mul3A_574 = arith.constant 2 : i32
      %mul3A_575 = arith.muli %add3A_573, %mul3A_574 : i32
      %add3A_576 = arith.constant 0 : i32
      %add3A_577 = arith.addi %mul3A_575, %add3A_576 : i32
      %add3A_578 = arith.constant 96 : i32
      %add3A_579 = arith.addi %add3A_578, %add3A_577 : i32
      %dma_wait3A_580 = arith.constant 0 : i32
      %dma_wait3A_581 = arith.constant 0 : i32
      %dma_wait3A_582 = tpu.memref_slice %arg6[%dma_wait3A_580, %dma_wait3A_581] : memref<100000x128xf32, #tpu.memory_space<hbm>> -> memref<128x128xf32, #tpu.memory_space<hbm>>
      %dma_wait3A_583 = arith.constant 0 : i32
      %dma_wait3A_584 = arith.constant 0 : i32
      %dma_wait3A_585 = tpu.memref_slice %arg6[%dma_wait3A_583, %dma_wait3A_584] : memref<100000x128xf32, #tpu.memory_space<hbm>> -> memref<128x128xf32, #tpu.memory_space<hbm>>
      tpu.wait_dma2 semaphore(%arg21 : memref<!tpu.dma_semaphore, #tpu.memory_space<semaphore_mem>>) src(%dma_wait3A_585 : memref<128x128xf32, #tpu.memory_space<hbm>>) dst(%arg17 : memref<128x128xf32, #tpu.memory_space<vmem>>)
      %dma_start3A_586 = arith.constant 0 : i32
      %dma_start3A_587 = tpu.memref_slice %arg12[%add3A_579, %dma_start3A_586] : memref<128x128xi32, #tpu.memory_space<vmem>> -> memref<1x128xi32, #tpu.memory_space<vmem>>
      %dma_start3A_588 = tpu.memref_squeeze %dma_start3A_587 : memref<1x128xi32, #tpu.memory_space<vmem>> -> memref<128xi32, #tpu.memory_space<vmem>>
      %dma_start3A_589 = arith.constant 0 : i32
      %dma_start3A_590 = arith.constant 0 : i32
      %dma_start3A_591 = tpu.memref_slice %arg19[%dma_start3A_589, %dma_start3A_590] : memref<8192x128xf32, #tpu.memory_space<vmem_shared>> -> memref<8192x128xf32, #tpu.memory_space<vmem_shared>>
      tpu.enqueue_indirect_dma source(%arg17 : memref<128x128xf32, #tpu.memory_space<vmem>>) target(%dma_start3A_591 : memref<8192x128xf32, #tpu.memory_space<vmem_shared>>) offsets(%dma_start3A_588 : memref<128xi32, #tpu.memory_space<vmem>>) semaphore(%arg23 : memref<!tpu.dma_semaphore, #tpu.memory_space<semaphore_mem>>) {add = true}
      %dma_wait3A_592 = arith.constant 0 : i32
      %dma_wait3A_593 = arith.constant 0 : i32
      %dma_wait3A_594 = tpu.memref_slice %arg6[%dma_wait3A_592, %dma_wait3A_593] : memref<100000x128xf32, #tpu.memory_space<hbm>> -> memref<128x128xf32, #tpu.memory_space<hbm>>
      %dma_wait3A_595 = arith.constant 0 : i32
      %dma_wait3A_596 = arith.constant 0 : i32
      %dma_wait3A_597 = tpu.memref_slice %arg6[%dma_wait3A_595, %dma_wait3A_596] : memref<100000x128xf32, #tpu.memory_space<hbm>> -> memref<128x128xf32, #tpu.memory_space<hbm>>
      tpu.wait_dma2 semaphore(%arg24 : memref<!tpu.dma_semaphore, #tpu.memory_space<semaphore_mem>>) src(%dma_wait3A_597 : memref<128x128xf32, #tpu.memory_space<hbm>>) dst(%arg18 : memref<128x128xf32, #tpu.memory_space<vmem>>)
      %add3A_598 = arith.constant 1 : i32
      %add3A_599 = arith.addi %add3A_577, %add3A_598 : i32
      %mul3A_600 = arith.constant 128 : i32
      %mul3A_601 = arith.muli %add3A_599, %mul3A_600 : i32
      %dma_start3A_602 = tpu.memref_slice %arg13[%mul3A_601] : memref<4096xi32, #tpu.memory_space<vmem>> -> memref<128xi32, #tpu.memory_space<vmem>>
      %dma_start3A_603 = arith.constant 0 : i32
      %dma_start3A_604 = arith.constant 0 : i32
      %dma_start3A_605 = tpu.memref_slice %arg6[%dma_start3A_603, %dma_start3A_604] : memref<100000x128xf32, #tpu.memory_space<hbm>> -> memref<100000x128xf32, #tpu.memory_space<hbm>>
      tpu.enqueue_indirect_dma source(%dma_start3A_605 : memref<100000x128xf32, #tpu.memory_space<hbm>>) target(%arg18 : memref<128x128xf32, #tpu.memory_space<vmem>>) offsets(%dma_start3A_602 : memref<128xi32, #tpu.memory_space<vmem>>) semaphore(%arg22 : memref<!tpu.dma_semaphore, #tpu.memory_space<semaphore_mem>>)
      %mul3A_606 = arith.constant 2 : i32
      %mul3A_607 = arith.muli %add3A_573, %mul3A_606 : i32
      %add3A_608 = arith.constant 1 : i32
      %add3A_609 = arith.addi %mul3A_607, %add3A_608 : i32
      %add3A_610 = arith.constant 96 : i32
      %add3A_611 = arith.addi %add3A_610, %add3A_609 : i32
      %dma_wait3A_612 = arith.constant 0 : i32
      %dma_wait3A_613 = arith.constant 0 : i32
      %dma_wait3A_614 = tpu.memref_slice %arg6[%dma_wait3A_612, %dma_wait3A_613] : memref<100000x128xf32, #tpu.memory_space<hbm>> -> memref<128x128xf32, #tpu.memory_space<hbm>>
      %dma_wait3A_615 = arith.constant 0 : i32
      %dma_wait3A_616 = arith.constant 0 : i32
      %dma_wait3A_617 = tpu.memref_slice %arg6[%dma_wait3A_615, %dma_wait3A_616] : memref<100000x128xf32, #tpu.memory_space<hbm>> -> memref<128x128xf32, #tpu.memory_space<hbm>>
      tpu.wait_dma2 semaphore(%arg22 : memref<!tpu.dma_semaphore, #tpu.memory_space<semaphore_mem>>) src(%dma_wait3A_617 : memref<128x128xf32, #tpu.memory_space<hbm>>) dst(%arg18 : memref<128x128xf32, #tpu.memory_space<vmem>>)
      %dma_start3A_618 = arith.constant 0 : i32
      %dma_start3A_619 = tpu.memref_slice %arg12[%add3A_611, %dma_start3A_618] : memref<128x128xi32, #tpu.memory_space<vmem>> -> memref<1x128xi32, #tpu.memory_space<vmem>>
      %dma_start3A_620 = tpu.memref_squeeze %dma_start3A_619 : memref<1x128xi32, #tpu.memory_space<vmem>> -> memref<128xi32, #tpu.memory_space<vmem>>
      %dma_start3A_621 = arith.constant 0 : i32
      %dma_start3A_622 = arith.constant 0 : i32
      %dma_start3A_623 = tpu.memref_slice %arg19[%dma_start3A_621, %dma_start3A_622] : memref<8192x128xf32, #tpu.memory_space<vmem_shared>> -> memref<8192x128xf32, #tpu.memory_space<vmem_shared>>
      tpu.enqueue_indirect_dma source(%arg18 : memref<128x128xf32, #tpu.memory_space<vmem>>) target(%dma_start3A_623 : memref<8192x128xf32, #tpu.memory_space<vmem_shared>>) offsets(%dma_start3A_620 : memref<128xi32, #tpu.memory_space<vmem>>) semaphore(%arg24 : memref<!tpu.dma_semaphore, #tpu.memory_space<semaphore_mem>>) {add = true}
      %dma_wait3A_624 = arith.constant 0 : i32
      %dma_wait3A_625 = arith.constant 0 : i32
      %dma_wait3A_626 = tpu.memref_slice %arg6[%dma_wait3A_624, %dma_wait3A_625] : memref<100000x128xf32, #tpu.memory_space<hbm>> -> memref<128x128xf32, #tpu.memory_space<hbm>>
      %dma_wait3A_627 = arith.constant 0 : i32
      %dma_wait3A_628 = arith.constant 0 : i32
      %dma_wait3A_629 = tpu.memref_slice %arg6[%dma_wait3A_627, %dma_wait3A_628] : memref<100000x128xf32, #tpu.memory_space<hbm>> -> memref<128x128xf32, #tpu.memory_space<hbm>>
      tpu.wait_dma2 semaphore(%arg23 : memref<!tpu.dma_semaphore, #tpu.memory_space<semaphore_mem>>) src(%dma_wait3A_629 : memref<128x128xf32, #tpu.memory_space<hbm>>) dst(%arg17 : memref<128x128xf32, #tpu.memory_space<vmem>>)
      %add3A_630 = arith.constant 1 : i32
      %add3A_631 = arith.addi %add3A_609, %add3A_630 : i32
      %mul3A_632 = arith.constant 128 : i32
      %mul3A_633 = arith.muli %add3A_631, %mul3A_632 : i32
      %dma_start3A_634 = tpu.memref_slice %arg13[%mul3A_633] : memref<4096xi32, #tpu.memory_space<vmem>> -> memref<128xi32, #tpu.memory_space<vmem>>
      %dma_start3A_635 = arith.constant 0 : i32
      %dma_start3A_636 = arith.constant 0 : i32
      %dma_start3A_637 = tpu.memref_slice %arg6[%dma_start3A_635, %dma_start3A_636] : memref<100000x128xf32, #tpu.memory_space<hbm>> -> memref<100000x128xf32, #tpu.memory_space<hbm>>
      tpu.enqueue_indirect_dma source(%dma_start3A_637 : memref<100000x128xf32, #tpu.memory_space<hbm>>) target(%arg17 : memref<128x128xf32, #tpu.memory_space<vmem>>) offsets(%dma_start3A_634 : memref<128xi32, #tpu.memory_space<vmem>>) semaphore(%arg21 : memref<!tpu.dma_semaphore, #tpu.memory_space<semaphore_mem>>)
    }
    %scan3A_258 = arith.constant 15 : i32
    %dma_wait3A_259 = arith.constant 0 : i32
    %dma_wait3A_260 = arith.constant 0 : i32
    %dma_wait3A_261 = tpu.memref_slice %arg6[%dma_wait3A_259, %dma_wait3A_260] : memref<100000x128xf32, #tpu.memory_space<hbm>> -> memref<128x128xf32, #tpu.memory_space<hbm>>
    %dma_wait3A_262 = arith.constant 0 : i32
    %dma_wait3A_263 = arith.constant 0 : i32
    %dma_wait3A_264 = tpu.memref_slice %arg6[%dma_wait3A_262, %dma_wait3A_263] : memref<100000x128xf32, #tpu.memory_space<hbm>> -> memref<128x128xf32, #tpu.memory_space<hbm>>
    tpu.wait_dma2 semaphore(%arg21 : memref<!tpu.dma_semaphore, #tpu.memory_space<semaphore_mem>>) src(%dma_wait3A_264 : memref<128x128xf32, #tpu.memory_space<hbm>>) dst(%arg17 : memref<128x128xf32, #tpu.memory_space<vmem>>)
    %dma_start3A_265 = arith.constant 126 : i32
    %dma_start3A_266 = arith.constant 0 : i32
    %dma_start3A_267 = tpu.memref_slice %arg12[%dma_start3A_265, %dma_start3A_266] : memref<128x128xi32, #tpu.memory_space<vmem>> -> memref<1x128xi32, #tpu.memory_space<vmem>>
    %dma_start3A_268 = tpu.memref_squeeze %dma_start3A_267 : memref<1x128xi32, #tpu.memory_space<vmem>> -> memref<128xi32, #tpu.memory_space<vmem>>
    %dma_start3A_269 = arith.constant 0 : i32
    %dma_start3A_270 = arith.constant 0 : i32
    %dma_start3A_271 = tpu.memref_slice %arg19[%dma_start3A_269, %dma_start3A_270] : memref<8192x128xf32, #tpu.memory_space<vmem_shared>> -> memref<8192x128xf32, #tpu.memory_space<vmem_shared>>
    tpu.enqueue_indirect_dma source(%arg17 : memref<128x128xf32, #tpu.memory_space<vmem>>) target(%dma_start3A_271 : memref<8192x128xf32, #tpu.memory_space<vmem_shared>>) offsets(%dma_start3A_268 : memref<128xi32, #tpu.memory_space<vmem>>) semaphore(%arg23 : memref<!tpu.dma_semaphore, #tpu.memory_space<semaphore_mem>>) {add = true}
    %dma_wait3A_272 = arith.constant 0 : i32
    %dma_wait3A_273 = arith.constant 0 : i32
    %dma_wait3A_274 = tpu.memref_slice %arg6[%dma_wait3A_272, %dma_wait3A_273] : memref<100000x128xf32, #tpu.memory_space<hbm>> -> memref<128x128xf32, #tpu.memory_space<hbm>>
    %dma_wait3A_275 = arith.constant 0 : i32
    %dma_wait3A_276 = arith.constant 0 : i32
    %dma_wait3A_277 = tpu.memref_slice %arg6[%dma_wait3A_275, %dma_wait3A_276] : memref<100000x128xf32, #tpu.memory_space<hbm>> -> memref<128x128xf32, #tpu.memory_space<hbm>>
    tpu.wait_dma2 semaphore(%arg24 : memref<!tpu.dma_semaphore, #tpu.memory_space<semaphore_mem>>) src(%dma_wait3A_277 : memref<128x128xf32, #tpu.memory_space<hbm>>) dst(%arg18 : memref<128x128xf32, #tpu.memory_space<vmem>>)
    %dma_start3A_278 = arith.constant 3968 : i32
    %dma_start3A_279 = tpu.memref_slice %arg13[%dma_start3A_278] : memref<4096xi32, #tpu.memory_space<vmem>> -> memref<128xi32, #tpu.memory_space<vmem>>
    %dma_start3A_280 = arith.constant 0 : i32
    %dma_start3A_281 = arith.constant 0 : i32
    %dma_start3A_282 = tpu.memref_slice %arg6[%dma_start3A_280, %dma_start3A_281] : memref<100000x128xf32, #tpu.memory_space<hbm>> -> memref<100000x128xf32, #tpu.memory_space<hbm>>
    tpu.enqueue_indirect_dma source(%dma_start3A_282 : memref<100000x128xf32, #tpu.memory_space<hbm>>) target(%arg18 : memref<128x128xf32, #tpu.memory_space<vmem>>) offsets(%dma_start3A_279 : memref<128xi32, #tpu.memory_space<vmem>>) semaphore(%arg22 : memref<!tpu.dma_semaphore, #tpu.memory_space<semaphore_mem>>)
    %dma_wait3A_283 = arith.constant 0 : i32
    %dma_wait3A_284 = arith.constant 0 : i32
    %dma_wait3A_285 = tpu.memref_slice %arg6[%dma_wait3A_283, %dma_wait3A_284] : memref<100000x128xf32, #tpu.memory_space<hbm>> -> memref<128x128xf32, #tpu.memory_space<hbm>>
    %dma_wait3A_286 = arith.constant 0 : i32
    %dma_wait3A_287 = arith.constant 0 : i32
    %dma_wait3A_288 = tpu.memref_slice %arg6[%dma_wait3A_286, %dma_wait3A_287] : memref<100000x128xf32, #tpu.memory_space<hbm>> -> memref<128x128xf32, #tpu.memory_space<hbm>>
    tpu.wait_dma2 semaphore(%arg22 : memref<!tpu.dma_semaphore, #tpu.memory_space<semaphore_mem>>) src(%dma_wait3A_288 : memref<128x128xf32, #tpu.memory_space<hbm>>) dst(%arg18 : memref<128x128xf32, #tpu.memory_space<vmem>>)
    %dma_start3A_289 = arith.constant 127 : i32
    %dma_start3A_290 = arith.constant 0 : i32
    %dma_start3A_291 = tpu.memref_slice %arg12[%dma_start3A_289, %dma_start3A_290] : memref<128x128xi32, #tpu.memory_space<vmem>> -> memref<1x128xi32, #tpu.memory_space<vmem>>
    %dma_start3A_292 = tpu.memref_squeeze %dma_start3A_291 : memref<1x128xi32, #tpu.memory_space<vmem>> -> memref<128xi32, #tpu.memory_space<vmem>>
    %dma_start3A_293 = arith.constant 0 : i32
    %dma_start3A_294 = arith.constant 0 : i32
    %dma_start3A_295 = tpu.memref_slice %arg19[%dma_start3A_293, %dma_start3A_294] : memref<8192x128xf32, #tpu.memory_space<vmem_shared>> -> memref<8192x128xf32, #tpu.memory_space<vmem_shared>>
    tpu.enqueue_indirect_dma source(%arg18 : memref<128x128xf32, #tpu.memory_space<vmem>>) target(%dma_start3A_295 : memref<8192x128xf32, #tpu.memory_space<vmem_shared>>) offsets(%dma_start3A_292 : memref<128xi32, #tpu.memory_space<vmem>>) semaphore(%arg24 : memref<!tpu.dma_semaphore, #tpu.memory_space<semaphore_mem>>) {add = true}
    %dma_wait3A_296 = arith.constant 0 : i32
    %dma_wait3A_297 = arith.constant 0 : i32
    %dma_wait3A_298 = tpu.memref_slice %arg6[%dma_wait3A_296, %dma_wait3A_297] : memref<100000x128xf32, #tpu.memory_space<hbm>> -> memref<128x128xf32, #tpu.memory_space<hbm>>
    %dma_wait3A_299 = arith.constant 0 : i32
    %dma_wait3A_300 = arith.constant 0 : i32
    %dma_wait3A_301 = tpu.memref_slice %arg6[%dma_wait3A_299, %dma_wait3A_300] : memref<100000x128xf32, #tpu.memory_space<hbm>> -> memref<128x128xf32, #tpu.memory_space<hbm>>
    tpu.wait_dma2 semaphore(%arg23 : memref<!tpu.dma_semaphore, #tpu.memory_space<semaphore_mem>>) src(%dma_wait3A_301 : memref<128x128xf32, #tpu.memory_space<hbm>>) dst(%arg17 : memref<128x128xf32, #tpu.memory_space<vmem>>)
    %dma_wait3A_302 = arith.constant 0 : i32
    %dma_wait3A_303 = arith.constant 0 : i32
    %dma_wait3A_304 = tpu.memref_slice %arg6[%dma_wait3A_302, %dma_wait3A_303] : memref<100000x128xf32, #tpu.memory_space<hbm>> -> memref<128x128xf32, #tpu.memory_space<hbm>>
    %dma_wait3A_305 = arith.constant 0 : i32
    %dma_wait3A_306 = arith.constant 0 : i32
    %dma_wait3A_307 = tpu.memref_slice %arg6[%dma_wait3A_305, %dma_wait3A_306] : memref<100000x128xf32, #tpu.memory_space<hbm>> -> memref<128x128xf32, #tpu.memory_space<hbm>>
    tpu.wait_dma2 semaphore(%arg24 : memref<!tpu.dma_semaphore, #tpu.memory_space<semaphore_mem>>) src(%dma_wait3A_307 : memref<128x128xf32, #tpu.memory_space<hbm>>) dst(%arg18 : memref<128x128xf32, #tpu.memory_space<vmem>>)
    %barrier3A_308 = arith.constant 0 : index
    tpu.barrier barrier_id(%barrier3A_308)
    %mul3A_309 = arith.constant 8192 : i32
    %mul3A_310 = arith.muli %arg0, %mul3A_309 : i32
    %mul3A_311 = arith.constant 512 : i32
    %mul3A_312 = arith.muli %arg1, %mul3A_311 : i32
    %add3A_313 = arith.addi %mul3A_310, %mul3A_312 : i32
    %mul3A_314 = arith.constant 512 : i32
    %mul3A_315 = arith.muli %arg1, %mul3A_314 : i32
    "tpu.region"() ({
      %run_scoped3A = tpu.sem_alloc : memref<!tpu.dma_semaphore, #tpu.memory_space<semaphore_mem>>
      %dma_start3A_569 = arith.constant 0 : i32
      %dma_start3A_570 = tpu.memref_slice %arg8[%add3A_313, %dma_start3A_569] : memref<16384x128xf32, #tpu.memory_space<hbm>> -> memref<512x128xf32, #tpu.memory_space<hbm>>
      %dma_start3A_571 = arith.constant 0 : i32
      %dma_start3A_572 = tpu.memref_slice %arg19[%mul3A_315, %dma_start3A_571] : memref<8192x128xf32, #tpu.memory_space<vmem_shared>> -> memref<512x128xf32, #tpu.memory_space<vmem_shared>>
      tpu.enqueue_dma source(%dma_start3A_572 : memref<512x128xf32, #tpu.memory_space<vmem_shared>>) target(%dma_start3A_570 : memref<512x128xf32, #tpu.memory_space<hbm>>) target_semaphore(%run_scoped3A : memref<!tpu.dma_semaphore, #tpu.memory_space<semaphore_mem>>)
      %dma_wait3A_573 = arith.constant 0 : i32
      %dma_wait3A_574 = tpu.memref_slice %arg8[%add3A_313, %dma_wait3A_573] : memref<16384x128xf32, #tpu.memory_space<hbm>> -> memref<512x128xf32, #tpu.memory_space<hbm>>
      %dma_wait3A_575 = arith.constant 0 : i32
      %dma_wait3A_576 = tpu.memref_slice %arg19[%mul3A_315, %dma_wait3A_575] : memref<8192x128xf32, #tpu.memory_space<vmem_shared>> -> memref<512x128xf32, #tpu.memory_space<vmem_shared>>
      tpu.wait_dma2 semaphore(%run_scoped3A : memref<!tpu.dma_semaphore, #tpu.memory_space<semaphore_mem>>) src(%dma_wait3A_576 : memref<512x128xf32, #tpu.memory_space<vmem_shared>>) dst(%dma_wait3A_574 : memref<512x128xf32, #tpu.memory_space<hbm>>)
      tpu.yield
    }) : () -> ()
    %scan3A_316 = arith.constant 0 : i32
    %scan3A_317 = arith.constant 128 : i32
    %scan3A_318 = arith.addi %scan3A_316, %scan3A_317 : i32
    %scan3A_319 = arith.constant 1 : i32
    scf.for %scan3A_569 = %scan3A_316 to %scan3A_318 step %scan3A_319  : i32 {
      %mul3A_570 = arith.constant 1 : i32
      %mul3A_571 = arith.muli %scan3A_569, %mul3A_570 : i32
      %add3A_572 = arith.constant 0 : i32
      %add3A_573 = arith.addi %add3A_572, %mul3A_571 : i32
      %swap3A = arith.index_cast %add3A_573 : i32 to index
      %swap3A_574 = arith.constant 0 : index
      %swap3A_575 = tpu.vector_load %arg17[%swap3A, %swap3A_574] {strides = array<i32>} : memref<128x128xf32, #tpu.memory_space<vmem>>, vector<16xf32>,
      tpu.vector_store %arg17[%swap3A, %swap3A_574], %broadcast_in_dim3A_13 {strides = array<i32>} : memref<128x128xf32, #tpu.memory_space<vmem>>, vector<16xf32>,
      %swap3A_576 = arith.index_cast %add3A_573 : i32 to index
      %swap3A_577 = arith.constant 16 : index
      %swap3A_578 = tpu.vector_load %arg17[%swap3A_576, %swap3A_577] {strides = array<i32>} : memref<128x128xf32, #tpu.memory_space<vmem>>, vector<16xf32>,
      tpu.vector_store %arg17[%swap3A_576, %swap3A_577], %broadcast_in_dim3A_13 {strides = array<i32>} : memref<128x128xf32, #tpu.memory_space<vmem>>, vector<16xf32>,
      %swap3A_579 = arith.index_cast %add3A_573 : i32 to index
      %swap3A_580 = arith.constant 32 : index
      %swap3A_581 = tpu.vector_load %arg17[%swap3A_579, %swap3A_580] {strides = array<i32>} : memref<128x128xf32, #tpu.memory_space<vmem>>, vector<16xf32>,
      tpu.vector_store %arg17[%swap3A_579, %swap3A_580], %broadcast_in_dim3A_13 {strides = array<i32>} : memref<128x128xf32, #tpu.memory_space<vmem>>, vector<16xf32>,
      %swap3A_582 = arith.index_cast %add3A_573 : i32 to index
      %swap3A_583 = arith.constant 48 : index
      %swap3A_584 = tpu.vector_load %arg17[%swap3A_582, %swap3A_583] {strides = array<i32>} : memref<128x128xf32, #tpu.memory_space<vmem>>, vector<16xf32>,
      tpu.vector_store %arg17[%swap3A_582, %swap3A_583], %broadcast_in_dim3A_13 {strides = array<i32>} : memref<128x128xf32, #tpu.memory_space<vmem>>, vector<16xf32>,
      %swap3A_585 = arith.index_cast %add3A_573 : i32 to index
      %swap3A_586 = arith.constant 64 : index
      %swap3A_587 = tpu.vector_load %arg17[%swap3A_585, %swap3A_586] {strides = array<i32>} : memref<128x128xf32, #tpu.memory_space<vmem>>, vector<16xf32>,
      tpu.vector_store %arg17[%swap3A_585, %swap3A_586], %broadcast_in_dim3A_13 {strides = array<i32>} : memref<128x128xf32, #tpu.memory_space<vmem>>, vector<16xf32>,
      %swap3A_588 = arith.index_cast %add3A_573 : i32 to index
      %swap3A_589 = arith.constant 80 : index
      %swap3A_590 = tpu.vector_load %arg17[%swap3A_588, %swap3A_589] {strides = array<i32>} : memref<128x128xf32, #tpu.memory_space<vmem>>, vector<16xf32>,
      tpu.vector_store %arg17[%swap3A_588, %swap3A_589], %broadcast_in_dim3A_13 {strides = array<i32>} : memref<128x128xf32, #tpu.memory_space<vmem>>, vector<16xf32>,
      %swap3A_591 = arith.index_cast %add3A_573 : i32 to index
      %swap3A_592 = arith.constant 96 : index
      %swap3A_593 = tpu.vector_load %arg17[%swap3A_591, %swap3A_592] {strides = array<i32>} : memref<128x128xf32, #tpu.memory_space<vmem>>, vector<16xf32>,
      tpu.vector_store %arg17[%swap3A_591, %swap3A_592], %broadcast_in_dim3A_13 {strides = array<i32>} : memref<128x128xf32, #tpu.memory_space<vmem>>, vector<16xf32>,
      %swap3A_594 = arith.index_cast %add3A_573 : i32 to index
      %swap3A_595 = arith.constant 112 : index
      %swap3A_596 = tpu.vector_load %arg17[%swap3A_594, %swap3A_595] {strides = array<i32>} : memref<128x128xf32, #tpu.memory_space<vmem>>, vector<16xf32>,
      tpu.vector_store %arg17[%swap3A_594, %swap3A_595], %broadcast_in_dim3A_13 {strides = array<i32>} : memref<128x128xf32, #tpu.memory_space<vmem>>, vector<16xf32>,
    }
    %scan3A_320 = arith.constant 128 : i32
    %mul3A_321 = arith.constant 512 : i32
    %mul3A_322 = arith.muli %arg1, %mul3A_321 : i32
    %add3A_323 = arith.constant 0 : i32
    %add3A_324 = arith.addi %mul3A_322, %add3A_323 : i32
    "tpu.region"() ({
      %run_scoped3A = tpu.sem_alloc : memref<!tpu.dma_semaphore, #tpu.memory_space<semaphore_mem>>
      %dma_start3A_569 = arith.constant 0 : i32
      %dma_start3A_570 = tpu.memref_slice %arg19[%add3A_324, %dma_start3A_569] : memref<8192x128xf32, #tpu.memory_space<vmem_shared>> -> memref<128x128xf32, #tpu.memory_space<vmem_shared>>
      %dma_start3A_571 = arith.constant 0 : i32
      %dma_start3A_572 = tpu.memref_slice %arg19[%add3A_324, %dma_start3A_571] : memref<8192x128xf32, #tpu.memory_space<vmem_shared>> -> memref<128x128xf32, #tpu.memory_space<vmem_shared>>
      tpu.enqueue_dma source(%arg17 : memref<128x128xf32, #tpu.memory_space<vmem>>) target(%dma_start3A_572 : memref<128x128xf32, #tpu.memory_space<vmem_shared>>) target_semaphore(%run_scoped3A : memref<!tpu.dma_semaphore, #tpu.memory_space<semaphore_mem>>)
      %dma_wait3A_573 = arith.constant 0 : i32
      %dma_wait3A_574 = tpu.memref_slice %arg19[%add3A_324, %dma_wait3A_573] : memref<8192x128xf32, #tpu.memory_space<vmem_shared>> -> memref<128x128xf32, #tpu.memory_space<vmem_shared>>
      %dma_wait3A_575 = arith.constant 0 : i32
      %dma_wait3A_576 = tpu.memref_slice %arg19[%add3A_324, %dma_wait3A_575] : memref<8192x128xf32, #tpu.memory_space<vmem_shared>> -> memref<128x128xf32, #tpu.memory_space<vmem_shared>>
      tpu.wait_dma2 semaphore(%run_scoped3A : memref<!tpu.dma_semaphore, #tpu.memory_space<semaphore_mem>>) src(%arg17 : memref<128x128xf32, #tpu.memory_space<vmem>>) dst(%dma_wait3A_576 : memref<128x128xf32, #tpu.memory_space<vmem_shared>>)
      tpu.yield
    }) : () -> ()
    %mul3A_325 = arith.constant 512 : i32
    %mul3A_326 = arith.muli %arg1, %mul3A_325 : i32
    %add3A_327 = arith.constant 128 : i32
    %add3A_328 = arith.addi %mul3A_326, %add3A_327 : i32
    "tpu.region"() ({
      %run_scoped3A = tpu.sem_alloc : memref<!tpu.dma_semaphore, #tpu.memory_space<semaphore_mem>>
      %dma_start3A_569 = arith.constant 0 : i32
      %dma_start3A_570 = tpu.memref_slice %arg19[%add3A_328, %dma_start3A_569] : memref<8192x128xf32, #tpu.memory_space<vmem_shared>> -> memref<128x128xf32, #tpu.memory_space<vmem_shared>>
      %dma_start3A_571 = arith.constant 0 : i32
      %dma_start3A_572 = tpu.memref_slice %arg19[%add3A_328, %dma_start3A_571] : memref<8192x128xf32, #tpu.memory_space<vmem_shared>> -> memref<128x128xf32, #tpu.memory_space<vmem_shared>>
      tpu.enqueue_dma source(%arg17 : memref<128x128xf32, #tpu.memory_space<vmem>>) target(%dma_start3A_572 : memref<128x128xf32, #tpu.memory_space<vmem_shared>>) target_semaphore(%run_scoped3A : memref<!tpu.dma_semaphore, #tpu.memory_space<semaphore_mem>>)
      %dma_wait3A_573 = arith.constant 0 : i32
      %dma_wait3A_574 = tpu.memref_slice %arg19[%add3A_328, %dma_wait3A_573] : memref<8192x128xf32, #tpu.memory_space<vmem_shared>> -> memref<128x128xf32, #tpu.memory_space<vmem_shared>>
      %dma_wait3A_575 = arith.constant 0 : i32
      %dma_wait3A_576 = tpu.memref_slice %arg19[%add3A_328, %dma_wait3A_575] : memref<8192x128xf32, #tpu.memory_space<vmem_shared>> -> memref<128x128xf32, #tpu.memory_space<vmem_shared>>
      tpu.wait_dma2 semaphore(%run_scoped3A : memref<!tpu.dma_semaphore, #tpu.memory_space<semaphore_mem>>) src(%arg17 : memref<128x128xf32, #tpu.memory_space<vmem>>) dst(%dma_wait3A_576 : memref<128x128xf32, #tpu.memory_space<vmem_shared>>)
      tpu.yield
    }) : () -> ()
    %mul3A_329 = arith.constant 512 : i32
    %mul3A_330 = arith.muli %arg1, %mul3A_329 : i32
    %add3A_331 = arith.constant 256 : i32
    %add3A_332 = arith.addi %mul3A_330, %add3A_331 : i32
    "tpu.region"() ({
      %run_scoped3A = tpu.sem_alloc : memref<!tpu.dma_semaphore, #tpu.memory_space<semaphore_mem>>
      %dma_start3A_569 = arith.constant 0 : i32
      %dma_start3A_570 = tpu.memref_slice %arg19[%add3A_332, %dma_start3A_569] : memref<8192x128xf32, #tpu.memory_space<vmem_shared>> -> memref<128x128xf32, #tpu.memory_space<vmem_shared>>
      %dma_start3A_571 = arith.constant 0 : i32
      %dma_start3A_572 = tpu.memref_slice %arg19[%add3A_332, %dma_start3A_571] : memref<8192x128xf32, #tpu.memory_space<vmem_shared>> -> memref<128x128xf32, #tpu.memory_space<vmem_shared>>
      tpu.enqueue_dma source(%arg17 : memref<128x128xf32, #tpu.memory_space<vmem>>) target(%dma_start3A_572 : memref<128x128xf32, #tpu.memory_space<vmem_shared>>) target_semaphore(%run_scoped3A : memref<!tpu.dma_semaphore, #tpu.memory_space<semaphore_mem>>)
      %dma_wait3A_573 = arith.constant 0 : i32
      %dma_wait3A_574 = tpu.memref_slice %arg19[%add3A_332, %dma_wait3A_573] : memref<8192x128xf32, #tpu.memory_space<vmem_shared>> -> memref<128x128xf32, #tpu.memory_space<vmem_shared>>
      %dma_wait3A_575 = arith.constant 0 : i32
      %dma_wait3A_576 = tpu.memref_slice %arg19[%add3A_332, %dma_wait3A_575] : memref<8192x128xf32, #tpu.memory_space<vmem_shared>> -> memref<128x128xf32, #tpu.memory_space<vmem_shared>>
      tpu.wait_dma2 semaphore(%run_scoped3A : memref<!tpu.dma_semaphore, #tpu.memory_space<semaphore_mem>>) src(%arg17 : memref<128x128xf32, #tpu.memory_space<vmem>>) dst(%dma_wait3A_576 : memref<128x128xf32, #tpu.memory_space<vmem_shared>>)
      tpu.yield
    }) : () -> ()
    %mul3A_333 = arith.constant 512 : i32
    %mul3A_334 = arith.muli %arg1, %mul3A_333 : i32
    %add3A_335 = arith.constant 384 : i32
    %add3A_336 = arith.addi %mul3A_334, %add3A_335 : i32
    "tpu.region"() ({
      %run_scoped3A = tpu.sem_alloc : memref<!tpu.dma_semaphore, #tpu.memory_space<semaphore_mem>>
      %dma_start3A_569 = arith.constant 0 : i32
      %dma_start3A_570 = tpu.memref_slice %arg19[%add3A_336, %dma_start3A_569] : memref<8192x128xf32, #tpu.memory_space<vmem_shared>> -> memref<128x128xf32, #tpu.memory_space<vmem_shared>>
      %dma_start3A_571 = arith.constant 0 : i32
      %dma_start3A_572 = tpu.memref_slice %arg19[%add3A_336, %dma_start3A_571] : memref<8192x128xf32, #tpu.memory_space<vmem_shared>> -> memref<128x128xf32, #tpu.memory_space<vmem_shared>>
      tpu.enqueue_dma source(%arg17 : memref<128x128xf32, #tpu.memory_space<vmem>>) target(%dma_start3A_572 : memref<128x128xf32, #tpu.memory_space<vmem_shared>>) target_semaphore(%run_scoped3A : memref<!tpu.dma_semaphore, #tpu.memory_space<semaphore_mem>>)
      %dma_wait3A_573 = arith.constant 0 : i32
      %dma_wait3A_574 = tpu.memref_slice %arg19[%add3A_336, %dma_wait3A_573] : memref<8192x128xf32, #tpu.memory_space<vmem_shared>> -> memref<128x128xf32, #tpu.memory_space<vmem_shared>>
      %dma_wait3A_575 = arith.constant 0 : i32
      %dma_wait3A_576 = tpu.memref_slice %arg19[%add3A_336, %dma_wait3A_575] : memref<8192x128xf32, #tpu.memory_space<vmem_shared>> -> memref<128x128xf32, #tpu.memory_space<vmem_shared>>
      tpu.wait_dma2 semaphore(%run_scoped3A : memref<!tpu.dma_semaphore, #tpu.memory_space<semaphore_mem>>) src(%arg17 : memref<128x128xf32, #tpu.memory_space<vmem>>) dst(%dma_wait3A_576 : memref<128x128xf32, #tpu.memory_space<vmem_shared>>)
      tpu.yield
    }) : () -> ()
    %barrier3A_337 = arith.constant 0 : index
    tpu.barrier barrier_id(%barrier3A_337)
    %mul3A_338 = arith.constant 16384 : i32
    %mul3A_339 = arith.muli %add3A, %mul3A_338 : i32
    %add3A_340 = arith.constant 0 : i32
    %add3A_341 = arith.addi %mul3A_339, %add3A_340 : i32
    "tpu.region"() ({
      %run_scoped3A = tpu.sem_alloc : memref<!tpu.dma_semaphore, #tpu.memory_space<semaphore_mem>>
      %dma_start3A_569 = tpu.memref_slice %arg3[%add3A_341] : memref<524288xi32, #tpu.memory_space<hbm>> -> memref<4096xi32, #tpu.memory_space<hbm>>
      %dma_start3A_570 = tpu.memref_slice %arg3[%add3A_341] : memref<524288xi32, #tpu.memory_space<hbm>> -> memref<4096xi32, #tpu.memory_space<hbm>>
      tpu.enqueue_dma source(%dma_start3A_570 : memref<4096xi32, #tpu.memory_space<hbm>>) target(%arg13 : memref<4096xi32, #tpu.memory_space<vmem>>) target_semaphore(%run_scoped3A : memref<!tpu.dma_semaphore, #tpu.memory_space<semaphore_mem>>)
      %dma_wait3A_571 = tpu.memref_slice %arg3[%add3A_341] : memref<524288xi32, #tpu.memory_space<hbm>> -> memref<4096xi32, #tpu.memory_space<hbm>>
      %dma_wait3A_572 = tpu.memref_slice %arg3[%add3A_341] : memref<524288xi32, #tpu.memory_space<hbm>> -> memref<4096xi32, #tpu.memory_space<hbm>>
      tpu.wait_dma2 semaphore(%run_scoped3A : memref<!tpu.dma_semaphore, #tpu.memory_space<semaphore_mem>>) src(%dma_wait3A_572 : memref<4096xi32, #tpu.memory_space<hbm>>) dst(%arg13 : memref<4096xi32, #tpu.memory_space<vmem>>)
      tpu.yield
    }) : () -> ()
    %add3A_342 = arith.constant 4096 : i32
    %add3A_343 = arith.addi %mul3A_339, %add3A_342 : i32
    "tpu.region"() ({
      %run_scoped3A = tpu.sem_alloc : memref<!tpu.dma_semaphore, #tpu.memory_space<semaphore_mem>>
      %dma_start3A_569 = tpu.memref_slice %arg3[%add3A_343] : memref<524288xi32, #tpu.memory_space<hbm>> -> memref<128xi32, #tpu.memory_space<hbm>>
      %dma_start3A_570 = tpu.memref_slice %arg3[%add3A_343] : memref<524288xi32, #tpu.memory_space<hbm>> -> memref<128xi32, #tpu.memory_space<hbm>>
      tpu.enqueue_dma source(%dma_start3A_570 : memref<128xi32, #tpu.memory_space<hbm>>) target(%arg15 : memref<128xi32, #tpu.memory_space<vmem>>) target_semaphore(%run_scoped3A : memref<!tpu.dma_semaphore, #tpu.memory_space<semaphore_mem>>)
      %dma_wait3A_571 = tpu.memref_slice %arg3[%add3A_343] : memref<524288xi32, #tpu.memory_space<hbm>> -> memref<128xi32, #tpu.memory_space<hbm>>
      %dma_wait3A_572 = tpu.memref_slice %arg3[%add3A_343] : memref<524288xi32, #tpu.memory_space<hbm>> -> memref<128xi32, #tpu.memory_space<hbm>>
      tpu.wait_dma2 semaphore(%run_scoped3A : memref<!tpu.dma_semaphore, #tpu.memory_space<semaphore_mem>>) src(%dma_wait3A_572 : memref<128xi32, #tpu.memory_space<hbm>>) dst(%arg15 : memref<128xi32, #tpu.memory_space<vmem>>)
      tpu.yield
    }) : () -> ()
    %dma_start3A_344 = arith.constant 0 : i32
    %dma_start3A_345 = tpu.memref_slice %arg13[%dma_start3A_344] : memref<4096xi32, #tpu.memory_space<vmem>> -> memref<128xi32, #tpu.memory_space<vmem>>
    %dma_start3A_346 = arith.constant 0 : i32
    %dma_start3A_347 = arith.constant 0 : i32
    %dma_start3A_348 = tpu.memref_slice %arg20[%dma_start3A_346, %dma_start3A_347] : memref<1000x128xf32, #tpu.memory_space<vmem_shared>> -> memref<1000x128xf32, #tpu.memory_space<vmem_shared>>
    tpu.enqueue_indirect_dma source(%dma_start3A_348 : memref<1000x128xf32, #tpu.memory_space<vmem_shared>>) target(%arg17 : memref<128x128xf32, #tpu.memory_space<vmem>>) offsets(%dma_start3A_345 : memref<128xi32, #tpu.memory_space<vmem>>) semaphore(%arg21 : memref<!tpu.dma_semaphore, #tpu.memory_space<semaphore_mem>>)
    %scan3A_349 = arith.constant 0 : i32
    %scan3A_350 = arith.constant 15 : i32
    %scan3A_351 = arith.addi %scan3A_349, %scan3A_350 : i32
    %scan3A_352 = arith.constant 1 : i32
    scf.for %scan3A_569 = %scan3A_349 to %scan3A_351 step %scan3A_352  : i32 {
      %mul3A_570 = arith.constant 1 : i32
      %mul3A_571 = arith.muli %scan3A_569, %mul3A_570 : i32
      %add3A_572 = arith.constant 0 : i32
      %add3A_573 = arith.addi %add3A_572, %mul3A_571 : i32
      %mul3A_574 = arith.constant 2 : i32
      %mul3A_575 = arith.muli %add3A_573, %mul3A_574 : i32
      %add3A_576 = arith.constant 0 : i32
      %add3A_577 = arith.addi %mul3A_575, %add3A_576 : i32
      %add3A_578 = arith.constant 0 : i32
      %add3A_579 = arith.addi %add3A_578, %add3A_577 : i32
      %dma_wait3A_580 = arith.constant 0 : i32
      %dma_wait3A_581 = arith.constant 0 : i32
      %dma_wait3A_582 = tpu.memref_slice %arg6[%dma_wait3A_580, %dma_wait3A_581] : memref<100000x128xf32, #tpu.memory_space<hbm>> -> memref<128x128xf32, #tpu.memory_space<hbm>>
      %dma_wait3A_583 = arith.constant 0 : i32
      %dma_wait3A_584 = arith.constant 0 : i32
      %dma_wait3A_585 = tpu.memref_slice %arg6[%dma_wait3A_583, %dma_wait3A_584] : memref<100000x128xf32, #tpu.memory_space<hbm>> -> memref<128x128xf32, #tpu.memory_space<hbm>>
      tpu.wait_dma2 semaphore(%arg21 : memref<!tpu.dma_semaphore, #tpu.memory_space<semaphore_mem>>) src(%dma_wait3A_585 : memref<128x128xf32, #tpu.memory_space<hbm>>) dst(%arg17 : memref<128x128xf32, #tpu.memory_space<vmem>>)
      %dma_start3A_586 = arith.constant 0 : i32
      %dma_start3A_587 = tpu.memref_slice %arg12[%add3A_579, %dma_start3A_586] : memref<128x128xi32, #tpu.memory_space<vmem>> -> memref<1x128xi32, #tpu.memory_space<vmem>>
      %dma_start3A_588 = tpu.memref_squeeze %dma_start3A_587 : memref<1x128xi32, #tpu.memory_space<vmem>> -> memref<128xi32, #tpu.memory_space<vmem>>
      %dma_start3A_589 = arith.constant 0 : i32
      %dma_start3A_590 = arith.constant 0 : i32
      %dma_start3A_591 = tpu.memref_slice %arg19[%dma_start3A_589, %dma_start3A_590] : memref<8192x128xf32, #tpu.memory_space<vmem_shared>> -> memref<8192x128xf32, #tpu.memory_space<vmem_shared>>
      tpu.enqueue_indirect_dma source(%arg17 : memref<128x128xf32, #tpu.memory_space<vmem>>) target(%dma_start3A_591 : memref<8192x128xf32, #tpu.memory_space<vmem_shared>>) offsets(%dma_start3A_588 : memref<128xi32, #tpu.memory_space<vmem>>) semaphore(%arg23 : memref<!tpu.dma_semaphore, #tpu.memory_space<semaphore_mem>>) {add = true}
      %ge3A = arith.constant 1 : i32
      %ge3A_592 = arith.cmpi sge, %add3A_579, %ge3A : i32
      %convert_element_type3A_593 = arith.extui %ge3A_592 : i1 to i32
      %cond3A_594 = arith.constant 0 : i32
      %cond3A_595 = arith.cmpi ne, %convert_element_type3A_593, %cond3A_594 : i32
      scf.if %cond3A_595 {
        %dma_wait3A_635 = arith.constant 0 : i32
        %dma_wait3A_636 = arith.constant 0 : i32
        %dma_wait3A_637 = tpu.memref_slice %arg6[%dma_wait3A_635, %dma_wait3A_636] : memref<100000x128xf32, #tpu.memory_space<hbm>> -> memref<128x128xf32, #tpu.memory_space<hbm>>
        %dma_wait3A_638 = arith.constant 0 : i32
        %dma_wait3A_639 = arith.constant 0 : i32
        %dma_wait3A_640 = tpu.memref_slice %arg6[%dma_wait3A_638, %dma_wait3A_639] : memref<100000x128xf32, #tpu.memory_space<hbm>> -> memref<128x128xf32, #tpu.memory_space<hbm>>
        tpu.wait_dma2 semaphore(%arg24 : memref<!tpu.dma_semaphore, #tpu.memory_space<semaphore_mem>>) src(%dma_wait3A_640 : memref<128x128xf32, #tpu.memory_space<hbm>>) dst(%arg18 : memref<128x128xf32, #tpu.memory_space<vmem>>)
      } else {
      }
      %add3A_596 = arith.constant 1 : i32
      %add3A_597 = arith.addi %add3A_577, %add3A_596 : i32
      %mul3A_598 = arith.constant 128 : i32
      %mul3A_599 = arith.muli %add3A_597, %mul3A_598 : i32
      %dma_start3A_600 = tpu.memref_slice %arg13[%mul3A_599] : memref<4096xi32, #tpu.memory_space<vmem>> -> memref<128xi32, #tpu.memory_space<vmem>>
      %dma_start3A_601 = arith.constant 0 : i32
      %dma_start3A_602 = arith.constant 0 : i32
      %dma_start3A_603 = tpu.memref_slice %arg20[%dma_start3A_601, %dma_start3A_602] : memref<1000x128xf32, #tpu.memory_space<vmem_shared>> -> memref<1000x128xf32, #tpu.memory_space<vmem_shared>>
      tpu.enqueue_indirect_dma source(%dma_start3A_603 : memref<1000x128xf32, #tpu.memory_space<vmem_shared>>) target(%arg18 : memref<128x128xf32, #tpu.memory_space<vmem>>) offsets(%dma_start3A_600 : memref<128xi32, #tpu.memory_space<vmem>>) semaphore(%arg22 : memref<!tpu.dma_semaphore, #tpu.memory_space<semaphore_mem>>)
      %mul3A_604 = arith.constant 2 : i32
      %mul3A_605 = arith.muli %add3A_573, %mul3A_604 : i32
      %add3A_606 = arith.constant 1 : i32
      %add3A_607 = arith.addi %mul3A_605, %add3A_606 : i32
      %add3A_608 = arith.constant 0 : i32
      %add3A_609 = arith.addi %add3A_608, %add3A_607 : i32
      %dma_wait3A_610 = arith.constant 0 : i32
      %dma_wait3A_611 = arith.constant 0 : i32
      %dma_wait3A_612 = tpu.memref_slice %arg6[%dma_wait3A_610, %dma_wait3A_611] : memref<100000x128xf32, #tpu.memory_space<hbm>> -> memref<128x128xf32, #tpu.memory_space<hbm>>
      %dma_wait3A_613 = arith.constant 0 : i32
      %dma_wait3A_614 = arith.constant 0 : i32
      %dma_wait3A_615 = tpu.memref_slice %arg6[%dma_wait3A_613, %dma_wait3A_614] : memref<100000x128xf32, #tpu.memory_space<hbm>> -> memref<128x128xf32, #tpu.memory_space<hbm>>
      tpu.wait_dma2 semaphore(%arg22 : memref<!tpu.dma_semaphore, #tpu.memory_space<semaphore_mem>>) src(%dma_wait3A_615 : memref<128x128xf32, #tpu.memory_space<hbm>>) dst(%arg18 : memref<128x128xf32, #tpu.memory_space<vmem>>)
      %dma_start3A_616 = arith.constant 0 : i32
      %dma_start3A_617 = tpu.memref_slice %arg12[%add3A_609, %dma_start3A_616] : memref<128x128xi32, #tpu.memory_space<vmem>> -> memref<1x128xi32, #tpu.memory_space<vmem>>
      %dma_start3A_618 = tpu.memref_squeeze %dma_start3A_617 : memref<1x128xi32, #tpu.memory_space<vmem>> -> memref<128xi32, #tpu.memory_space<vmem>>
      %dma_start3A_619 = arith.constant 0 : i32
      %dma_start3A_620 = arith.constant 0 : i32
      %dma_start3A_621 = tpu.memref_slice %arg19[%dma_start3A_619, %dma_start3A_620] : memref<8192x128xf32, #tpu.memory_space<vmem_shared>> -> memref<8192x128xf32, #tpu.memory_space<vmem_shared>>
      tpu.enqueue_indirect_dma source(%arg18 : memref<128x128xf32, #tpu.memory_space<vmem>>) target(%dma_start3A_621 : memref<8192x128xf32, #tpu.memory_space<vmem_shared>>) offsets(%dma_start3A_618 : memref<128xi32, #tpu.memory_space<vmem>>) semaphore(%arg24 : memref<!tpu.dma_semaphore, #tpu.memory_space<semaphore_mem>>) {add = true}
      %ge3A_622 = arith.constant 1 : i32
      %ge3A_623 = arith.cmpi sge, %add3A_609, %ge3A_622 : i32
      %convert_element_type3A_624 = arith.extui %ge3A_623 : i1 to i32
      %cond3A_625 = arith.constant 0 : i32
      %cond3A_626 = arith.cmpi ne, %convert_element_type3A_624, %cond3A_625 : i32
      scf.if %cond3A_626 {
        %dma_wait3A_635 = arith.constant 0 : i32
        %dma_wait3A_636 = arith.constant 0 : i32
        %dma_wait3A_637 = tpu.memref_slice %arg6[%dma_wait3A_635, %dma_wait3A_636] : memref<100000x128xf32, #tpu.memory_space<hbm>> -> memref<128x128xf32, #tpu.memory_space<hbm>>
        %dma_wait3A_638 = arith.constant 0 : i32
        %dma_wait3A_639 = arith.constant 0 : i32
        %dma_wait3A_640 = tpu.memref_slice %arg6[%dma_wait3A_638, %dma_wait3A_639] : memref<100000x128xf32, #tpu.memory_space<hbm>> -> memref<128x128xf32, #tpu.memory_space<hbm>>
        tpu.wait_dma2 semaphore(%arg23 : memref<!tpu.dma_semaphore, #tpu.memory_space<semaphore_mem>>) src(%dma_wait3A_640 : memref<128x128xf32, #tpu.memory_space<hbm>>) dst(%arg17 : memref<128x128xf32, #tpu.memory_space<vmem>>)
      } else {
      }
      %add3A_627 = arith.constant 1 : i32
      %add3A_628 = arith.addi %add3A_607, %add3A_627 : i32
      %mul3A_629 = arith.constant 128 : i32
      %mul3A_630 = arith.muli %add3A_628, %mul3A_629 : i32
      %dma_start3A_631 = tpu.memref_slice %arg13[%mul3A_630] : memref<4096xi32, #tpu.memory_space<vmem>> -> memref<128xi32, #tpu.memory_space<vmem>>
      %dma_start3A_632 = arith.constant 0 : i32
      %dma_start3A_633 = arith.constant 0 : i32
      %dma_start3A_634 = tpu.memref_slice %arg20[%dma_start3A_632, %dma_start3A_633] : memref<1000x128xf32, #tpu.memory_space<vmem_shared>> -> memref<1000x128xf32, #tpu.memory_space<vmem_shared>>
      tpu.enqueue_indirect_dma source(%dma_start3A_634 : memref<1000x128xf32, #tpu.memory_space<vmem_shared>>) target(%arg17 : memref<128x128xf32, #tpu.memory_space<vmem>>) offsets(%dma_start3A_631 : memref<128xi32, #tpu.memory_space<vmem>>) semaphore(%arg21 : memref<!tpu.dma_semaphore, #tpu.memory_space<semaphore_mem>>)
    }
    %scan3A_353 = arith.constant 15 : i32
    %dma_wait3A_354 = arith.constant 0 : i32
    %dma_wait3A_355 = arith.constant 0 : i32
    %dma_wait3A_356 = tpu.memref_slice %arg6[%dma_wait3A_354, %dma_wait3A_355] : memref<100000x128xf32, #tpu.memory_space<hbm>> -> memref<128x128xf32, #tpu.memory_space<hbm>>
    %dma_wait3A_357 = arith.constant 0 : i32
    %dma_wait3A_358 = arith.constant 0 : i32
    %dma_wait3A_359 = tpu.memref_slice %arg6[%dma_wait3A_357, %dma_wait3A_358] : memref<100000x128xf32, #tpu.memory_space<hbm>> -> memref<128x128xf32, #tpu.memory_space<hbm>>
    tpu.wait_dma2 semaphore(%arg21 : memref<!tpu.dma_semaphore, #tpu.memory_space<semaphore_mem>>) src(%dma_wait3A_359 : memref<128x128xf32, #tpu.memory_space<hbm>>) dst(%arg17 : memref<128x128xf32, #tpu.memory_space<vmem>>)
    %dma_start3A_360 = arith.constant 30 : i32
    %dma_start3A_361 = arith.constant 0 : i32
    %dma_start3A_362 = tpu.memref_slice %arg12[%dma_start3A_360, %dma_start3A_361] : memref<128x128xi32, #tpu.memory_space<vmem>> -> memref<1x128xi32, #tpu.memory_space<vmem>>
    %dma_start3A_363 = tpu.memref_squeeze %dma_start3A_362 : memref<1x128xi32, #tpu.memory_space<vmem>> -> memref<128xi32, #tpu.memory_space<vmem>>
    %dma_start3A_364 = arith.constant 0 : i32
    %dma_start3A_365 = arith.constant 0 : i32
    %dma_start3A_366 = tpu.memref_slice %arg19[%dma_start3A_364, %dma_start3A_365] : memref<8192x128xf32, #tpu.memory_space<vmem_shared>> -> memref<8192x128xf32, #tpu.memory_space<vmem_shared>>
    tpu.enqueue_indirect_dma source(%arg17 : memref<128x128xf32, #tpu.memory_space<vmem>>) target(%dma_start3A_366 : memref<8192x128xf32, #tpu.memory_space<vmem_shared>>) offsets(%dma_start3A_363 : memref<128xi32, #tpu.memory_space<vmem>>) semaphore(%arg23 : memref<!tpu.dma_semaphore, #tpu.memory_space<semaphore_mem>>) {add = true}
    %dma_wait3A_367 = arith.constant 0 : i32
    %dma_wait3A_368 = arith.constant 0 : i32
    %dma_wait3A_369 = tpu.memref_slice %arg6[%dma_wait3A_367, %dma_wait3A_368] : memref<100000x128xf32, #tpu.memory_space<hbm>> -> memref<128x128xf32, #tpu.memory_space<hbm>>
    %dma_wait3A_370 = arith.constant 0 : i32
    %dma_wait3A_371 = arith.constant 0 : i32
    %dma_wait3A_372 = tpu.memref_slice %arg6[%dma_wait3A_370, %dma_wait3A_371] : memref<100000x128xf32, #tpu.memory_space<hbm>> -> memref<128x128xf32, #tpu.memory_space<hbm>>
    tpu.wait_dma2 semaphore(%arg24 : memref<!tpu.dma_semaphore, #tpu.memory_space<semaphore_mem>>) src(%dma_wait3A_372 : memref<128x128xf32, #tpu.memory_space<hbm>>) dst(%arg18 : memref<128x128xf32, #tpu.memory_space<vmem>>)
    %dma_start3A_373 = arith.constant 3968 : i32
    %dma_start3A_374 = tpu.memref_slice %arg13[%dma_start3A_373] : memref<4096xi32, #tpu.memory_space<vmem>> -> memref<128xi32, #tpu.memory_space<vmem>>
    %dma_start3A_375 = arith.constant 0 : i32
    %dma_start3A_376 = arith.constant 0 : i32
    %dma_start3A_377 = tpu.memref_slice %arg20[%dma_start3A_375, %dma_start3A_376] : memref<1000x128xf32, #tpu.memory_space<vmem_shared>> -> memref<1000x128xf32, #tpu.memory_space<vmem_shared>>
    tpu.enqueue_indirect_dma source(%dma_start3A_377 : memref<1000x128xf32, #tpu.memory_space<vmem_shared>>) target(%arg18 : memref<128x128xf32, #tpu.memory_space<vmem>>) offsets(%dma_start3A_374 : memref<128xi32, #tpu.memory_space<vmem>>) semaphore(%arg22 : memref<!tpu.dma_semaphore, #tpu.memory_space<semaphore_mem>>)
    %dma_wait3A_378 = arith.constant 0 : i32
    %dma_wait3A_379 = arith.constant 0 : i32
    %dma_wait3A_380 = tpu.memref_slice %arg6[%dma_wait3A_378, %dma_wait3A_379] : memref<100000x128xf32, #tpu.memory_space<hbm>> -> memref<128x128xf32, #tpu.memory_space<hbm>>
    %dma_wait3A_381 = arith.constant 0 : i32
    %dma_wait3A_382 = arith.constant 0 : i32
    %dma_wait3A_383 = tpu.memref_slice %arg6[%dma_wait3A_381, %dma_wait3A_382] : memref<100000x128xf32, #tpu.memory_space<hbm>> -> memref<128x128xf32, #tpu.memory_space<hbm>>
    tpu.wait_dma2 semaphore(%arg22 : memref<!tpu.dma_semaphore, #tpu.memory_space<semaphore_mem>>) src(%dma_wait3A_383 : memref<128x128xf32, #tpu.memory_space<hbm>>) dst(%arg18 : memref<128x128xf32, #tpu.memory_space<vmem>>)
    %dma_start3A_384 = arith.constant 31 : i32
    %dma_start3A_385 = arith.constant 0 : i32
    %dma_start3A_386 = tpu.memref_slice %arg12[%dma_start3A_384, %dma_start3A_385] : memref<128x128xi32, #tpu.memory_space<vmem>> -> memref<1x128xi32, #tpu.memory_space<vmem>>
    %dma_start3A_387 = tpu.memref_squeeze %dma_start3A_386 : memref<1x128xi32, #tpu.memory_space<vmem>> -> memref<128xi32, #tpu.memory_space<vmem>>
    %dma_start3A_388 = arith.constant 0 : i32
    %dma_start3A_389 = arith.constant 0 : i32
    %dma_start3A_390 = tpu.memref_slice %arg19[%dma_start3A_388, %dma_start3A_389] : memref<8192x128xf32, #tpu.memory_space<vmem_shared>> -> memref<8192x128xf32, #tpu.memory_space<vmem_shared>>
    tpu.enqueue_indirect_dma source(%arg18 : memref<128x128xf32, #tpu.memory_space<vmem>>) target(%dma_start3A_390 : memref<8192x128xf32, #tpu.memory_space<vmem_shared>>) offsets(%dma_start3A_387 : memref<128xi32, #tpu.memory_space<vmem>>) semaphore(%arg24 : memref<!tpu.dma_semaphore, #tpu.memory_space<semaphore_mem>>) {add = true}
    %dma_wait3A_391 = arith.constant 0 : i32
    %dma_wait3A_392 = arith.constant 0 : i32
    %dma_wait3A_393 = tpu.memref_slice %arg6[%dma_wait3A_391, %dma_wait3A_392] : memref<100000x128xf32, #tpu.memory_space<hbm>> -> memref<128x128xf32, #tpu.memory_space<hbm>>
    %dma_wait3A_394 = arith.constant 0 : i32
    %dma_wait3A_395 = arith.constant 0 : i32
    %dma_wait3A_396 = tpu.memref_slice %arg6[%dma_wait3A_394, %dma_wait3A_395] : memref<100000x128xf32, #tpu.memory_space<hbm>> -> memref<128x128xf32, #tpu.memory_space<hbm>>
    tpu.wait_dma2 semaphore(%arg23 : memref<!tpu.dma_semaphore, #tpu.memory_space<semaphore_mem>>) src(%dma_wait3A_396 : memref<128x128xf32, #tpu.memory_space<hbm>>) dst(%arg17 : memref<128x128xf32, #tpu.memory_space<vmem>>)
    %dma_start3A_397 = arith.constant 0 : i32
    %dma_start3A_398 = arith.constant 0 : i32
    %dma_start3A_399 = tpu.memref_slice %arg20[%dma_start3A_397, %dma_start3A_398] : memref<1000x128xf32, #tpu.memory_space<vmem_shared>> -> memref<1000x128xf32, #tpu.memory_space<vmem_shared>>
    tpu.enqueue_indirect_dma source(%dma_start3A_399 : memref<1000x128xf32, #tpu.memory_space<vmem_shared>>) target(%arg17 : memref<128x128xf32, #tpu.memory_space<vmem>>) offsets(%arg15 : memref<128xi32, #tpu.memory_space<vmem>>) semaphore(%arg21 : memref<!tpu.dma_semaphore, #tpu.memory_space<semaphore_mem>>)
    %add3A_400 = arith.constant 4096 : i32
    %add3A_401 = arith.addi %mul3A_339, %add3A_400 : i32
    "tpu.region"() ({
      %run_scoped3A = tpu.sem_alloc : memref<!tpu.dma_semaphore, #tpu.memory_space<semaphore_mem>>
      %dma_start3A_569 = tpu.memref_slice %arg3[%add3A_401] : memref<524288xi32, #tpu.memory_space<hbm>> -> memref<4096xi32, #tpu.memory_space<hbm>>
      %dma_start3A_570 = tpu.memref_slice %arg3[%add3A_401] : memref<524288xi32, #tpu.memory_space<hbm>> -> memref<4096xi32, #tpu.memory_space<hbm>>
      tpu.enqueue_dma source(%dma_start3A_570 : memref<4096xi32, #tpu.memory_space<hbm>>) target(%arg13 : memref<4096xi32, #tpu.memory_space<vmem>>) target_semaphore(%run_scoped3A : memref<!tpu.dma_semaphore, #tpu.memory_space<semaphore_mem>>)
      %dma_wait3A_571 = tpu.memref_slice %arg3[%add3A_401] : memref<524288xi32, #tpu.memory_space<hbm>> -> memref<4096xi32, #tpu.memory_space<hbm>>
      %dma_wait3A_572 = tpu.memref_slice %arg3[%add3A_401] : memref<524288xi32, #tpu.memory_space<hbm>> -> memref<4096xi32, #tpu.memory_space<hbm>>
      tpu.wait_dma2 semaphore(%run_scoped3A : memref<!tpu.dma_semaphore, #tpu.memory_space<semaphore_mem>>) src(%dma_wait3A_572 : memref<4096xi32, #tpu.memory_space<hbm>>) dst(%arg13 : memref<4096xi32, #tpu.memory_space<vmem>>)
      tpu.yield
    }) : () -> ()
    %add3A_402 = arith.constant 8192 : i32
    %add3A_403 = arith.addi %mul3A_339, %add3A_402 : i32
    "tpu.region"() ({
      %run_scoped3A = tpu.sem_alloc : memref<!tpu.dma_semaphore, #tpu.memory_space<semaphore_mem>>
      %dma_start3A_569 = tpu.memref_slice %arg3[%add3A_403] : memref<524288xi32, #tpu.memory_space<hbm>> -> memref<128xi32, #tpu.memory_space<hbm>>
      %dma_start3A_570 = tpu.memref_slice %arg3[%add3A_403] : memref<524288xi32, #tpu.memory_space<hbm>> -> memref<128xi32, #tpu.memory_space<hbm>>
      tpu.enqueue_dma source(%dma_start3A_570 : memref<128xi32, #tpu.memory_space<hbm>>) target(%arg14 : memref<128xi32, #tpu.memory_space<vmem>>) target_semaphore(%run_scoped3A : memref<!tpu.dma_semaphore, #tpu.memory_space<semaphore_mem>>)
      %dma_wait3A_571 = tpu.memref_slice %arg3[%add3A_403] : memref<524288xi32, #tpu.memory_space<hbm>> -> memref<128xi32, #tpu.memory_space<hbm>>
      %dma_wait3A_572 = tpu.memref_slice %arg3[%add3A_403] : memref<524288xi32, #tpu.memory_space<hbm>> -> memref<128xi32, #tpu.memory_space<hbm>>
      tpu.wait_dma2 semaphore(%run_scoped3A : memref<!tpu.dma_semaphore, #tpu.memory_space<semaphore_mem>>) src(%dma_wait3A_572 : memref<128xi32, #tpu.memory_space<hbm>>) dst(%arg14 : memref<128xi32, #tpu.memory_space<vmem>>)
      tpu.yield
    }) : () -> ()
    %scan3A_404 = arith.constant 0 : i32
    %scan3A_405 = arith.constant 15 : i32
    %scan3A_406 = arith.addi %scan3A_404, %scan3A_405 : i32
    %scan3A_407 = arith.constant 1 : i32
    scf.for %scan3A_569 = %scan3A_404 to %scan3A_406 step %scan3A_407  : i32 {
      %mul3A_570 = arith.constant 1 : i32
      %mul3A_571 = arith.muli %scan3A_569, %mul3A_570 : i32
      %add3A_572 = arith.constant 0 : i32
      %add3A_573 = arith.addi %add3A_572, %mul3A_571 : i32
      %mul3A_574 = arith.constant 2 : i32
      %mul3A_575 = arith.muli %add3A_573, %mul3A_574 : i32
      %add3A_576 = arith.constant 0 : i32
      %add3A_577 = arith.addi %mul3A_575, %add3A_576 : i32
      %add3A_578 = arith.constant 32 : i32
      %add3A_579 = arith.addi %add3A_578, %add3A_577 : i32
      %dma_wait3A_580 = arith.constant 0 : i32
      %dma_wait3A_581 = arith.constant 0 : i32
      %dma_wait3A_582 = tpu.memref_slice %arg6[%dma_wait3A_580, %dma_wait3A_581] : memref<100000x128xf32, #tpu.memory_space<hbm>> -> memref<128x128xf32, #tpu.memory_space<hbm>>
      %dma_wait3A_583 = arith.constant 0 : i32
      %dma_wait3A_584 = arith.constant 0 : i32
      %dma_wait3A_585 = tpu.memref_slice %arg6[%dma_wait3A_583, %dma_wait3A_584] : memref<100000x128xf32, #tpu.memory_space<hbm>> -> memref<128x128xf32, #tpu.memory_space<hbm>>
      tpu.wait_dma2 semaphore(%arg21 : memref<!tpu.dma_semaphore, #tpu.memory_space<semaphore_mem>>) src(%dma_wait3A_585 : memref<128x128xf32, #tpu.memory_space<hbm>>) dst(%arg17 : memref<128x128xf32, #tpu.memory_space<vmem>>)
      %dma_start3A_586 = arith.constant 0 : i32
      %dma_start3A_587 = tpu.memref_slice %arg12[%add3A_579, %dma_start3A_586] : memref<128x128xi32, #tpu.memory_space<vmem>> -> memref<1x128xi32, #tpu.memory_space<vmem>>
      %dma_start3A_588 = tpu.memref_squeeze %dma_start3A_587 : memref<1x128xi32, #tpu.memory_space<vmem>> -> memref<128xi32, #tpu.memory_space<vmem>>
      %dma_start3A_589 = arith.constant 0 : i32
      %dma_start3A_590 = arith.constant 0 : i32
      %dma_start3A_591 = tpu.memref_slice %arg19[%dma_start3A_589, %dma_start3A_590] : memref<8192x128xf32, #tpu.memory_space<vmem_shared>> -> memref<8192x128xf32, #tpu.memory_space<vmem_shared>>
      tpu.enqueue_indirect_dma source(%arg17 : memref<128x128xf32, #tpu.memory_space<vmem>>) target(%dma_start3A_591 : memref<8192x128xf32, #tpu.memory_space<vmem_shared>>) offsets(%dma_start3A_588 : memref<128xi32, #tpu.memory_space<vmem>>) semaphore(%arg23 : memref<!tpu.dma_semaphore, #tpu.memory_space<semaphore_mem>>) {add = true}
      %dma_wait3A_592 = arith.constant 0 : i32
      %dma_wait3A_593 = arith.constant 0 : i32
      %dma_wait3A_594 = tpu.memref_slice %arg6[%dma_wait3A_592, %dma_wait3A_593] : memref<100000x128xf32, #tpu.memory_space<hbm>> -> memref<128x128xf32, #tpu.memory_space<hbm>>
      %dma_wait3A_595 = arith.constant 0 : i32
      %dma_wait3A_596 = arith.constant 0 : i32
      %dma_wait3A_597 = tpu.memref_slice %arg6[%dma_wait3A_595, %dma_wait3A_596] : memref<100000x128xf32, #tpu.memory_space<hbm>> -> memref<128x128xf32, #tpu.memory_space<hbm>>
      tpu.wait_dma2 semaphore(%arg24 : memref<!tpu.dma_semaphore, #tpu.memory_space<semaphore_mem>>) src(%dma_wait3A_597 : memref<128x128xf32, #tpu.memory_space<hbm>>) dst(%arg18 : memref<128x128xf32, #tpu.memory_space<vmem>>)
      %add3A_598 = arith.constant 1 : i32
      %add3A_599 = arith.addi %add3A_577, %add3A_598 : i32
      %mul3A_600 = arith.constant 128 : i32
      %mul3A_601 = arith.muli %add3A_599, %mul3A_600 : i32
      %dma_start3A_602 = tpu.memref_slice %arg13[%mul3A_601] : memref<4096xi32, #tpu.memory_space<vmem>> -> memref<128xi32, #tpu.memory_space<vmem>>
      %dma_start3A_603 = arith.constant 0 : i32
      %dma_start3A_604 = arith.constant 0 : i32
      %dma_start3A_605 = tpu.memref_slice %arg20[%dma_start3A_603, %dma_start3A_604] : memref<1000x128xf32, #tpu.memory_space<vmem_shared>> -> memref<1000x128xf32, #tpu.memory_space<vmem_shared>>
      tpu.enqueue_indirect_dma source(%dma_start3A_605 : memref<1000x128xf32, #tpu.memory_space<vmem_shared>>) target(%arg18 : memref<128x128xf32, #tpu.memory_space<vmem>>) offsets(%dma_start3A_602 : memref<128xi32, #tpu.memory_space<vmem>>) semaphore(%arg22 : memref<!tpu.dma_semaphore, #tpu.memory_space<semaphore_mem>>)
      %mul3A_606 = arith.constant 2 : i32
      %mul3A_607 = arith.muli %add3A_573, %mul3A_606 : i32
      %add3A_608 = arith.constant 1 : i32
      %add3A_609 = arith.addi %mul3A_607, %add3A_608 : i32
      %add3A_610 = arith.constant 32 : i32
      %add3A_611 = arith.addi %add3A_610, %add3A_609 : i32
      %dma_wait3A_612 = arith.constant 0 : i32
      %dma_wait3A_613 = arith.constant 0 : i32
      %dma_wait3A_614 = tpu.memref_slice %arg6[%dma_wait3A_612, %dma_wait3A_613] : memref<100000x128xf32, #tpu.memory_space<hbm>> -> memref<128x128xf32, #tpu.memory_space<hbm>>
      %dma_wait3A_615 = arith.constant 0 : i32
      %dma_wait3A_616 = arith.constant 0 : i32
      %dma_wait3A_617 = tpu.memref_slice %arg6[%dma_wait3A_615, %dma_wait3A_616] : memref<100000x128xf32, #tpu.memory_space<hbm>> -> memref<128x128xf32, #tpu.memory_space<hbm>>
      tpu.wait_dma2 semaphore(%arg22 : memref<!tpu.dma_semaphore, #tpu.memory_space<semaphore_mem>>) src(%dma_wait3A_617 : memref<128x128xf32, #tpu.memory_space<hbm>>) dst(%arg18 : memref<128x128xf32, #tpu.memory_space<vmem>>)
      %dma_start3A_618 = arith.constant 0 : i32
      %dma_start3A_619 = tpu.memref_slice %arg12[%add3A_611, %dma_start3A_618] : memref<128x128xi32, #tpu.memory_space<vmem>> -> memref<1x128xi32, #tpu.memory_space<vmem>>
      %dma_start3A_620 = tpu.memref_squeeze %dma_start3A_619 : memref<1x128xi32, #tpu.memory_space<vmem>> -> memref<128xi32, #tpu.memory_space<vmem>>
      %dma_start3A_621 = arith.constant 0 : i32
      %dma_start3A_622 = arith.constant 0 : i32
      %dma_start3A_623 = tpu.memref_slice %arg19[%dma_start3A_621, %dma_start3A_622] : memref<8192x128xf32, #tpu.memory_space<vmem_shared>> -> memref<8192x128xf32, #tpu.memory_space<vmem_shared>>
      tpu.enqueue_indirect_dma source(%arg18 : memref<128x128xf32, #tpu.memory_space<vmem>>) target(%dma_start3A_623 : memref<8192x128xf32, #tpu.memory_space<vmem_shared>>) offsets(%dma_start3A_620 : memref<128xi32, #tpu.memory_space<vmem>>) semaphore(%arg24 : memref<!tpu.dma_semaphore, #tpu.memory_space<semaphore_mem>>) {add = true}
      %dma_wait3A_624 = arith.constant 0 : i32
      %dma_wait3A_625 = arith.constant 0 : i32
      %dma_wait3A_626 = tpu.memref_slice %arg6[%dma_wait3A_624, %dma_wait3A_625] : memref<100000x128xf32, #tpu.memory_space<hbm>> -> memref<128x128xf32, #tpu.memory_space<hbm>>
      %dma_wait3A_627 = arith.constant 0 : i32
      %dma_wait3A_628 = arith.constant 0 : i32
      %dma_wait3A_629 = tpu.memref_slice %arg6[%dma_wait3A_627, %dma_wait3A_628] : memref<100000x128xf32, #tpu.memory_space<hbm>> -> memref<128x128xf32, #tpu.memory_space<hbm>>
      tpu.wait_dma2 semaphore(%arg23 : memref<!tpu.dma_semaphore, #tpu.memory_space<semaphore_mem>>) src(%dma_wait3A_629 : memref<128x128xf32, #tpu.memory_space<hbm>>) dst(%arg17 : memref<128x128xf32, #tpu.memory_space<vmem>>)
      %add3A_630 = arith.constant 1 : i32
      %add3A_631 = arith.addi %add3A_609, %add3A_630 : i32
      %mul3A_632 = arith.constant 128 : i32
      %mul3A_633 = arith.muli %add3A_631, %mul3A_632 : i32
      %dma_start3A_634 = tpu.memref_slice %arg13[%mul3A_633] : memref<4096xi32, #tpu.memory_space<vmem>> -> memref<128xi32, #tpu.memory_space<vmem>>
      %dma_start3A_635 = arith.constant 0 : i32
      %dma_start3A_636 = arith.constant 0 : i32
      %dma_start3A_637 = tpu.memref_slice %arg20[%dma_start3A_635, %dma_start3A_636] : memref<1000x128xf32, #tpu.memory_space<vmem_shared>> -> memref<1000x128xf32, #tpu.memory_space<vmem_shared>>
      tpu.enqueue_indirect_dma source(%dma_start3A_637 : memref<1000x128xf32, #tpu.memory_space<vmem_shared>>) target(%arg17 : memref<128x128xf32, #tpu.memory_space<vmem>>) offsets(%dma_start3A_634 : memref<128xi32, #tpu.memory_space<vmem>>) semaphore(%arg21 : memref<!tpu.dma_semaphore, #tpu.memory_space<semaphore_mem>>)
    }
    %scan3A_408 = arith.constant 15 : i32
    %dma_wait3A_409 = arith.constant 0 : i32
    %dma_wait3A_410 = arith.constant 0 : i32
    %dma_wait3A_411 = tpu.memref_slice %arg6[%dma_wait3A_409, %dma_wait3A_410] : memref<100000x128xf32, #tpu.memory_space<hbm>> -> memref<128x128xf32, #tpu.memory_space<hbm>>
    %dma_wait3A_412 = arith.constant 0 : i32
    %dma_wait3A_413 = arith.constant 0 : i32
    %dma_wait3A_414 = tpu.memref_slice %arg6[%dma_wait3A_412, %dma_wait3A_413] : memref<100000x128xf32, #tpu.memory_space<hbm>> -> memref<128x128xf32, #tpu.memory_space<hbm>>
    tpu.wait_dma2 semaphore(%arg21 : memref<!tpu.dma_semaphore, #tpu.memory_space<semaphore_mem>>) src(%dma_wait3A_414 : memref<128x128xf32, #tpu.memory_space<hbm>>) dst(%arg17 : memref<128x128xf32, #tpu.memory_space<vmem>>)
    %dma_start3A_415 = arith.constant 62 : i32
    %dma_start3A_416 = arith.constant 0 : i32
    %dma_start3A_417 = tpu.memref_slice %arg12[%dma_start3A_415, %dma_start3A_416] : memref<128x128xi32, #tpu.memory_space<vmem>> -> memref<1x128xi32, #tpu.memory_space<vmem>>
    %dma_start3A_418 = tpu.memref_squeeze %dma_start3A_417 : memref<1x128xi32, #tpu.memory_space<vmem>> -> memref<128xi32, #tpu.memory_space<vmem>>
    %dma_start3A_419 = arith.constant 0 : i32
    %dma_start3A_420 = arith.constant 0 : i32
    %dma_start3A_421 = tpu.memref_slice %arg19[%dma_start3A_419, %dma_start3A_420] : memref<8192x128xf32, #tpu.memory_space<vmem_shared>> -> memref<8192x128xf32, #tpu.memory_space<vmem_shared>>
    tpu.enqueue_indirect_dma source(%arg17 : memref<128x128xf32, #tpu.memory_space<vmem>>) target(%dma_start3A_421 : memref<8192x128xf32, #tpu.memory_space<vmem_shared>>) offsets(%dma_start3A_418 : memref<128xi32, #tpu.memory_space<vmem>>) semaphore(%arg23 : memref<!tpu.dma_semaphore, #tpu.memory_space<semaphore_mem>>) {add = true}
    %dma_wait3A_422 = arith.constant 0 : i32
    %dma_wait3A_423 = arith.constant 0 : i32
    %dma_wait3A_424 = tpu.memref_slice %arg6[%dma_wait3A_422, %dma_wait3A_423] : memref<100000x128xf32, #tpu.memory_space<hbm>> -> memref<128x128xf32, #tpu.memory_space<hbm>>
    %dma_wait3A_425 = arith.constant 0 : i32
    %dma_wait3A_426 = arith.constant 0 : i32
    %dma_wait3A_427 = tpu.memref_slice %arg6[%dma_wait3A_425, %dma_wait3A_426] : memref<100000x128xf32, #tpu.memory_space<hbm>> -> memref<128x128xf32, #tpu.memory_space<hbm>>
    tpu.wait_dma2 semaphore(%arg24 : memref<!tpu.dma_semaphore, #tpu.memory_space<semaphore_mem>>) src(%dma_wait3A_427 : memref<128x128xf32, #tpu.memory_space<hbm>>) dst(%arg18 : memref<128x128xf32, #tpu.memory_space<vmem>>)
    %dma_start3A_428 = arith.constant 3968 : i32
    %dma_start3A_429 = tpu.memref_slice %arg13[%dma_start3A_428] : memref<4096xi32, #tpu.memory_space<vmem>> -> memref<128xi32, #tpu.memory_space<vmem>>
    %dma_start3A_430 = arith.constant 0 : i32
    %dma_start3A_431 = arith.constant 0 : i32
    %dma_start3A_432 = tpu.memref_slice %arg20[%dma_start3A_430, %dma_start3A_431] : memref<1000x128xf32, #tpu.memory_space<vmem_shared>> -> memref<1000x128xf32, #tpu.memory_space<vmem_shared>>
    tpu.enqueue_indirect_dma source(%dma_start3A_432 : memref<1000x128xf32, #tpu.memory_space<vmem_shared>>) target(%arg18 : memref<128x128xf32, #tpu.memory_space<vmem>>) offsets(%dma_start3A_429 : memref<128xi32, #tpu.memory_space<vmem>>) semaphore(%arg22 : memref<!tpu.dma_semaphore, #tpu.memory_space<semaphore_mem>>)
    %dma_wait3A_433 = arith.constant 0 : i32
    %dma_wait3A_434 = arith.constant 0 : i32
    %dma_wait3A_435 = tpu.memref_slice %arg6[%dma_wait3A_433, %dma_wait3A_434] : memref<100000x128xf32, #tpu.memory_space<hbm>> -> memref<128x128xf32, #tpu.memory_space<hbm>>
    %dma_wait3A_436 = arith.constant 0 : i32
    %dma_wait3A_437 = arith.constant 0 : i32
    %dma_wait3A_438 = tpu.memref_slice %arg6[%dma_wait3A_436, %dma_wait3A_437] : memref<100000x128xf32, #tpu.memory_space<hbm>> -> memref<128x128xf32, #tpu.memory_space<hbm>>
    tpu.wait_dma2 semaphore(%arg22 : memref<!tpu.dma_semaphore, #tpu.memory_space<semaphore_mem>>) src(%dma_wait3A_438 : memref<128x128xf32, #tpu.memory_space<hbm>>) dst(%arg18 : memref<128x128xf32, #tpu.memory_space<vmem>>)
    %dma_start3A_439 = arith.constant 63 : i32
    %dma_start3A_440 = arith.constant 0 : i32
    %dma_start3A_441 = tpu.memref_slice %arg12[%dma_start3A_439, %dma_start3A_440] : memref<128x128xi32, #tpu.memory_space<vmem>> -> memref<1x128xi32, #tpu.memory_space<vmem>>
    %dma_start3A_442 = tpu.memref_squeeze %dma_start3A_441 : memref<1x128xi32, #tpu.memory_space<vmem>> -> memref<128xi32, #tpu.memory_space<vmem>>
    %dma_start3A_443 = arith.constant 0 : i32
    %dma_start3A_444 = arith.constant 0 : i32
    %dma_start3A_445 = tpu.memref_slice %arg19[%dma_start3A_443, %dma_start3A_444] : memref<8192x128xf32, #tpu.memory_space<vmem_shared>> -> memref<8192x128xf32, #tpu.memory_space<vmem_shared>>
    tpu.enqueue_indirect_dma source(%arg18 : memref<128x128xf32, #tpu.memory_space<vmem>>) target(%dma_start3A_445 : memref<8192x128xf32, #tpu.memory_space<vmem_shared>>) offsets(%dma_start3A_442 : memref<128xi32, #tpu.memory_space<vmem>>) semaphore(%arg24 : memref<!tpu.dma_semaphore, #tpu.memory_space<semaphore_mem>>) {add = true}
    %dma_wait3A_446 = arith.constant 0 : i32
    %dma_wait3A_447 = arith.constant 0 : i32
    %dma_wait3A_448 = tpu.memref_slice %arg6[%dma_wait3A_446, %dma_wait3A_447] : memref<100000x128xf32, #tpu.memory_space<hbm>> -> memref<128x128xf32, #tpu.memory_space<hbm>>
    %dma_wait3A_449 = arith.constant 0 : i32
    %dma_wait3A_450 = arith.constant 0 : i32
    %dma_wait3A_451 = tpu.memref_slice %arg6[%dma_wait3A_449, %dma_wait3A_450] : memref<100000x128xf32, #tpu.memory_space<hbm>> -> memref<128x128xf32, #tpu.memory_space<hbm>>
    tpu.wait_dma2 semaphore(%arg23 : memref<!tpu.dma_semaphore, #tpu.memory_space<semaphore_mem>>) src(%dma_wait3A_451 : memref<128x128xf32, #tpu.memory_space<hbm>>) dst(%arg17 : memref<128x128xf32, #tpu.memory_space<vmem>>)
    %dma_start3A_452 = arith.constant 0 : i32
    %dma_start3A_453 = arith.constant 0 : i32
    %dma_start3A_454 = tpu.memref_slice %arg20[%dma_start3A_452, %dma_start3A_453] : memref<1000x128xf32, #tpu.memory_space<vmem_shared>> -> memref<1000x128xf32, #tpu.memory_space<vmem_shared>>
    tpu.enqueue_indirect_dma source(%dma_start3A_454 : memref<1000x128xf32, #tpu.memory_space<vmem_shared>>) target(%arg17 : memref<128x128xf32, #tpu.memory_space<vmem>>) offsets(%arg14 : memref<128xi32, #tpu.memory_space<vmem>>) semaphore(%arg21 : memref<!tpu.dma_semaphore, #tpu.memory_space<semaphore_mem>>)
    %add3A_455 = arith.constant 8192 : i32
    %add3A_456 = arith.addi %mul3A_339, %add3A_455 : i32
    "tpu.region"() ({
      %run_scoped3A = tpu.sem_alloc : memref<!tpu.dma_semaphore, #tpu.memory_space<semaphore_mem>>
      %dma_start3A_569 = tpu.memref_slice %arg3[%add3A_456] : memref<524288xi32, #tpu.memory_space<hbm>> -> memref<4096xi32, #tpu.memory_space<hbm>>
      %dma_start3A_570 = tpu.memref_slice %arg3[%add3A_456] : memref<524288xi32, #tpu.memory_space<hbm>> -> memref<4096xi32, #tpu.memory_space<hbm>>
      tpu.enqueue_dma source(%dma_start3A_570 : memref<4096xi32, #tpu.memory_space<hbm>>) target(%arg13 : memref<4096xi32, #tpu.memory_space<vmem>>) target_semaphore(%run_scoped3A : memref<!tpu.dma_semaphore, #tpu.memory_space<semaphore_mem>>)
      %dma_wait3A_571 = tpu.memref_slice %arg3[%add3A_456] : memref<524288xi32, #tpu.memory_space<hbm>> -> memref<4096xi32, #tpu.memory_space<hbm>>
      %dma_wait3A_572 = tpu.memref_slice %arg3[%add3A_456] : memref<524288xi32, #tpu.memory_space<hbm>> -> memref<4096xi32, #tpu.memory_space<hbm>>
      tpu.wait_dma2 semaphore(%run_scoped3A : memref<!tpu.dma_semaphore, #tpu.memory_space<semaphore_mem>>) src(%dma_wait3A_572 : memref<4096xi32, #tpu.memory_space<hbm>>) dst(%arg13 : memref<4096xi32, #tpu.memory_space<vmem>>)
      tpu.yield
    }) : () -> ()
    %add3A_457 = arith.constant 12288 : i32
    %add3A_458 = arith.addi %mul3A_339, %add3A_457 : i32
    "tpu.region"() ({
      %run_scoped3A = tpu.sem_alloc : memref<!tpu.dma_semaphore, #tpu.memory_space<semaphore_mem>>
      %dma_start3A_569 = tpu.memref_slice %arg3[%add3A_458] : memref<524288xi32, #tpu.memory_space<hbm>> -> memref<128xi32, #tpu.memory_space<hbm>>
      %dma_start3A_570 = tpu.memref_slice %arg3[%add3A_458] : memref<524288xi32, #tpu.memory_space<hbm>> -> memref<128xi32, #tpu.memory_space<hbm>>
      tpu.enqueue_dma source(%dma_start3A_570 : memref<128xi32, #tpu.memory_space<hbm>>) target(%arg15 : memref<128xi32, #tpu.memory_space<vmem>>) target_semaphore(%run_scoped3A : memref<!tpu.dma_semaphore, #tpu.memory_space<semaphore_mem>>)
      %dma_wait3A_571 = tpu.memref_slice %arg3[%add3A_458] : memref<524288xi32, #tpu.memory_space<hbm>> -> memref<128xi32, #tpu.memory_space<hbm>>
      %dma_wait3A_572 = tpu.memref_slice %arg3[%add3A_458] : memref<524288xi32, #tpu.memory_space<hbm>> -> memref<128xi32, #tpu.memory_space<hbm>>
      tpu.wait_dma2 semaphore(%run_scoped3A : memref<!tpu.dma_semaphore, #tpu.memory_space<semaphore_mem>>) src(%dma_wait3A_572 : memref<128xi32, #tpu.memory_space<hbm>>) dst(%arg15 : memref<128xi32, #tpu.memory_space<vmem>>)
      tpu.yield
    }) : () -> ()
    %scan3A_459 = arith.constant 0 : i32
    %scan3A_460 = arith.constant 15 : i32
    %scan3A_461 = arith.addi %scan3A_459, %scan3A_460 : i32
    %scan3A_462 = arith.constant 1 : i32
    scf.for %scan3A_569 = %scan3A_459 to %scan3A_461 step %scan3A_462  : i32 {
      %mul3A_570 = arith.constant 1 : i32
      %mul3A_571 = arith.muli %scan3A_569, %mul3A_570 : i32
      %add3A_572 = arith.constant 0 : i32
      %add3A_573 = arith.addi %add3A_572, %mul3A_571 : i32
      %mul3A_574 = arith.constant 2 : i32
      %mul3A_575 = arith.muli %add3A_573, %mul3A_574 : i32
      %add3A_576 = arith.constant 0 : i32
      %add3A_577 = arith.addi %mul3A_575, %add3A_576 : i32
      %add3A_578 = arith.constant 64 : i32
      %add3A_579 = arith.addi %add3A_578, %add3A_577 : i32
      %dma_wait3A_580 = arith.constant 0 : i32
      %dma_wait3A_581 = arith.constant 0 : i32
      %dma_wait3A_582 = tpu.memref_slice %arg6[%dma_wait3A_580, %dma_wait3A_581] : memref<100000x128xf32, #tpu.memory_space<hbm>> -> memref<128x128xf32, #tpu.memory_space<hbm>>
      %dma_wait3A_583 = arith.constant 0 : i32
      %dma_wait3A_584 = arith.constant 0 : i32
      %dma_wait3A_585 = tpu.memref_slice %arg6[%dma_wait3A_583, %dma_wait3A_584] : memref<100000x128xf32, #tpu.memory_space<hbm>> -> memref<128x128xf32, #tpu.memory_space<hbm>>
      tpu.wait_dma2 semaphore(%arg21 : memref<!tpu.dma_semaphore, #tpu.memory_space<semaphore_mem>>) src(%dma_wait3A_585 : memref<128x128xf32, #tpu.memory_space<hbm>>) dst(%arg17 : memref<128x128xf32, #tpu.memory_space<vmem>>)
      %dma_start3A_586 = arith.constant 0 : i32
      %dma_start3A_587 = tpu.memref_slice %arg12[%add3A_579, %dma_start3A_586] : memref<128x128xi32, #tpu.memory_space<vmem>> -> memref<1x128xi32, #tpu.memory_space<vmem>>
      %dma_start3A_588 = tpu.memref_squeeze %dma_start3A_587 : memref<1x128xi32, #tpu.memory_space<vmem>> -> memref<128xi32, #tpu.memory_space<vmem>>
      %dma_start3A_589 = arith.constant 0 : i32
      %dma_start3A_590 = arith.constant 0 : i32
      %dma_start3A_591 = tpu.memref_slice %arg19[%dma_start3A_589, %dma_start3A_590] : memref<8192x128xf32, #tpu.memory_space<vmem_shared>> -> memref<8192x128xf32, #tpu.memory_space<vmem_shared>>
      tpu.enqueue_indirect_dma source(%arg17 : memref<128x128xf32, #tpu.memory_space<vmem>>) target(%dma_start3A_591 : memref<8192x128xf32, #tpu.memory_space<vmem_shared>>) offsets(%dma_start3A_588 : memref<128xi32, #tpu.memory_space<vmem>>) semaphore(%arg23 : memref<!tpu.dma_semaphore, #tpu.memory_space<semaphore_mem>>) {add = true}
      %dma_wait3A_592 = arith.constant 0 : i32
      %dma_wait3A_593 = arith.constant 0 : i32
      %dma_wait3A_594 = tpu.memref_slice %arg6[%dma_wait3A_592, %dma_wait3A_593] : memref<100000x128xf32, #tpu.memory_space<hbm>> -> memref<128x128xf32, #tpu.memory_space<hbm>>
      %dma_wait3A_595 = arith.constant 0 : i32
      %dma_wait3A_596 = arith.constant 0 : i32
      %dma_wait3A_597 = tpu.memref_slice %arg6[%dma_wait3A_595, %dma_wait3A_596] : memref<100000x128xf32, #tpu.memory_space<hbm>> -> memref<128x128xf32, #tpu.memory_space<hbm>>
      tpu.wait_dma2 semaphore(%arg24 : memref<!tpu.dma_semaphore, #tpu.memory_space<semaphore_mem>>) src(%dma_wait3A_597 : memref<128x128xf32, #tpu.memory_space<hbm>>) dst(%arg18 : memref<128x128xf32, #tpu.memory_space<vmem>>)
      %add3A_598 = arith.constant 1 : i32
      %add3A_599 = arith.addi %add3A_577, %add3A_598 : i32
      %mul3A_600 = arith.constant 128 : i32
      %mul3A_601 = arith.muli %add3A_599, %mul3A_600 : i32
      %dma_start3A_602 = tpu.memref_slice %arg13[%mul3A_601] : memref<4096xi32, #tpu.memory_space<vmem>> -> memref<128xi32, #tpu.memory_space<vmem>>
      %dma_start3A_603 = arith.constant 0 : i32
      %dma_start3A_604 = arith.constant 0 : i32
      %dma_start3A_605 = tpu.memref_slice %arg20[%dma_start3A_603, %dma_start3A_604] : memref<1000x128xf32, #tpu.memory_space<vmem_shared>> -> memref<1000x128xf32, #tpu.memory_space<vmem_shared>>
      tpu.enqueue_indirect_dma source(%dma_start3A_605 : memref<1000x128xf32, #tpu.memory_space<vmem_shared>>) target(%arg18 : memref<128x128xf32, #tpu.memory_space<vmem>>) offsets(%dma_start3A_602 : memref<128xi32, #tpu.memory_space<vmem>>) semaphore(%arg22 : memref<!tpu.dma_semaphore, #tpu.memory_space<semaphore_mem>>)
      %mul3A_606 = arith.constant 2 : i32
      %mul3A_607 = arith.muli %add3A_573, %mul3A_606 : i32
      %add3A_608 = arith.constant 1 : i32
      %add3A_609 = arith.addi %mul3A_607, %add3A_608 : i32
      %add3A_610 = arith.constant 64 : i32
      %add3A_611 = arith.addi %add3A_610, %add3A_609 : i32
      %dma_wait3A_612 = arith.constant 0 : i32
      %dma_wait3A_613 = arith.constant 0 : i32
      %dma_wait3A_614 = tpu.memref_slice %arg6[%dma_wait3A_612, %dma_wait3A_613] : memref<100000x128xf32, #tpu.memory_space<hbm>> -> memref<128x128xf32, #tpu.memory_space<hbm>>
      %dma_wait3A_615 = arith.constant 0 : i32
      %dma_wait3A_616 = arith.constant 0 : i32
      %dma_wait3A_617 = tpu.memref_slice %arg6[%dma_wait3A_615, %dma_wait3A_616] : memref<100000x128xf32, #tpu.memory_space<hbm>> -> memref<128x128xf32, #tpu.memory_space<hbm>>
      tpu.wait_dma2 semaphore(%arg22 : memref<!tpu.dma_semaphore, #tpu.memory_space<semaphore_mem>>) src(%dma_wait3A_617 : memref<128x128xf32, #tpu.memory_space<hbm>>) dst(%arg18 : memref<128x128xf32, #tpu.memory_space<vmem>>)
      %dma_start3A_618 = arith.constant 0 : i32
      %dma_start3A_619 = tpu.memref_slice %arg12[%add3A_611, %dma_start3A_618] : memref<128x128xi32, #tpu.memory_space<vmem>> -> memref<1x128xi32, #tpu.memory_space<vmem>>
      %dma_start3A_620 = tpu.memref_squeeze %dma_start3A_619 : memref<1x128xi32, #tpu.memory_space<vmem>> -> memref<128xi32, #tpu.memory_space<vmem>>
      %dma_start3A_621 = arith.constant 0 : i32
      %dma_start3A_622 = arith.constant 0 : i32
      %dma_start3A_623 = tpu.memref_slice %arg19[%dma_start3A_621, %dma_start3A_622] : memref<8192x128xf32, #tpu.memory_space<vmem_shared>> -> memref<8192x128xf32, #tpu.memory_space<vmem_shared>>
      tpu.enqueue_indirect_dma source(%arg18 : memref<128x128xf32, #tpu.memory_space<vmem>>) target(%dma_start3A_623 : memref<8192x128xf32, #tpu.memory_space<vmem_shared>>) offsets(%dma_start3A_620 : memref<128xi32, #tpu.memory_space<vmem>>) semaphore(%arg24 : memref<!tpu.dma_semaphore, #tpu.memory_space<semaphore_mem>>) {add = true}
      %dma_wait3A_624 = arith.constant 0 : i32
      %dma_wait3A_625 = arith.constant 0 : i32
      %dma_wait3A_626 = tpu.memref_slice %arg6[%dma_wait3A_624, %dma_wait3A_625] : memref<100000x128xf32, #tpu.memory_space<hbm>> -> memref<128x128xf32, #tpu.memory_space<hbm>>
      %dma_wait3A_627 = arith.constant 0 : i32
      %dma_wait3A_628 = arith.constant 0 : i32
      %dma_wait3A_629 = tpu.memref_slice %arg6[%dma_wait3A_627, %dma_wait3A_628] : memref<100000x128xf32, #tpu.memory_space<hbm>> -> memref<128x128xf32, #tpu.memory_space<hbm>>
      tpu.wait_dma2 semaphore(%arg23 : memref<!tpu.dma_semaphore, #tpu.memory_space<semaphore_mem>>) src(%dma_wait3A_629 : memref<128x128xf32, #tpu.memory_space<hbm>>) dst(%arg17 : memref<128x128xf32, #tpu.memory_space<vmem>>)
      %add3A_630 = arith.constant 1 : i32
      %add3A_631 = arith.addi %add3A_609, %add3A_630 : i32
      %mul3A_632 = arith.constant 128 : i32
      %mul3A_633 = arith.muli %add3A_631, %mul3A_632 : i32
      %dma_start3A_634 = tpu.memref_slice %arg13[%mul3A_633] : memref<4096xi32, #tpu.memory_space<vmem>> -> memref<128xi32, #tpu.memory_space<vmem>>
      %dma_start3A_635 = arith.constant 0 : i32
      %dma_start3A_636 = arith.constant 0 : i32
      %dma_start3A_637 = tpu.memref_slice %arg20[%dma_start3A_635, %dma_start3A_636] : memref<1000x128xf32, #tpu.memory_space<vmem_shared>> -> memref<1000x128xf32, #tpu.memory_space<vmem_shared>>
      tpu.enqueue_indirect_dma source(%dma_start3A_637 : memref<1000x128xf32, #tpu.memory_space<vmem_shared>>) target(%arg17 : memref<128x128xf32, #tpu.memory_space<vmem>>) offsets(%dma_start3A_634 : memref<128xi32, #tpu.memory_space<vmem>>) semaphore(%arg21 : memref<!tpu.dma_semaphore, #tpu.memory_space<semaphore_mem>>)
    }
    %scan3A_463 = arith.constant 15 : i32
    %dma_wait3A_464 = arith.constant 0 : i32
    %dma_wait3A_465 = arith.constant 0 : i32
    %dma_wait3A_466 = tpu.memref_slice %arg6[%dma_wait3A_464, %dma_wait3A_465] : memref<100000x128xf32, #tpu.memory_space<hbm>> -> memref<128x128xf32, #tpu.memory_space<hbm>>
    %dma_wait3A_467 = arith.constant 0 : i32
    %dma_wait3A_468 = arith.constant 0 : i32
    %dma_wait3A_469 = tpu.memref_slice %arg6[%dma_wait3A_467, %dma_wait3A_468] : memref<100000x128xf32, #tpu.memory_space<hbm>> -> memref<128x128xf32, #tpu.memory_space<hbm>>
    tpu.wait_dma2 semaphore(%arg21 : memref<!tpu.dma_semaphore, #tpu.memory_space<semaphore_mem>>) src(%dma_wait3A_469 : memref<128x128xf32, #tpu.memory_space<hbm>>) dst(%arg17 : memref<128x128xf32, #tpu.memory_space<vmem>>)
    %dma_start3A_470 = arith.constant 94 : i32
    %dma_start3A_471 = arith.constant 0 : i32
    %dma_start3A_472 = tpu.memref_slice %arg12[%dma_start3A_470, %dma_start3A_471] : memref<128x128xi32, #tpu.memory_space<vmem>> -> memref<1x128xi32, #tpu.memory_space<vmem>>
    %dma_start3A_473 = tpu.memref_squeeze %dma_start3A_472 : memref<1x128xi32, #tpu.memory_space<vmem>> -> memref<128xi32, #tpu.memory_space<vmem>>
    %dma_start3A_474 = arith.constant 0 : i32
    %dma_start3A_475 = arith.constant 0 : i32
    %dma_start3A_476 = tpu.memref_slice %arg19[%dma_start3A_474, %dma_start3A_475] : memref<8192x128xf32, #tpu.memory_space<vmem_shared>> -> memref<8192x128xf32, #tpu.memory_space<vmem_shared>>
    tpu.enqueue_indirect_dma source(%arg17 : memref<128x128xf32, #tpu.memory_space<vmem>>) target(%dma_start3A_476 : memref<8192x128xf32, #tpu.memory_space<vmem_shared>>) offsets(%dma_start3A_473 : memref<128xi32, #tpu.memory_space<vmem>>) semaphore(%arg23 : memref<!tpu.dma_semaphore, #tpu.memory_space<semaphore_mem>>) {add = true}
    %dma_wait3A_477 = arith.constant 0 : i32
    %dma_wait3A_478 = arith.constant 0 : i32
    %dma_wait3A_479 = tpu.memref_slice %arg6[%dma_wait3A_477, %dma_wait3A_478] : memref<100000x128xf32, #tpu.memory_space<hbm>> -> memref<128x128xf32, #tpu.memory_space<hbm>>
    %dma_wait3A_480 = arith.constant 0 : i32
    %dma_wait3A_481 = arith.constant 0 : i32
    %dma_wait3A_482 = tpu.memref_slice %arg6[%dma_wait3A_480, %dma_wait3A_481] : memref<100000x128xf32, #tpu.memory_space<hbm>> -> memref<128x128xf32, #tpu.memory_space<hbm>>
    tpu.wait_dma2 semaphore(%arg24 : memref<!tpu.dma_semaphore, #tpu.memory_space<semaphore_mem>>) src(%dma_wait3A_482 : memref<128x128xf32, #tpu.memory_space<hbm>>) dst(%arg18 : memref<128x128xf32, #tpu.memory_space<vmem>>)
    %dma_start3A_483 = arith.constant 3968 : i32
    %dma_start3A_484 = tpu.memref_slice %arg13[%dma_start3A_483] : memref<4096xi32, #tpu.memory_space<vmem>> -> memref<128xi32, #tpu.memory_space<vmem>>
    %dma_start3A_485 = arith.constant 0 : i32
    %dma_start3A_486 = arith.constant 0 : i32
    %dma_start3A_487 = tpu.memref_slice %arg20[%dma_start3A_485, %dma_start3A_486] : memref<1000x128xf32, #tpu.memory_space<vmem_shared>> -> memref<1000x128xf32, #tpu.memory_space<vmem_shared>>
    tpu.enqueue_indirect_dma source(%dma_start3A_487 : memref<1000x128xf32, #tpu.memory_space<vmem_shared>>) target(%arg18 : memref<128x128xf32, #tpu.memory_space<vmem>>) offsets(%dma_start3A_484 : memref<128xi32, #tpu.memory_space<vmem>>) semaphore(%arg22 : memref<!tpu.dma_semaphore, #tpu.memory_space<semaphore_mem>>)
    %dma_wait3A_488 = arith.constant 0 : i32
    %dma_wait3A_489 = arith.constant 0 : i32
    %dma_wait3A_490 = tpu.memref_slice %arg6[%dma_wait3A_488, %dma_wait3A_489] : memref<100000x128xf32, #tpu.memory_space<hbm>> -> memref<128x128xf32, #tpu.memory_space<hbm>>
    %dma_wait3A_491 = arith.constant 0 : i32
    %dma_wait3A_492 = arith.constant 0 : i32
    %dma_wait3A_493 = tpu.memref_slice %arg6[%dma_wait3A_491, %dma_wait3A_492] : memref<100000x128xf32, #tpu.memory_space<hbm>> -> memref<128x128xf32, #tpu.memory_space<hbm>>
    tpu.wait_dma2 semaphore(%arg22 : memref<!tpu.dma_semaphore, #tpu.memory_space<semaphore_mem>>) src(%dma_wait3A_493 : memref<128x128xf32, #tpu.memory_space<hbm>>) dst(%arg18 : memref<128x128xf32, #tpu.memory_space<vmem>>)
    %dma_start3A_494 = arith.constant 95 : i32
    %dma_start3A_495 = arith.constant 0 : i32
    %dma_start3A_496 = tpu.memref_slice %arg12[%dma_start3A_494, %dma_start3A_495] : memref<128x128xi32, #tpu.memory_space<vmem>> -> memref<1x128xi32, #tpu.memory_space<vmem>>
    %dma_start3A_497 = tpu.memref_squeeze %dma_start3A_496 : memref<1x128xi32, #tpu.memory_space<vmem>> -> memref<128xi32, #tpu.memory_space<vmem>>
    %dma_start3A_498 = arith.constant 0 : i32
    %dma_start3A_499 = arith.constant 0 : i32
    %dma_start3A_500 = tpu.memref_slice %arg19[%dma_start3A_498, %dma_start3A_499] : memref<8192x128xf32, #tpu.memory_space<vmem_shared>> -> memref<8192x128xf32, #tpu.memory_space<vmem_shared>>
    tpu.enqueue_indirect_dma source(%arg18 : memref<128x128xf32, #tpu.memory_space<vmem>>) target(%dma_start3A_500 : memref<8192x128xf32, #tpu.memory_space<vmem_shared>>) offsets(%dma_start3A_497 : memref<128xi32, #tpu.memory_space<vmem>>) semaphore(%arg24 : memref<!tpu.dma_semaphore, #tpu.memory_space<semaphore_mem>>) {add = true}
    %dma_wait3A_501 = arith.constant 0 : i32
    %dma_wait3A_502 = arith.constant 0 : i32
    %dma_wait3A_503 = tpu.memref_slice %arg6[%dma_wait3A_501, %dma_wait3A_502] : memref<100000x128xf32, #tpu.memory_space<hbm>> -> memref<128x128xf32, #tpu.memory_space<hbm>>
    %dma_wait3A_504 = arith.constant 0 : i32
    %dma_wait3A_505 = arith.constant 0 : i32
    %dma_wait3A_506 = tpu.memref_slice %arg6[%dma_wait3A_504, %dma_wait3A_505] : memref<100000x128xf32, #tpu.memory_space<hbm>> -> memref<128x128xf32, #tpu.memory_space<hbm>>
    tpu.wait_dma2 semaphore(%arg23 : memref<!tpu.dma_semaphore, #tpu.memory_space<semaphore_mem>>) src(%dma_wait3A_506 : memref<128x128xf32, #tpu.memory_space<hbm>>) dst(%arg17 : memref<128x128xf32, #tpu.memory_space<vmem>>)
    %dma_start3A_507 = arith.constant 0 : i32
    %dma_start3A_508 = arith.constant 0 : i32
    %dma_start3A_509 = tpu.memref_slice %arg20[%dma_start3A_507, %dma_start3A_508] : memref<1000x128xf32, #tpu.memory_space<vmem_shared>> -> memref<1000x128xf32, #tpu.memory_space<vmem_shared>>
    tpu.enqueue_indirect_dma source(%dma_start3A_509 : memref<1000x128xf32, #tpu.memory_space<vmem_shared>>) target(%arg17 : memref<128x128xf32, #tpu.memory_space<vmem>>) offsets(%arg15 : memref<128xi32, #tpu.memory_space<vmem>>) semaphore(%arg21 : memref<!tpu.dma_semaphore, #tpu.memory_space<semaphore_mem>>)
    %add3A_510 = arith.constant 12288 : i32
    %add3A_511 = arith.addi %mul3A_339, %add3A_510 : i32
    "tpu.region"() ({
      %run_scoped3A = tpu.sem_alloc : memref<!tpu.dma_semaphore, #tpu.memory_space<semaphore_mem>>
      %dma_start3A_569 = tpu.memref_slice %arg3[%add3A_511] : memref<524288xi32, #tpu.memory_space<hbm>> -> memref<4096xi32, #tpu.memory_space<hbm>>
      %dma_start3A_570 = tpu.memref_slice %arg3[%add3A_511] : memref<524288xi32, #tpu.memory_space<hbm>> -> memref<4096xi32, #tpu.memory_space<hbm>>
      tpu.enqueue_dma source(%dma_start3A_570 : memref<4096xi32, #tpu.memory_space<hbm>>) target(%arg13 : memref<4096xi32, #tpu.memory_space<vmem>>) target_semaphore(%run_scoped3A : memref<!tpu.dma_semaphore, #tpu.memory_space<semaphore_mem>>)
      %dma_wait3A_571 = tpu.memref_slice %arg3[%add3A_511] : memref<524288xi32, #tpu.memory_space<hbm>> -> memref<4096xi32, #tpu.memory_space<hbm>>
      %dma_wait3A_572 = tpu.memref_slice %arg3[%add3A_511] : memref<524288xi32, #tpu.memory_space<hbm>> -> memref<4096xi32, #tpu.memory_space<hbm>>
      tpu.wait_dma2 semaphore(%run_scoped3A : memref<!tpu.dma_semaphore, #tpu.memory_space<semaphore_mem>>) src(%dma_wait3A_572 : memref<4096xi32, #tpu.memory_space<hbm>>) dst(%arg13 : memref<4096xi32, #tpu.memory_space<vmem>>)
      tpu.yield
    }) : () -> ()
    %scan3A_512 = arith.constant 0 : i32
    %scan3A_513 = arith.constant 15 : i32
    %scan3A_514 = arith.addi %scan3A_512, %scan3A_513 : i32
    %scan3A_515 = arith.constant 1 : i32
    scf.for %scan3A_569 = %scan3A_512 to %scan3A_514 step %scan3A_515  : i32 {
      %mul3A_570 = arith.constant 1 : i32
      %mul3A_571 = arith.muli %scan3A_569, %mul3A_570 : i32
      %add3A_572 = arith.constant 0 : i32
      %add3A_573 = arith.addi %add3A_572, %mul3A_571 : i32
      %mul3A_574 = arith.constant 2 : i32
      %mul3A_575 = arith.muli %add3A_573, %mul3A_574 : i32
      %add3A_576 = arith.constant 0 : i32
      %add3A_577 = arith.addi %mul3A_575, %add3A_576 : i32
      %add3A_578 = arith.constant 96 : i32
      %add3A_579 = arith.addi %add3A_578, %add3A_577 : i32
      %dma_wait3A_580 = arith.constant 0 : i32
      %dma_wait3A_581 = arith.constant 0 : i32
      %dma_wait3A_582 = tpu.memref_slice %arg6[%dma_wait3A_580, %dma_wait3A_581] : memref<100000x128xf32, #tpu.memory_space<hbm>> -> memref<128x128xf32, #tpu.memory_space<hbm>>
      %dma_wait3A_583 = arith.constant 0 : i32
      %dma_wait3A_584 = arith.constant 0 : i32
      %dma_wait3A_585 = tpu.memref_slice %arg6[%dma_wait3A_583, %dma_wait3A_584] : memref<100000x128xf32, #tpu.memory_space<hbm>> -> memref<128x128xf32, #tpu.memory_space<hbm>>
      tpu.wait_dma2 semaphore(%arg21 : memref<!tpu.dma_semaphore, #tpu.memory_space<semaphore_mem>>) src(%dma_wait3A_585 : memref<128x128xf32, #tpu.memory_space<hbm>>) dst(%arg17 : memref<128x128xf32, #tpu.memory_space<vmem>>)
      %dma_start3A_586 = arith.constant 0 : i32
      %dma_start3A_587 = tpu.memref_slice %arg12[%add3A_579, %dma_start3A_586] : memref<128x128xi32, #tpu.memory_space<vmem>> -> memref<1x128xi32, #tpu.memory_space<vmem>>
      %dma_start3A_588 = tpu.memref_squeeze %dma_start3A_587 : memref<1x128xi32, #tpu.memory_space<vmem>> -> memref<128xi32, #tpu.memory_space<vmem>>
      %dma_start3A_589 = arith.constant 0 : i32
      %dma_start3A_590 = arith.constant 0 : i32
      %dma_start3A_591 = tpu.memref_slice %arg19[%dma_start3A_589, %dma_start3A_590] : memref<8192x128xf32, #tpu.memory_space<vmem_shared>> -> memref<8192x128xf32, #tpu.memory_space<vmem_shared>>
      tpu.enqueue_indirect_dma source(%arg17 : memref<128x128xf32, #tpu.memory_space<vmem>>) target(%dma_start3A_591 : memref<8192x128xf32, #tpu.memory_space<vmem_shared>>) offsets(%dma_start3A_588 : memref<128xi32, #tpu.memory_space<vmem>>) semaphore(%arg23 : memref<!tpu.dma_semaphore, #tpu.memory_space<semaphore_mem>>) {add = true}
      %dma_wait3A_592 = arith.constant 0 : i32
      %dma_wait3A_593 = arith.constant 0 : i32
      %dma_wait3A_594 = tpu.memref_slice %arg6[%dma_wait3A_592, %dma_wait3A_593] : memref<100000x128xf32, #tpu.memory_space<hbm>> -> memref<128x128xf32, #tpu.memory_space<hbm>>
      %dma_wait3A_595 = arith.constant 0 : i32
      %dma_wait3A_596 = arith.constant 0 : i32
      %dma_wait3A_597 = tpu.memref_slice %arg6[%dma_wait3A_595, %dma_wait3A_596] : memref<100000x128xf32, #tpu.memory_space<hbm>> -> memref<128x128xf32, #tpu.memory_space<hbm>>
      tpu.wait_dma2 semaphore(%arg24 : memref<!tpu.dma_semaphore, #tpu.memory_space<semaphore_mem>>) src(%dma_wait3A_597 : memref<128x128xf32, #tpu.memory_space<hbm>>) dst(%arg18 : memref<128x128xf32, #tpu.memory_space<vmem>>)
      %add3A_598 = arith.constant 1 : i32
      %add3A_599 = arith.addi %add3A_577, %add3A_598 : i32
      %mul3A_600 = arith.constant 128 : i32
      %mul3A_601 = arith.muli %add3A_599, %mul3A_600 : i32
      %dma_start3A_602 = tpu.memref_slice %arg13[%mul3A_601] : memref<4096xi32, #tpu.memory_space<vmem>> -> memref<128xi32, #tpu.memory_space<vmem>>
      %dma_start3A_603 = arith.constant 0 : i32
      %dma_start3A_604 = arith.constant 0 : i32
      %dma_start3A_605 = tpu.memref_slice %arg20[%dma_start3A_603, %dma_start3A_604] : memref<1000x128xf32, #tpu.memory_space<vmem_shared>> -> memref<1000x128xf32, #tpu.memory_space<vmem_shared>>
      tpu.enqueue_indirect_dma source(%dma_start3A_605 : memref<1000x128xf32, #tpu.memory_space<vmem_shared>>) target(%arg18 : memref<128x128xf32, #tpu.memory_space<vmem>>) offsets(%dma_start3A_602 : memref<128xi32, #tpu.memory_space<vmem>>) semaphore(%arg22 : memref<!tpu.dma_semaphore, #tpu.memory_space<semaphore_mem>>)
      %mul3A_606 = arith.constant 2 : i32
      %mul3A_607 = arith.muli %add3A_573, %mul3A_606 : i32
      %add3A_608 = arith.constant 1 : i32
      %add3A_609 = arith.addi %mul3A_607, %add3A_608 : i32
      %add3A_610 = arith.constant 96 : i32
      %add3A_611 = arith.addi %add3A_610, %add3A_609 : i32
      %dma_wait3A_612 = arith.constant 0 : i32
      %dma_wait3A_613 = arith.constant 0 : i32
      %dma_wait3A_614 = tpu.memref_slice %arg6[%dma_wait3A_612, %dma_wait3A_613] : memref<100000x128xf32, #tpu.memory_space<hbm>> -> memref<128x128xf32, #tpu.memory_space<hbm>>
      %dma_wait3A_615 = arith.constant 0 : i32
      %dma_wait3A_616 = arith.constant 0 : i32
      %dma_wait3A_617 = tpu.memref_slice %arg6[%dma_wait3A_615, %dma_wait3A_616] : memref<100000x128xf32, #tpu.memory_space<hbm>> -> memref<128x128xf32, #tpu.memory_space<hbm>>
      tpu.wait_dma2 semaphore(%arg22 : memref<!tpu.dma_semaphore, #tpu.memory_space<semaphore_mem>>) src(%dma_wait3A_617 : memref<128x128xf32, #tpu.memory_space<hbm>>) dst(%arg18 : memref<128x128xf32, #tpu.memory_space<vmem>>)
      %dma_start3A_618 = arith.constant 0 : i32
      %dma_start3A_619 = tpu.memref_slice %arg12[%add3A_611, %dma_start3A_618] : memref<128x128xi32, #tpu.memory_space<vmem>> -> memref<1x128xi32, #tpu.memory_space<vmem>>
      %dma_start3A_620 = tpu.memref_squeeze %dma_start3A_619 : memref<1x128xi32, #tpu.memory_space<vmem>> -> memref<128xi32, #tpu.memory_space<vmem>>
      %dma_start3A_621 = arith.constant 0 : i32
      %dma_start3A_622 = arith.constant 0 : i32
      %dma_start3A_623 = tpu.memref_slice %arg19[%dma_start3A_621, %dma_start3A_622] : memref<8192x128xf32, #tpu.memory_space<vmem_shared>> -> memref<8192x128xf32, #tpu.memory_space<vmem_shared>>
      tpu.enqueue_indirect_dma source(%arg18 : memref<128x128xf32, #tpu.memory_space<vmem>>) target(%dma_start3A_623 : memref<8192x128xf32, #tpu.memory_space<vmem_shared>>) offsets(%dma_start3A_620 : memref<128xi32, #tpu.memory_space<vmem>>) semaphore(%arg24 : memref<!tpu.dma_semaphore, #tpu.memory_space<semaphore_mem>>) {add = true}
      %dma_wait3A_624 = arith.constant 0 : i32
      %dma_wait3A_625 = arith.constant 0 : i32
      %dma_wait3A_626 = tpu.memref_slice %arg6[%dma_wait3A_624, %dma_wait3A_625] : memref<100000x128xf32, #tpu.memory_space<hbm>> -> memref<128x128xf32, #tpu.memory_space<hbm>>
      %dma_wait3A_627 = arith.constant 0 : i32
      %dma_wait3A_628 = arith.constant 0 : i32
      %dma_wait3A_629 = tpu.memref_slice %arg6[%dma_wait3A_627, %dma_wait3A_628] : memref<100000x128xf32, #tpu.memory_space<hbm>> -> memref<128x128xf32, #tpu.memory_space<hbm>>
      tpu.wait_dma2 semaphore(%arg23 : memref<!tpu.dma_semaphore, #tpu.memory_space<semaphore_mem>>) src(%dma_wait3A_629 : memref<128x128xf32, #tpu.memory_space<hbm>>) dst(%arg17 : memref<128x128xf32, #tpu.memory_space<vmem>>)
      %add3A_630 = arith.constant 1 : i32
      %add3A_631 = arith.addi %add3A_609, %add3A_630 : i32
      %mul3A_632 = arith.constant 128 : i32
      %mul3A_633 = arith.muli %add3A_631, %mul3A_632 : i32
      %dma_start3A_634 = tpu.memref_slice %arg13[%mul3A_633] : memref<4096xi32, #tpu.memory_space<vmem>> -> memref<128xi32, #tpu.memory_space<vmem>>
      %dma_start3A_635 = arith.constant 0 : i32
      %dma_start3A_636 = arith.constant 0 : i32
      %dma_start3A_637 = tpu.memref_slice %arg20[%dma_start3A_635, %dma_start3A_636] : memref<1000x128xf32, #tpu.memory_space<vmem_shared>> -> memref<1000x128xf32, #tpu.memory_space<vmem_shared>>
      tpu.enqueue_indirect_dma source(%dma_start3A_637 : memref<1000x128xf32, #tpu.memory_space<vmem_shared>>) target(%arg17 : memref<128x128xf32, #tpu.memory_space<vmem>>) offsets(%dma_start3A_634 : memref<128xi32, #tpu.memory_space<vmem>>) semaphore(%arg21 : memref<!tpu.dma_semaphore, #tpu.memory_space<semaphore_mem>>)
    }
    %scan3A_516 = arith.constant 15 : i32
    %dma_wait3A_517 = arith.constant 0 : i32
    %dma_wait3A_518 = arith.constant 0 : i32
    %dma_wait3A_519 = tpu.memref_slice %arg6[%dma_wait3A_517, %dma_wait3A_518] : memref<100000x128xf32, #tpu.memory_space<hbm>> -> memref<128x128xf32, #tpu.memory_space<hbm>>
    %dma_wait3A_520 = arith.constant 0 : i32
    %dma_wait3A_521 = arith.constant 0 : i32
    %dma_wait3A_522 = tpu.memref_slice %arg6[%dma_wait3A_520, %dma_wait3A_521] : memref<100000x128xf32, #tpu.memory_space<hbm>> -> memref<128x128xf32, #tpu.memory_space<hbm>>
    tpu.wait_dma2 semaphore(%arg21 : memref<!tpu.dma_semaphore, #tpu.memory_space<semaphore_mem>>) src(%dma_wait3A_522 : memref<128x128xf32, #tpu.memory_space<hbm>>) dst(%arg17 : memref<128x128xf32, #tpu.memory_space<vmem>>)
    %dma_start3A_523 = arith.constant 126 : i32
    %dma_start3A_524 = arith.constant 0 : i32
    %dma_start3A_525 = tpu.memref_slice %arg12[%dma_start3A_523, %dma_start3A_524] : memref<128x128xi32, #tpu.memory_space<vmem>> -> memref<1x128xi32, #tpu.memory_space<vmem>>
    %dma_start3A_526 = tpu.memref_squeeze %dma_start3A_525 : memref<1x128xi32, #tpu.memory_space<vmem>> -> memref<128xi32, #tpu.memory_space<vmem>>
    %dma_start3A_527 = arith.constant 0 : i32
    %dma_start3A_528 = arith.constant 0 : i32
    %dma_start3A_529 = tpu.memref_slice %arg19[%dma_start3A_527, %dma_start3A_528] : memref<8192x128xf32, #tpu.memory_space<vmem_shared>> -> memref<8192x128xf32, #tpu.memory_space<vmem_shared>>
    tpu.enqueue_indirect_dma source(%arg17 : memref<128x128xf32, #tpu.memory_space<vmem>>) target(%dma_start3A_529 : memref<8192x128xf32, #tpu.memory_space<vmem_shared>>) offsets(%dma_start3A_526 : memref<128xi32, #tpu.memory_space<vmem>>) semaphore(%arg23 : memref<!tpu.dma_semaphore, #tpu.memory_space<semaphore_mem>>) {add = true}
    %dma_wait3A_530 = arith.constant 0 : i32
    %dma_wait3A_531 = arith.constant 0 : i32
    %dma_wait3A_532 = tpu.memref_slice %arg6[%dma_wait3A_530, %dma_wait3A_531] : memref<100000x128xf32, #tpu.memory_space<hbm>> -> memref<128x128xf32, #tpu.memory_space<hbm>>
    %dma_wait3A_533 = arith.constant 0 : i32
    %dma_wait3A_534 = arith.constant 0 : i32
    %dma_wait3A_535 = tpu.memref_slice %arg6[%dma_wait3A_533, %dma_wait3A_534] : memref<100000x128xf32, #tpu.memory_space<hbm>> -> memref<128x128xf32, #tpu.memory_space<hbm>>
    tpu.wait_dma2 semaphore(%arg24 : memref<!tpu.dma_semaphore, #tpu.memory_space<semaphore_mem>>) src(%dma_wait3A_535 : memref<128x128xf32, #tpu.memory_space<hbm>>) dst(%arg18 : memref<128x128xf32, #tpu.memory_space<vmem>>)
    %dma_start3A_536 = arith.constant 3968 : i32
    %dma_start3A_537 = tpu.memref_slice %arg13[%dma_start3A_536] : memref<4096xi32, #tpu.memory_space<vmem>> -> memref<128xi32, #tpu.memory_space<vmem>>
    %dma_start3A_538 = arith.constant 0 : i32
    %dma_start3A_539 = arith.constant 0 : i32
    %dma_start3A_540 = tpu.memref_slice %arg20[%dma_start3A_538, %dma_start3A_539] : memref<1000x128xf32, #tpu.memory_space<vmem_shared>> -> memref<1000x128xf32, #tpu.memory_space<vmem_shared>>
    tpu.enqueue_indirect_dma source(%dma_start3A_540 : memref<1000x128xf32, #tpu.memory_space<vmem_shared>>) target(%arg18 : memref<128x128xf32, #tpu.memory_space<vmem>>) offsets(%dma_start3A_537 : memref<128xi32, #tpu.memory_space<vmem>>) semaphore(%arg22 : memref<!tpu.dma_semaphore, #tpu.memory_space<semaphore_mem>>)
    %dma_wait3A_541 = arith.constant 0 : i32
    %dma_wait3A_542 = arith.constant 0 : i32
    %dma_wait3A_543 = tpu.memref_slice %arg6[%dma_wait3A_541, %dma_wait3A_542] : memref<100000x128xf32, #tpu.memory_space<hbm>> -> memref<128x128xf32, #tpu.memory_space<hbm>>
    %dma_wait3A_544 = arith.constant 0 : i32
    %dma_wait3A_545 = arith.constant 0 : i32
    %dma_wait3A_546 = tpu.memref_slice %arg6[%dma_wait3A_544, %dma_wait3A_545] : memref<100000x128xf32, #tpu.memory_space<hbm>> -> memref<128x128xf32, #tpu.memory_space<hbm>>
    tpu.wait_dma2 semaphore(%arg22 : memref<!tpu.dma_semaphore, #tpu.memory_space<semaphore_mem>>) src(%dma_wait3A_546 : memref<128x128xf32, #tpu.memory_space<hbm>>) dst(%arg18 : memref<128x128xf32, #tpu.memory_space<vmem>>)
    %dma_start3A_547 = arith.constant 127 : i32
    %dma_start3A_548 = arith.constant 0 : i32
    %dma_start3A_549 = tpu.memref_slice %arg12[%dma_start3A_547, %dma_start3A_548] : memref<128x128xi32, #tpu.memory_space<vmem>> -> memref<1x128xi32, #tpu.memory_space<vmem>>
    %dma_start3A_550 = tpu.memref_squeeze %dma_start3A_549 : memref<1x128xi32, #tpu.memory_space<vmem>> -> memref<128xi32, #tpu.memory_space<vmem>>
    %dma_start3A_551 = arith.constant 0 : i32
    %dma_start3A_552 = arith.constant 0 : i32
    %dma_start3A_553 = tpu.memref_slice %arg19[%dma_start3A_551, %dma_start3A_552] : memref<8192x128xf32, #tpu.memory_space<vmem_shared>> -> memref<8192x128xf32, #tpu.memory_space<vmem_shared>>
    tpu.enqueue_indirect_dma source(%arg18 : memref<128x128xf32, #tpu.memory_space<vmem>>) target(%dma_start3A_553 : memref<8192x128xf32, #tpu.memory_space<vmem_shared>>) offsets(%dma_start3A_550 : memref<128xi32, #tpu.memory_space<vmem>>) semaphore(%arg24 : memref<!tpu.dma_semaphore, #tpu.memory_space<semaphore_mem>>) {add = true}
    %dma_wait3A_554 = arith.constant 0 : i32
    %dma_wait3A_555 = arith.constant 0 : i32
    %dma_wait3A_556 = tpu.memref_slice %arg6[%dma_wait3A_554, %dma_wait3A_555] : memref<100000x128xf32, #tpu.memory_space<hbm>> -> memref<128x128xf32, #tpu.memory_space<hbm>>
    %dma_wait3A_557 = arith.constant 0 : i32
    %dma_wait3A_558 = arith.constant 0 : i32
    %dma_wait3A_559 = tpu.memref_slice %arg6[%dma_wait3A_557, %dma_wait3A_558] : memref<100000x128xf32, #tpu.memory_space<hbm>> -> memref<128x128xf32, #tpu.memory_space<hbm>>
    tpu.wait_dma2 semaphore(%arg23 : memref<!tpu.dma_semaphore, #tpu.memory_space<semaphore_mem>>) src(%dma_wait3A_559 : memref<128x128xf32, #tpu.memory_space<hbm>>) dst(%arg17 : memref<128x128xf32, #tpu.memory_space<vmem>>)
    %dma_wait3A_560 = arith.constant 0 : i32
    %dma_wait3A_561 = arith.constant 0 : i32
    %dma_wait3A_562 = tpu.memref_slice %arg6[%dma_wait3A_560, %dma_wait3A_561] : memref<100000x128xf32, #tpu.memory_space<hbm>> -> memref<128x128xf32, #tpu.memory_space<hbm>>
    %dma_wait3A_563 = arith.constant 0 : i32
    %dma_wait3A_564 = arith.constant 0 : i32
    %dma_wait3A_565 = tpu.memref_slice %arg6[%dma_wait3A_563, %dma_wait3A_564] : memref<100000x128xf32, #tpu.memory_space<hbm>> -> memref<128x128xf32, #tpu.memory_space<hbm>>
    tpu.wait_dma2 semaphore(%arg24 : memref<!tpu.dma_semaphore, #tpu.memory_space<semaphore_mem>>) src(%dma_wait3A_565 : memref<128x128xf32, #tpu.memory_space<hbm>>) dst(%arg18 : memref<128x128xf32, #tpu.memory_space<vmem>>)
    %barrier3A_566 = arith.constant 0 : index
    tpu.barrier barrier_id(%barrier3A_566)
    %mul3A_567 = arith.constant 512 : i32
    %mul3A_568 = arith.muli %arg1, %mul3A_567 : i32
    "tpu.region"() ({
      %run_scoped3A = tpu.sem_alloc : memref<!tpu.dma_semaphore, #tpu.memory_space<semaphore_mem>>
      %dma_start3A_569 = arith.constant 0 : i32
      %dma_start3A_570 = tpu.memref_slice %arg9[%add3A_313, %dma_start3A_569] : memref<16384x128xf32, #tpu.memory_space<hbm>> -> memref<512x128xf32, #tpu.memory_space<hbm>>
      %dma_start3A_571 = arith.constant 0 : i32
      %dma_start3A_572 = tpu.memref_slice %arg19[%mul3A_568, %dma_start3A_571] : memref<8192x128xf32, #tpu.memory_space<vmem_shared>> -> memref<512x128xf32, #tpu.memory_space<vmem_shared>>
      tpu.enqueue_dma source(%dma_start3A_572 : memref<512x128xf32, #tpu.memory_space<vmem_shared>>) target(%dma_start3A_570 : memref<512x128xf32, #tpu.memory_space<hbm>>) target_semaphore(%run_scoped3A : memref<!tpu.dma_semaphore, #tpu.memory_space<semaphore_mem>>)
      %dma_wait3A_573 = arith.constant 0 : i32
      %dma_wait3A_574 = tpu.memref_slice %arg9[%add3A_313, %dma_wait3A_573] : memref<16384x128xf32, #tpu.memory_space<hbm>> -> memref<512x128xf32, #tpu.memory_space<hbm>>
      %dma_wait3A_575 = arith.constant 0 : i32
      %dma_wait3A_576 = tpu.memref_slice %arg19[%mul3A_568, %dma_wait3A_575] : memref<8192x128xf32, #tpu.memory_space<vmem_shared>> -> memref<512x128xf32, #tpu.memory_space<vmem_shared>>
      tpu.wait_dma2 semaphore(%run_scoped3A : memref<!tpu.dma_semaphore, #tpu.memory_space<semaphore_mem>>) src(%dma_wait3A_576 : memref<512x128xf32, #tpu.memory_space<vmem_shared>>) dst(%dma_wait3A_574 : memref<512x128xf32, #tpu.memory_space<hbm>>)
      tpu.yield
    }) : () -> ()
    return
  }
}

module attributes {stable_mosaic.version = 14 : i64} {
  func.func @_tc_node_body(%arg0: memref<8192x128xf32, #tpu.memory_space<vmem>>, %arg1: memref<8192x128xf32, #tpu.memory_space<vmem>>, %arg2: memref<8192x128xf32, #tpu.memory_space<vmem>>, %arg3: memref<8192x128xf32, #tpu.memory_space<vmem>>, %arg4: memref<8192x128xf32, #tpu.memory_space<vmem>>, %arg5: memref<8192x1xi32, #tpu.memory_space<vmem>>, %arg6: memref<8192x1xi32, #tpu.memory_space<vmem>>, %arg7: memref<128x128xf32, #tpu.memory_space<vmem>>, %arg8: memref<128x128xf32, #tpu.memory_space<vmem>>, %arg9: memref<128x128xf32, #tpu.memory_space<vmem>>, %arg10: memref<1x128xf32, #tpu.memory_space<vmem>>, %arg11: memref<8192x128xf32, #tpu.memory_space<vmem>>) attributes {dimension_semantics = [], scalar_prefetch = 0 : i64, scratch_operands = 0 : i64, tpu.core_type = #tpu.core_type<tc>} {
    %get3A = arith.constant 0 : index
    %get3A_0 = arith.constant 0 : index
    %get3A_1 = vector.load %arg6[%get3A, %get3A_0] : memref<8192x1xi32, #tpu.memory_space<vmem>>, vector<8192x1xi32>
    %get3A_2 = arith.constant 0 : index
    %get3A_3 = arith.constant 0 : index
    %get3A_4 = vector.load %arg5[%get3A_2, %get3A_3] : memref<8192x1xi32, #tpu.memory_space<vmem>>, vector<8192x1xi32>
    %sub3A = arith.subi %get3A_1, %get3A_4 : vector<8192x1xi32>
    %convert_element_type3A = arith.sitofp %sub3A : vector<8192x1xi32> to vector<8192x1xf32>
    %max3A = arith.constant 1.000000e+00 : f32
    %max3A_5 = vector.broadcast %max3A : f32 to vector<8192x1xf32>
    %max3A_6 = arith.maximumf %convert_element_type3A, %max3A_5 : vector<8192x1xf32>
    %div3A = arith.constant 1.000000e+00 : f32
    %div3A_7 = vector.broadcast %div3A : f32 to vector<8192x1xf32>
    %div3A_8 = arith.divf %div3A_7, %max3A_6 : vector<8192x1xf32>
    %get3A_9 = arith.constant 0 : index
    %get3A_10 = arith.constant 0 : index
    %get3A_11 = vector.load %arg1[%get3A_9, %get3A_10] : memref<8192x128xf32, #tpu.memory_space<vmem>>, vector<8192x128xf32>
    %get3A_12 = arith.constant 0 : index
    %get3A_13 = arith.constant 0 : index
    %get3A_14 = vector.load %arg2[%get3A_12, %get3A_13] : memref<8192x128xf32, #tpu.memory_space<vmem>>, vector<8192x128xf32>
    %add3A = arith.addf %get3A_11, %get3A_14 : vector<8192x128xf32>
    %mul3A = vector.broadcast %div3A_8 : vector<8192x1xf32> to vector<8192x128xf32>
    %mul3A_15 = arith.mulf %add3A, %mul3A : vector<8192x128xf32>
    %get3A_16 = arith.constant 0 : index
    %get3A_17 = arith.constant 0 : index
    %get3A_18 = vector.load %arg3[%get3A_16, %get3A_17] : memref<8192x128xf32, #tpu.memory_space<vmem>>, vector<8192x128xf32>
    %get3A_19 = arith.constant 0 : index
    %get3A_20 = arith.constant 0 : index
    %get3A_21 = vector.load %arg4[%get3A_19, %get3A_20] : memref<8192x128xf32, #tpu.memory_space<vmem>>, vector<8192x128xf32>
    %add3A_22 = arith.addf %get3A_18, %get3A_21 : vector<8192x128xf32>
    %mul3A_23 = vector.broadcast %div3A_8 : vector<8192x1xf32> to vector<8192x128xf32>
    %mul3A_24 = arith.mulf %add3A_22, %mul3A_23 : vector<8192x128xf32>
    %get3A_25 = arith.constant 0 : index
    %get3A_26 = arith.constant 0 : index
    %get3A_27 = vector.load %arg0[%get3A_25, %get3A_26] : memref<8192x128xf32, #tpu.memory_space<vmem>>, vector<8192x128xf32>
    %get3A_28 = arith.constant 0 : index
    %get3A_29 = arith.constant 0 : index
    %get3A_30 = vector.load %arg7[%get3A_28, %get3A_29] : memref<128x128xf32, #tpu.memory_space<vmem>>, vector<128x128xf32>
    %dot_general3A = arith.constant dense<0.000000e+00> : vector<8192x128xf32>
    %dot_general3A_31 = tpu.matmul %get3A_27, %get3A_30, %dot_general3A {dimension_numbers = #tpu.dot_dimension_numbers<[1], [0], [0], [1], [0, 0, 1, 1], [], []>, transpose_lhs_hint = false} : vector<8192x128xf32>, vector<128x128xf32>, vector<8192x128xf32> -> vector<8192x128xf32>
    %get3A_32 = arith.constant 0 : index
    %get3A_33 = arith.constant 0 : index
    %get3A_34 = vector.load %arg8[%get3A_32, %get3A_33] : memref<128x128xf32, #tpu.memory_space<vmem>>, vector<128x128xf32>
    %dot_general3A_35 = arith.constant dense<0.000000e+00> : vector<8192x128xf32>
    %dot_general3A_36 = tpu.matmul %mul3A_15, %get3A_34, %dot_general3A_35 {dimension_numbers = #tpu.dot_dimension_numbers<[1], [0], [0], [1], [0, 0, 1, 1], [], []>, transpose_lhs_hint = false} : vector<8192x128xf32>, vector<128x128xf32>, vector<8192x128xf32> -> vector<8192x128xf32>
    %add3A_37 = arith.addf %dot_general3A_31, %dot_general3A_36 : vector<8192x128xf32>
    %get3A_38 = arith.constant 0 : index
    %get3A_39 = arith.constant 0 : index
    %get3A_40 = vector.load %arg9[%get3A_38, %get3A_39] : memref<128x128xf32, #tpu.memory_space<vmem>>, vector<128x128xf32>
    %dot_general3A_41 = arith.constant dense<0.000000e+00> : vector<8192x128xf32>
    %dot_general3A_42 = tpu.matmul %mul3A_24, %get3A_40, %dot_general3A_41 {dimension_numbers = #tpu.dot_dimension_numbers<[1], [0], [0], [1], [0, 0, 1, 1], [], []>, transpose_lhs_hint = false} : vector<8192x128xf32>, vector<128x128xf32>, vector<8192x128xf32> -> vector<8192x128xf32>
    %add3A_43 = arith.addf %add3A_37, %dot_general3A_42 : vector<8192x128xf32>
    %get3A_44 = arith.constant 0 : index
    %get3A_45 = arith.constant 0 : index
    %get3A_46 = vector.load %arg10[%get3A_44, %get3A_45] : memref<1x128xf32, #tpu.memory_space<vmem>>, vector<1x128xf32>
    %add3A_47 = vector.broadcast %get3A_46 : vector<1x128xf32> to vector<8192x128xf32>
    %add3A_48 = arith.addf %add3A_43, %add3A_47 : vector<8192x128xf32>
    %max3A_49 = arith.constant 0.000000e+00 : f32
    %max3A_50 = vector.broadcast %max3A_49 : f32 to vector<8192x128xf32>
    %max3A_51 = arith.maximumf %add3A_48, %max3A_50 : vector<8192x128xf32>
    %swap3A = arith.constant 0 : index
    %swap3A_52 = arith.constant 0 : index
    %swap3A_53 = vector.load %arg11[%swap3A, %swap3A_52] : memref<8192x128xf32, #tpu.memory_space<vmem>>, vector<8192x128xf32>
    tpu.vector_store %arg11[%swap3A, %swap3A_52], %max3A_51 {strides = array<i32>} : memref<8192x128xf32, #tpu.memory_space<vmem>>, vector<8192x128xf32>,
    return
  }
}

module attributes {stable_mosaic.version = 14 : i64} {
  func.func @_tc_pair_body(%arg0: memref<4096x256xf32, #tpu.memory_space<vmem>>, %arg1: memref<256x128xf32, #tpu.memory_space<vmem>>, %arg2: memref<128x999xf32, #tpu.memory_space<vmem>>, %arg3: memref<1x128xf32, #tpu.memory_space<vmem>>, %arg4: memref<1x999xf32, #tpu.memory_space<vmem>>, %arg5: memref<4096x999xf32, #tpu.memory_space<vmem>>) attributes {dimension_semantics = [], scalar_prefetch = 0 : i64, scratch_operands = 0 : i64, tpu.core_type = #tpu.core_type<tc>} {
    %get3A = arith.constant 0 : index
    %get3A_0 = arith.constant 0 : index
    %get3A_1 = vector.load %arg0[%get3A, %get3A_0] : memref<4096x256xf32, #tpu.memory_space<vmem>>, vector<4096x256xf32>
    %get3A_2 = arith.constant 0 : index
    %get3A_3 = arith.constant 0 : index
    %get3A_4 = vector.load %arg1[%get3A_2, %get3A_3] : memref<256x128xf32, #tpu.memory_space<vmem>>, vector<256x128xf32>
    %dot_general3A = arith.constant dense<0.000000e+00> : vector<4096x128xf32>
    %dot_general3A_5 = tpu.matmul %get3A_1, %get3A_4, %dot_general3A {dimension_numbers = #tpu.dot_dimension_numbers<[1], [0], [0], [1], [0, 0, 1, 1], [], []>, transpose_lhs_hint = false} : vector<4096x256xf32>, vector<256x128xf32>, vector<4096x128xf32> -> vector<4096x128xf32>
    %get3A_6 = arith.constant 0 : index
    %get3A_7 = arith.constant 0 : index
    %get3A_8 = vector.load %arg3[%get3A_6, %get3A_7] : memref<1x128xf32, #tpu.memory_space<vmem>>, vector<1x128xf32>
    %add3A = vector.broadcast %get3A_8 : vector<1x128xf32> to vector<4096x128xf32>
    %add3A_9 = arith.addf %dot_general3A_5, %add3A : vector<4096x128xf32>
    %max3A = arith.constant 0.000000e+00 : f32
    %max3A_10 = vector.broadcast %max3A : f32 to vector<4096x128xf32>
    %max3A_11 = arith.maximumf %add3A_9, %max3A_10 : vector<4096x128xf32>
    %get3A_12 = arith.constant 0 : index
    %get3A_13 = arith.constant 0 : index
    %get3A_14 = vector.load %arg2[%get3A_12, %get3A_13] : memref<128x999xf32, #tpu.memory_space<vmem>>, vector<128x999xf32>
    %dot_general3A_15 = arith.constant dense<0.000000e+00> : vector<4096x999xf32>
    %dot_general3A_16 = tpu.matmul %max3A_11, %get3A_14, %dot_general3A_15 {dimension_numbers = #tpu.dot_dimension_numbers<[1], [0], [0], [1], [0, 0, 1, 1], [], []>, transpose_lhs_hint = false} : vector<4096x128xf32>, vector<128x999xf32>, vector<4096x999xf32> -> vector<4096x999xf32>
    %get3A_17 = arith.constant 0 : index
    %get3A_18 = arith.constant 0 : index
    %get3A_19 = vector.load %arg4[%get3A_17, %get3A_18] : memref<1x999xf32, #tpu.memory_space<vmem>>, vector<1x999xf32>
    %add3A_20 = vector.broadcast %get3A_19 : vector<1x999xf32> to vector<4096x999xf32>
    %add3A_21 = arith.addf %dot_general3A_16, %add3A_20 : vector<4096x999xf32>
    %swap3A = arith.constant 0 : index
    %swap3A_22 = arith.constant 0 : index
    %swap3A_23 = vector.load %arg5[%swap3A, %swap3A_22] : memref<4096x999xf32, #tpu.memory_space<vmem>>, vector<4096x999xf32>
    tpu.vector_store %arg5[%swap3A, %swap3A_22], %add3A_21 {strides = array<i32>} : memref<4096x999xf32, #tpu.memory_space<vmem>>, vector<4096x999xf32>,
    return
  }
}

</mosaic_0001>

<sc_bundles>
// kernel: kernel.5.cloned.1.call-start
scs
__scs_entry_jumppad:
0x0: {  	(pc) =	sbr.rel $0x88, $3  }
0x1: {  	(tag) =	ssettag $0x0;
	lr =	simm.s32 $0x1  }
0x2: {  	[smem:$0x3F93] =	sst lr;
	_ =	strace $0xD0000000  }
0x3: {  	_ = 	snop  }
0x4: {  	_ = 	snop  }
0x5: {  	_ = 	snop  }
0x6: {  	_ = 	snop  }
0x7: {  	_ = 	snop  }
__scs_overlays_trampoline_lowered:
0x8: {  	[smem:$0x3FA2] =	sst s0  }
0x9: {  	[smem:$0x3FA3] =	sst s1  }
0xa: {  	[smem:$0x3FA4] =	sst s2  }
0xb: {  	[smem:$0x3FA5] =	sst s3  }
0xc: {  	[smem:$0x3FA6] =	sst s4  }
0xd: {  	[smem:$0x3FA7] =	sst s5  }
0xe: {  	[smem:$0x3FA8] =	sst s6  }
0xf: {  	[smem:$0x3FA9] =	sst s7  }
0x10: {  	[smem:$0x3FAA] =	sst s8  }
0x11: {  	[smem:$0x3FAB] =	sst s9;
	s0 =	simm.s32 @!p0 $0x0  }
0x12: {  	s1 =	sld [smem:$0x3F91];
	s0 =	simm.s32 @p0 $0x1  }
0x13: {  	[smem:$0x3FAC] =	sst s0;
	s0 =	simm.s32 @!p1 $0x0  }
0x14: {  	s2 =	sld [smem:$0x3F90];
	s0 =	simm.s32 @p1 $0x1  }
0x15: {  	[smem:$0x3FAD] =	sst s0;
	s0 =	simm.s32 @!p2 $0x0  }
0x16: {  	s3 =	sld [smem:$0x3FDB];
	s0 =	simm.s32 @p2 $0x1  }
0x17: {  	s4 =	simm.s32 $0x1BF5;
	[smem:$0x3FAF] =	sst s0  }
0x18: {  	s0 =	sld [smem:$0x3F92];
	_ =	swait.ge [sflag:s4], $0x0  }
0x19: {  	s7 =	sld [smem:$0x3F93]  }
0x1a: {  	s8 =	sadd.s32 $0xFFFFE003, lr  }
0x1b: {  	s9 =	sadd.s32 $0xFFFFFEF7, lr;
	s5 =	simm.s32 $0xFFFFFFFF;
	p2 =	slt.u32 s8, $0xFFFFF086  }
0x1c: {  	p1 =	slt.u32 s9, $0xF7A;
	s5 =	simm.s32 @!p2 $0x0  }
0x1d: {  	s5 =	simm.s32 @p1 $0x1;
	p0 =	seq.s32 s7, s2  }
0x1e: {  	s7 =	smul.u32 @!p0 $0xF7A, s2;
	p2 =	seq.s32 @!p0 s5, $0x0  }
0x1f: {  	s9 =	smul.u32 $0xF7A, s1;
	s8 =	simm.s32 @!p0 $0x1BF5;
	p2 =	por !p2, p0  }
0x20: {  	[sflag:s8] =	ssyncset.s32 @!p0 $0xFFFFF086;
	s6 =	sadd.s32 @!p0 s3, s7;
	s7 =	simm.s32 @!p0 $0x108  }
0x21: {  	s3 =	sadd.s32 s3, s9;
	s6 =	sadd.s32 @!p0 $0x88, s6;
	s7 =	simm.s32 @p2 $0x1082  }
0x22: {  	[simem:s7], [sflag:s8] =	dma.local @!p0 [hbm:s6], $0xF7A  }
0x23: {  	s9 =	sor.u32 $0xD0000000, s2;
	s6 =	simm.s32 $0x108;
	_ =	swait.ge @!p0 [sflag:s8], $0x0  }
0x24: {  	s3 =	sadd.s32 $0x88, s3;
	s6 =	simm.s32 @!p1 $0x1082;
	[sflag:s4] =	ssyncset.s32 $0xFFFFF086  }
0x25: {  	[simem:s6], [sflag:s4] =	dma.local [hbm:s3], $0xF7A  }
0x26: {  	[smem:$0x3F93] =	sst s1;
	(tag) =	ssettag s2;
	_ =	strace s9  }
0x27: {  	s1 =	sld [smem:$0x3FA3]  }
0x28: {  	s2 =	sld [smem:$0x3FA4]  }
0x29: {  	s4 =	sld [smem:$0x3FA6]  }
0x2a: {  	p0 =	seq.s32 s5, $0x0;
	s5 =	sld [smem:$0x3FA7]  }
0x2b: {  	s6 =	sld [smem:$0x3FA8]  }
0x2c: {  	s7 =	sld [smem:$0x3FA9]  }
0x2d: {  	s3 =	simm.s32 $0x108;
	s8 =	sld [smem:$0x3FAA]  }
0x2e: {  	s3 =	simm.s32 @!p0 $0x1082;
	s9 =	sld [smem:$0x3FAB]  }
0x2f: {  	lr =	sadd.s32 s0, s3;
	s0 =	sld [smem:$0x3FA2]  }
0x30: {  	s3 =	sld [smem:$0x3FA5]  }
0x31: {  	[smem:$0x3FAE] =	sst s10  }
0x32: {  	s10 =	sld [smem:$0x3FAC];
	_ =	sdelay $0x3  }
0x33: {  	p0 =	seq.s32 s10, $0x1;
	s10 =	sld [smem:$0x3FAE];
	_ =	sdelay $0x3  }
0x34: {  	[smem:$0x3FAE] =	sst s10  }
0x35: {  	s10 =	sld [smem:$0x3FAD];
	_ =	sdelay $0x3  }
0x36: {  	p1 =	seq.s32 s10, $0x1;
	s10 =	sld [smem:$0x3FAE];
	_ =	sdelay $0x3  }
0x37: {  	[smem:$0x3FAE] =	sst s10  }
0x38: {  	s10 =	sld [smem:$0x3FAF]  }
0x39: {  	_ = 	snop;
	(pc) =	sbr.ind lr, $3  }
0x3a: {  	_ = 	snop  }
0x3b: {  	_ = 	snop  }
0x3c: {  	p2 =	seq.s32 s10, $0x1;
	s10 =	sld [smem:$0x3FAE]  }
0x3d: {  	_ =	shalt  }
0x3e: {  	_ =	shalt  }
0x3f: {  	_ =	shalt  }
0x40: {  	_ =	shalt  }
0x41: {  	_ =	shalt  }
0x42: {  	_ =	shalt  }
0x43: {  	_ =	shalt  }
0x44: {  	_ =	shalt  }
0x45: {  	_ =	shalt  }
0x46: {  	_ =	shalt  }
0x47: {  	_ =	shalt  }
0x48: {  	_ =	shalt  }
0x49: {  	_ =	shalt  }
0x4a: {  	_ =	shalt  }
0x4b: {  	_ =	shalt  }
0x4c: {  	_ =	shalt  }
0x4d: {  	_ =	shalt  }
0x4e: {  	_ =	shalt  }
0x4f: {  	_ =	shalt  }
0x50: {  	_ =	shalt  }
0x51: {  	_ =	shalt  }
0x52: {  	_ =	shalt  }
0x53: {  	_ =	shalt  }
0x54: {  	_ =	shalt  }
0x55: {  	_ =	shalt  }
0x56: {  	_ =	shalt  }
0x57: {  	_ =	shalt  }
0x58: {  	_ =	shalt  }
0x59: {  	_ =	shalt  }
0x5a: {  	_ =	shalt  }
0x5b: {  	_ =	shalt  }
0x5c: {  	_ =	shalt  }
0x5d: {  	_ =	shalt  }
0x5e: {  	_ =	shalt  }
0x5f: {  	_ =	shalt  }
0x60: {  	_ =	shalt  }
0x61: {  	_ =	shalt  }
0x62: {  	_ =	shalt  }
0x63: {  	_ =	shalt  }
0x64: {  	_ =	shalt  }
0x65: {  	_ =	shalt  }
0x66: {  	_ =	shalt  }
0x67: {  	_ =	shalt  }
0x68: {  	_ =	shalt  }
0x69: {  	_ =	shalt  }
0x6a: {  	_ =	shalt  }
0x6b: {  	_ =	shalt  }
0x6c: {  	_ =	shalt  }
0x6d: {  	_ =	shalt  }
0x6e: {  	_ =	shalt  }
0x6f: {  	_ =	shalt  }
0x70: {  	_ =	shalt  }
0x71: {  	_ =	shalt  }
0x72: {  	_ =	shalt  }
0x73: {  	_ =	shalt  }
0x74: {  	_ =	shalt  }
0x75: {  	_ =	shalt  }
0x76: {  	_ =	shalt  }
0x77: {  	_ =	shalt  }
0x78: {  	_ =	shalt  }
0x79: {  	_ =	shalt  }
0x7a: {  	_ =	shalt  }
0x7b: {  	_ =	shalt  }
0x7c: {  	_ =	shalt  }
0x7d: {  	_ =	shalt  }
0x7e: {  	_ =	shalt  }
0x7f: {  	_ =	shalt  }
0x80: {  	_ =	shalt  }
0x81: {  	_ =	shalt  }
0x82: {  	_ =	shalt  }
0x83: {  	_ =	shalt  }
0x84: {  	_ =	shalt  }
0x85: {  	_ =	shalt  }
0x86: {  	_ =	shalt  }
0x87: {  	_ =	shalt  }
.Lfunc_end0:
.L_simem_size_0:
called_computation_lowered:
.L_overlay_start_0:
0x88: {  	s2 =	sld [smem:$0x3FD9]  }
0x89: {  	s3 =	sld [smem:$0x3FFE];
	_ =	sdelay $0x1  }
0x8a: {  	s1 =	srdreg.scid  }
0x8b: {  	s0 =	sand.u32 $0x1, s1  }
0x8c: {  	s17 =	sshll.u32 s0, $0xA;
	s2 =	sadd.s32 s3, s2  }
0x8d: {  	s2 =	sadd.s32 s2, s17  }
0x8e: {  	[smem:$0x3FBA] =	sst s2  }
0x8f: {  	_ = 	snop  }
0x90: {  	s2 =	sld [smem:$0x3FC9]  }
0x91: {  	s18 =	sld [smem:$0x3FC8]  }
0x92: {  	s4 =	sld [smem:$0x3FC7]  }
0x93: {  	s5 =	sld [smem:$0x3FC6]  }
0x94: {  	s6 =	sld [smem:$0x3FC5]  }
0x95: {  	s7 =	sld [smem:$0x3FC4]  }
0x96: {  	s8 =	sld [smem:$0x3FD0];
	(tm) =	ssettm $0x1  }
0x97: {  	s9 =	sld [smem:$0x3FFB];
	_ =	sdelay $0x3  }
0x98: {  	_ =	strace s9  }
0x99: {  	s9 =	sld [smem:$0x3FFC];
	_ =	sdelay $0x3  }
0x9a: {  	_ =	strace s9  }
0x9b: {  	s9 =	sld [smem:$0x3FFD];
	_ =	sdelay $0x3  }
0x9c: {  	_ =	strace s9  }
0x9d: {  	_ =	strace $0x8FFFFFFF  }
0x9e: {  	s19 =	sld [smem:$0x3FDB];
	_ =	sdelay $0x1  }
0x9f: {  	s10 =	simm.s32 $_scs_section_size  }
0xa0: {  	s11 =	simm.s32 $_size__tile_overlayer_lowered;
	s12 =	simm.s32 $_tile_overlayer_lowered  }
0xa1: {  	s22 =	simm.s32 $0x1BFF;
	s21 =	sshll.u32 s12, $0x1;
	s9 =	sadd.s32 s10, s19  }
0xa2: {  	s13 =	simm.s32 $0x0;
	s20 =	sshll.u32 s11, $0x1;
	s11 =	sadd.s32 s21, s9  }
0xa3: {  	[timem:s13], [sflag:s22] =	dma.local [hbm:s11], s20  }
0xa4: {  	_ =	swait.ge [sflag:s22], s20  }
0xa5: {  	s10 =	ssub.s32 $0x0, s20;
	[sflag:s22] =	ssyncset.done $0x0  }
0xa6: {  	[sflag:s22] =	ssyncadd.s32 s10;
	_ =	sdelay $0x1  }
0xa7: {  	s23 =	simm.s32 $0x1B8B  }
0xa8: {  	_ =	swait.ge [sflag:s23], $0x1  }
0xa9: {  	[sflag:s23] =	ssyncset.done $0x0  }
0xaa: {  	s25 =	simm.s32 $0x1B8E;
	s24 =	sld [smem:$0x3FFE];
	[sflag:s23] =	ssyncadd.s32 $0xFFFFFFFF  }
0xab: {  	s26 =	simm.s32 $execute0_lowered;
	[smem:$0x3FD2] =	sst s25  }
0xac: {  	s11 =	sshll.u32 s26, $0x1;
	_ =	strace $0x80000046;
	[dreg:$0x1] =	wrdreg $0xFFFFFFFF  }
0xad: {  	s28 =	simm.s32 $_size_execute0_lowered;
	s9 =	sadd.s32 s9, s11;
	[dreg:$0x0] =	wrdreg $0x0  }
0xae: {  	s11 =	sshll.u32 s28, $0x1;
	[dreg:$0x2] =	wrdreg s9  }
0xaf: {  	[dreg:$0x3] =	wrdreg s11  }
0xb0: {  	[dreg:$0x4] =	wrdreg $0xC0  }
0xb1: {  	_ =	task [dreg:s13], $0x5FFFF  }
0xb2: {  	[dreg:$0x1] =	wrdreg $0xFFFFFFFF  }
0xb3: {  	[dreg:$0x0] =	wrdreg $0x60  }
0xb4: {  	[dreg:$0x2] =	wrdreg s18  }
0xb5: {  	[dreg:$0x3] =	wrdreg s4  }
0xb6: {  	[dreg:$0x4] =	wrdreg s5  }
0xb7: {  	[dreg:$0x5] =	wrdreg s2  }
0xb8: {  	[dreg:$0x6] =	wrdreg s6  }
0xb9: {  	[dreg:$0x7] =	wrdreg s7  }
0xba: {  	[dreg:$0x8] =	wrdreg s8  }
0xbb: {  	[dreg:$0x9] =	wrdreg s24  }
0xbc: {  	[dreg:$0xa] =	wrdreg $0xD3800  }
0xbd: {  	[dreg:$0xb] =	wrdreg $0x1D3800  }
0xbe: {  	[dreg:$0xc] =	wrdreg $0x9  }
0xbf: {  	_ =	task.clear_ibuf [dreg:s13], $0xDFFFF;
	_ =	strace $0x90000046  }
0xc0: {  	s29 =	simm.s32 $0x9;
	_ =	strace $0x80000048  }
0xc1: {  	_ =	swait.ge [sflag:s29], $0x1  }
0xc2: {  	[sflag:s29] =	ssyncadd.s32 $0xFFFFFFFF  }
0xc3: {  	_ =	strace $0x90000048  }
0xc4: {  	_ =	sfence  }
0xc5: {  	s30 =	sld [smem:$0x0];
	_ =	sdelay $0x2  }
0xc6: {  	s31 =	sshll.u32 s1, $0xD;
	s1 =	sshrl.u32 s1, $0x2  }
0xc7: {  	s3 =	sand.u32 $0x4000, s31;
	s1 =	sadd.s32 s1, s30  }
0xc8: {  	s0 =	sor.u32 s3, s0;
	s1 =	sshll.u32 s1, $0x11  }
0xc9: {  	s0 =	sor.u32 s1, s0  }
0xca: {  	s0 =	sadd.s32 $0x8F2B, s0  }
0xcb: {  	[sflag:s0] =	ssyncadd.remote.s32 $0x1  }
0xcc: {  	_ =	sfence.sel $0xFFFF  }
0xcd: {  	[dreg:$0x0] =	wrdreg $0xFFFFFFFF;
	(pc) =	sbr.abs _section_cstart, $3  }
0xce: {  	[dreg:$0x1] =	wrdreg $0xFFFFFFFF  }
0xcf: {  	_ =	task.clear_ibuf [dreg:s13], $0x2FFFF;
	_ =	strace $0x9FFFFFFF  }
0xd0: {  	(tm) =	ssettm $0x7FFFFFFF  }
0xd1: {  	_ =	shalt  }
tec
execute0_lowered:
.L_overlay_start_1:
0x0: {  	(tag) =	ssettag $0x1  }
0x1: {  	s1 =	rddreg [dreg:$0x0]  }
0x2: {  	s7 =	rddreg [dreg:$0x1]  }
0x3: {  	s0 =	rddreg [dreg:$0x2]  }
0x4: {  	s8 =	rddreg [dreg:$0x3]  }
0x5: {  	s2 =	rddreg [dreg:$0x4]  }
0x6: {  	s9 =	rddreg [dreg:$0x5]  }
0x7: {  	s10 =	rddreg [dreg:$0x6]  }
0x8: {  	s4 =	rddreg [dreg:$0x7]  }
0x9: {  	s3 =	rddreg [dreg:$0x8]  }
0xa: {  	s5 =	rddreg [dreg:$0x9];
	s11 =	srdreg.scid;
	s6 =	simm.s32 $0x0  }
0xb: {  	s17 =	stileid.u32;
	s31 =	simm.s32 $0x5300;
	s11 =	sand.u32 $0x1, s11  }
0xc: {  	[smem:$0x7FF] =	sst s6;
	s12 =	sshll.u32 s17, $0xD;
	s16 =	sadd.s32 $0x42000, s4  }
0xd: {  	s13 =	sshll.u32 s11, $0x11;
	_ =	strace $0x80000047;
	s24 =	ssub.s32 $0x2, s11  }
0xe: {  	s11 =	sshll.u32 s11, $0x4;
	s12 =	sor.u32 s12, s13;
	s15 =	sshrl.u32 s24, $0x1  }
0xf: {  	s11 =	sor.u32 s17, s11;
	s14 =	sadd.s32 s12, s4;
	s13 =	ssub.s32 s24, s15  }
0x10: {  	s4 =	sshll.u32 s11, $0xE;
	s15 =	sshll.u32 s17, $0xB;
	s25 =	sshll.u32 s11, $0x8  }
0x11: {  	s18 =	sshll.u32 s11, $0x5;
	s19 =	sshll.u32 s11, $0xC;
	s11 =	sshll.u32 s11, $0xB  }
0x12: {  	s10 =	sadd.s32 s10, s12;
	s17 =	sor.u32 $0x80, s25;
	s18 =	sadd.s32 s8, s18  }
0x13: {  	s26 =	sadd.s32 s16, s19;
	s21 =	sadd.s32 s1, s11;
	[dreg:$0x11] =	wrdreg s10  }
0x14: {  	s22 =	sor.u32 $0x200, s11;
	s24 =	sor.u32 $0x400, s11;
	[dreg:$0xb] =	wrdreg s18  }
0x15: {  	s25 =	sor.u32 $0x600, s11;
	s12 =	sadd.s32 s7, s11;
	[dreg:$0xc] =	wrdreg s26  }
0x16: {  	s10 =	simm.s32 $0x2;
	s11 =	simm.s32 $0x200;
	[dreg:$0xf] =	wrdreg s21  }
0x17: {  	s19 =	sshrl.u32 s17, $0x3;
	s23 =	sadd.s32 s1, s22;
	[dreg:$0x14] =	wrdreg s12  }
0x18: {  	s20 =	sshll.u32 s17, $0x4;
	s26 =	sadd.s32 s1, s24;
	[dreg:$0x10] =	wrdreg s23  }
0x19: {  	s17 =	stileid.u32;
	s1 =	sadd.s32 s1, s25;
	[dreg:$0x12] =	wrdreg s26  }
0x1a: {  	s18 =	sadd.s32 s7, s22;
	s21 =	sadd.s32 s9, s15;
	[dreg:$0x13] =	wrdreg s1  }
0x1b: {  	s22 =	sadd.s32 $0x3800, s9;
	s9 =	simm.s32 $0x5380;
	[dreg:$0x15] =	wrdreg s18  }
0x1c: {  	s8 =	sadd.s32 s8, s19;
	s18 =	sadd.s32 s7, s24;
	[dreg:$0x16] =	wrdreg s21  }
0x1d: {  	s19 =	sadd.s32 s7, s25;
	[dreg:$0x17] =	wrdreg s22;
	p0 =	sgt.u32 s17, $0x6  }
0x1e: {  	s24 =	sadd.s32 $0x2000, s14;
	s1 =	sadd.s32 $0x1C000, s5;
	s25 =	smax.u32 s13, $0x1  }
0x1f: {  	s26 =	sadd.s32 $0x4000, s4;
	s13 =	simm.s32 $0x4200;
	[dreg:$0xd] =	wrdreg s8  }
0x20: {  	s21 =	simm.s32 $0x3;
	s8 =	sadd.s32 s16, s20;
	[dreg:$0x18] =	wrdreg s24  }
0x21: {  	s20 =	sshll.u32 s17, $0x10;
	p1 =	sne.s32 @p0 s17, $0x7;
	[dreg:$0x19] =	wrdreg s25  }
0x22: {  	s16 =	simm.s32 $0x5280;
	s24 =	simm.s32 $0x4;
	s25 =	simm.s32 $0x5180  }
0x23: {  	v1 =	vmov s26;
	s26 =	simm.s32 $0x0;
	[dreg:$0xe] =	wrdreg s8;
	s23 =	sshrl.u32 s20, $0x2  }
0x24: {  	s22 =	sadd.s32 s20, s3;
	p1 =	por p1, !p0;
	s8 =	simm.s32 $0x9380  }
0x25: {  	s20 =	simm.s32 $0x1;
	s7 =	sadd.s32 s23, s5;
	s1 =	sshrl.u32 @!p1 s1, $0x3  }
0x26: {  	s28 =	sadd.s32 $0x4000, s22;
	s29 =	sadd.s32 $0x8000, s22;
	s30 =	sadd.s32 $0xC000, s22  }
0x27: {  	v2 =	vimm.f32 $0.0e+00;
	s23 =	simm.s32 $0x5200;
	[dreg:$0x1a] =	wrdreg s1;
	s1 =	sshrl.u32 @!p0 s7, $0x3  }
0x28: {  	v3 =	vimm.s32 $0x0;
	v4 =	vimm.s32 $0x1;
	v0 =	vmov s4;
	s7 =	simm.s32 $0x80;
	[dreg:$0x1b] =	wrdreg s1;
	s1 =	simm.s32 $0x5  }
.LBB2_1:
0x29: {  	s12 =	rddreg [dreg:$0x17]  }
0x2a: {  	s4 =	simm.s32 @!p1 $0x1DC5;
	s14 =	rddreg [dreg:$0x1a]  }
0x2b: {  	[spmem:s14], [sflag:s4] =	dma.local @!p1 [hbm:s12], $0x680  }
0x2c: {  	s4 =	simm.s32 @!p1 $0x5  }
0x2d: {  	_ =	swait.ge @!p1 [sflag:s4], $0x680  }
0x2e: {  	s12 =	sshll.u32 @!p0 s17, $0x6;
	[sflag:s4] =	ssyncset.done @!p1 $0x0;
	s14 =	rddreg [dreg:$0x1b]  }
0x2f: {  	[sflag:s4] =	ssyncadd.s32 @!p1 $0xFFFFF980;
	s4 =	sor.u32 @!p0 $0x1C05, s12;
	s12 =	rddreg [dreg:$0x16]  }
0x30: {  	[spmem:s14], [sflag:s4] =	dma.local @!p0 [hbm:s12], $0x800  }
0x31: {  	s4 =	simm.s32 @!p0 $0x5  }
0x32: {  	_ =	swait.ge @!p0 [sflag:s4], $0x800  }
0x33: {  	[sflag:s4] =	ssyncset.done @!p0 $0x0  }
0x34: {  	s15 =	rddreg [dreg:$0xb];
	[sflag:s4] =	ssyncadd.s32 @!p0 $0xFFFFF800  }
0x35: {  	[tilespmem:s31], [sflag:$0x5] =	stream.linear.gather [hbm4b:s15+s6], $0x80, $0x38;
	[tilespmem:$0x1F2C0] =	vst v63  }
0x36: {  	_ =	swait.ge [sflag:s1], $0x80  }
0x37: {  	[sflag:s1] =	ssyncset.done $0x0  }
0x38: {  	s12 =	simm.s32 $0x200;
	s4 =	simm.s32 $0x0;
	[sflag:s1] =	ssyncadd.s32 $0xFFFFFF80  }
0x39: {  	[tilespmem:s8], [sflag:$0x2] =	stream.indirect.gather [hbm4b:s2+s7], $0x80, s31, s7, $0xb8;
	[tilespmem:$0x1F2C0] =	vst v63  }
.LBB2_2:
0x3a: {  	p2 =	sne.s32 s12, $0xFE00;
	[tilespmem:s4+$0x53F0] =	vst v2  }
0x3b: {  	[tilespmem:s4+$0x5380] =	vst v2  }
0x3c: {  	[tilespmem:s4+$0x5390] =	vst v2  }
.Ltmp0:
0x3d: {  	[tilespmem:s4+$0x53A0] =	vst v2;
	(pc) =	sbr.rel @p2 .LBB2_2-.Ltmp0, $4  }
0x3e: {  	[tilespmem:s4+$0x53B0] =	vst v2  }
0x3f: {  	[tilespmem:s4+$0x53C0] =	vst v2  }
0x40: {  	[tilespmem:s4+$0x53D0] =	vst v2  }
0x41: {  	[tilespmem:s4+$0x53E0] =	vst v2;
	s4 =	sshra.s32 s12, $0x2;
	s12 =	sadd.s32 $0x200, s12  }
0x42: {  	[tilespmem:s4+$0x53F0] =	vst v2  }
0x43: {  	[tilespmem:s4+$0x5380] =	vst v2  }
0x44: {  	[tilespmem:s4+$0x5390] =	vst v2  }
0x45: {  	[tilespmem:s4+$0x53A0] =	vst v2  }
0x46: {  	[tilespmem:s4+$0x53B0] =	vst v2  }
0x47: {  	[tilespmem:s4+$0x53C0] =	vst v2  }
0x48: {  	[tilespmem:s4+$0x53D0] =	vst v2  }
0x49: {  	[tilespmem:s4+$0x53E0] =	vst v2  }
0x4a: {  	[spmem:s22] =	stream.linear.scatter [tilespmem:s9], [sflag:$0x5], $0x4000, $0x38;
	[tilespmem:$0x1F2C0] =	vst v63  }
0x4b: {  	_ =	swait.ge [sflag:s1], $0x4000  }
0x4c: {  	[sflag:s1] =	ssyncset.done $0x0  }
0x4d: {  	[sflag:s1] =	ssyncadd.s32 $0xFFFFC000  }
0x4e: {  	[spmem:s28] =	stream.linear.scatter [tilespmem:s9], [sflag:$0x5], $0x4000, $0x38;
	[tilespmem:$0x1F2C0] =	vst v63  }
0x4f: {  	_ =	swait.ge [sflag:s1], $0x4000  }
0x50: {  	[sflag:s1] =	ssyncset.done $0x0  }
0x51: {  	[sflag:s1] =	ssyncadd.s32 $0xFFFFC000  }
0x52: {  	[spmem:s29] =	stream.linear.scatter [tilespmem:s9], [sflag:$0x5], $0x4000, $0x38;
	[tilespmem:$0x1F2C0] =	vst v63  }
0x53: {  	_ =	swait.ge [sflag:s1], $0x4000  }
0x54: {  	[sflag:s1] =	ssyncset.done $0x0  }
0x55: {  	[sflag:s1] =	ssyncadd.s32 $0xFFFFC000  }
0x56: {  	[spmem:s30] =	stream.linear.scatter [tilespmem:s9], [sflag:$0x5], $0x4000, $0x38;
	[tilespmem:$0x1F2C0] =	vst v63  }
0x57: {  	_ =	swait.ge [sflag:s1], $0x4000  }
0x58: {  	[sflag:s1] =	ssyncset.done $0x0  }
0x59: {  	[sflag:s1] =	ssyncadd.s32 $0xFFFFC000  }
0x5a: {  	_ =	swait.ge [sflag:s10], $0x4000  }
0x5b: {  	[sflag:s10] =	ssyncset.done $0x0  }
0x5c: {  	s4 =	simm.s32 $0x0;
	s12 =	rddreg [dreg:$0xc];
	[sflag:s10] =	ssyncadd.s32 $0xFFFFC000  }
0x5d: {  	[hbm4b:s12+s4] =	stream.linear.scatter [tilespmem:s8], [sflag:$0x5], $0x4000, $0x38;
	[tilespmem:$0x1F2C0] =	vst v63  }
0x5e: {  	_ =	swait.ge [sflag:s1], $0x4000  }
0x5f: {  	[sflag:s1] =	ssyncset.done $0x0  }
0x60: {  	s15 =	rddreg [dreg:$0xd];
	[sflag:s1] =	ssyncadd.s32 $0xFFFFC000  }
0x61: {  	[tilespmem:s31], [sflag:$0x5] =	stream.linear.gather [hbm4b:s15+s4], $0x80, $0x38;
	[tilespmem:$0x1F2C0] =	vst v63  }
0x62: {  	_ =	swait.ge [sflag:s1], $0x80  }
0x63: {  	[sflag:s1] =	ssyncset.done $0x0  }
0x64: {  	s14 =	simm.s32 $0x200;
	s12 =	simm.s32 $0x0;
	[sflag:s1] =	ssyncadd.s32 $0xFFFFFF80  }
0x65: {  	v5 =	vimm.s32 $0x0;
	[tilespmem:s8], [sflag:$0x2] =	stream.indirect.gather [hbm4b:s2+s7], $0x80, s31, s7, $0xb8;
	[tilespmem:$0x1F2C0] =	vst v63  }
.LBB2_4:
0x66: {  	p2 =	sne.s32 s14, $0xFE00;
	[tilespmem:s12+$0x270] =	vst v5  }
0x67: {  	[tilespmem:s12+$0x200] =	vst v5  }
0x68: {  	[tilespmem:s12+$0x210] =	vst v5  }
.Ltmp1:
0x69: {  	[tilespmem:s12+$0x220] =	vst v5;
	(pc) =	sbr.rel @p2 .LBB2_4-.Ltmp1, $4  }
0x6a: {  	[tilespmem:s12+$0x230] =	vst v5  }
0x6b: {  	[tilespmem:s12+$0x240] =	vst v5  }
0x6c: {  	[tilespmem:s12+$0x250] =	vst v5  }
0x6d: {  	[tilespmem:s12+$0x260] =	vst v5;
	s12 =	sshra.s32 s14, $0x2;
	s14 =	sadd.s32 $0x200, s14  }
0x6e: {  	[tilespmem:s12+$0x270] =	vst v5  }
0x6f: {  	[tilespmem:s12+$0x200] =	vst v5  }
0x70: {  	[tilespmem:s12+$0x210] =	vst v5  }
0x71: {  	[tilespmem:s12+$0x220] =	vst v5  }
0x72: {  	[tilespmem:s12+$0x230] =	vst v5  }
0x73: {  	[tilespmem:s12+$0x240] =	vst v5  }
0x74: {  	[tilespmem:s12+$0x250] =	vst v5  }
0x75: {  	[tilespmem:s12+$0x260] =	vst v5  }
.LBB2_6:
0x76: {  	s12 =	sshll.u32 s4, $0x6  }
0x77: {  	s14 =	simm.s32 $0x0;
	s12 =	sadd.s32 s0, s12  }
0x78: {  	[tilespmem:s14], [sflag:$0x5] =	stream.linear.gather [hbm4b:s12+s14], $0x200, $0x38;
	[tilespmem:$0x1F2C0] =	vst v63  }
0x79: {  	_ =	swait.ge [sflag:s1], $0x200  }
0x7a: {  	[sflag:s1] =	ssyncset.done $0x0  }
0x7b: {  	s14 =	simm.s32 $0x0;
	s12 =	simm.s32 $0x40;
	[sflag:s1] =	ssyncadd.s32 $0xFFFFFE00  }
.LBB2_7:
0x7c: {  	p2 =	sne.s32 s12, $0x7C0;
	v6 =	vld [tilespmem:s14+$0x0];
	_ =	sdelay $0x4  }
0x7d: {  	v7 =	vsub.s32 v6, v0;
	vm0 =	vne.s32 v6, v0;
	vm1 =	vle.s32 v6, v0  }
0x7e: {  	v8 =	vshra.s32 v7, $0x1F;
	v9 =	vsel vm0, $0x1, v3;
	v10 =	vsel vm1, $0x1, v3  }
0x7f: {  	v11 =	vand.u32 $0x7F, v6;
	v9 =	vor.u32 v9, v8;
	v5 =	vadd.s32 v10, v5  }
0x80: {  	vm1 =	vne.s32 v11, $0x0;
	v8 =	vshrl.u32 v8, $0x19;
	vm0 =	vne.s32 v9, $0x1  }
0x81: {  	v8 =	vadd.s32 v8, v7;
	vm0 =	vmand vm1, vm0  }
0x82: {  	v8 =	vshrl.u32 v8, $0x7;
	v9 =	vsel vm0, $0xFFFFFFFF, v3  }
0x83: {  	v8 =	vadd.s32 v9, v8  }
0x84: {  	v8 =	vshll.u32 v8, $0x7  }
0x85: {  	v7 =	vsub.s32 v7, v8  }
0x86: {  	vm1 =	vlt.s32 v6, v1;
	vm0 =	vgt.s32 v6, v0;
	v6 =	vand.u32 $0xFFFFFF80, v7  }
0x87: {  	vm0 =	vmand vm0, vm1;
	v6 =	vadd.s32 v8, v6  }
0x88: {  	v6 =	vor.u32 v11, v6  }
.Ltmp2:
0x89: {  	(pc) =	sbr.rel @p2 .LBB2_7-.Ltmp2, $2  }
0x8a: {  	_ =	sdelay $0x2  }
0x8b: {  	s14 =	sshra.s32 s12, $0x2;
	s12 =	sadd.s32 $0x40, s12;
	[tilespmem:v6+s11+$0x0] =	vst.idx.add.s32.msk vm0, v4  }
0x8c: {  	v6 =	vld [tilespmem:s14+$0x0];
	_ =	sdelay $0x4  }
0x8d: {  	v7 =	vsub.s32 v6, v0;
	vm0 =	vne.s32 v6, v0  }
0x8e: {  	v8 =	vshra.s32 v7, $0x1F;
	v9 =	vsel vm0, $0x1, v3  }
0x8f: {  	v10 =	vand.u32 $0x7F, v6;
	v9 =	vor.u32 v9, v8  }
0x90: {  	vm1 =	vne.s32 v10, $0x0;
	v8 =	vshrl.u32 v8, $0x19;
	vm12 =	vne.s32 v9, $0x1  }
0x91: {  	v8 =	vadd.s32 v8, v7;
	vm0 =	vmand vm1, vm12  }
0x92: {  	v8 =	vshrl.u32 v8, $0x7;
	v63 =	vsel vm0, $0xFFFFFFFF, v3  }
0x93: {  	v8 =	vadd.s32 v63, v8  }
0x94: {  	v8 =	vshll.u32 v8, $0x7  }
0x95: {  	v7 =	vsub.s32 v7, v8  }
0x96: {  	vm13 =	vgt.s32 v6, v0;
	vm14 =	vlt.s32 v6, v1;
	v7 =	vand.u32 $0xFFFFFF80, v7  }
0x97: {  	s4 =	sadd.s32 $0x1, s4;
	vm0 =	vmand vm13, vm14;
	v7 =	vadd.s32 v8, v7  }
0x98: {  	p2 =	sne.s32 s4, $0x10;
	v7 =	vor.u32 v10, v7  }
.Ltmp3:
0x99: {  	_ = 	snop;
	(pc) =	sbr.rel @p2 .LBB2_6-.Ltmp3, $4  }
0x9a: {  	_ = 	snop  }
0x9b: {  	vm15 =	vle.s32 v6, v0  }
0x9c: {  	v6 =	vsel vm15, $0x1, v3  }
0x9d: {  	v5 =	vadd.s32 v6, v5;
	[tilespmem:v7+s11+$0x0] =	vst.idx.add.s32.msk vm0, v4  }
0x9e: {  	s12 =	simm.s32 $0x0  }
0x9f: {  	v6 =	vld [tilespmem:s12+$0x200];
	_ =	sdelay $0x1  }
0xa0: {  	(xrf0) =	vadd.scan.msk.s32 $0xffff, v5  }
0xa1: {  	v5 =	vld [tilespmem:s12+$0x210];
	_ =	sdelay $0x1  }
0xa2: {  	(xrf0) =	vadd.scan.msk.s32 $0xffff, v6  }
0xa3: {  	v6 =	vld [tilespmem:s12+$0x220];
	_ =	sdelay $0x1  }
0xa4: {  	v7, _, _ =	vpop (xrf0);
	(xrf0) =	vadd.scan.msk.s32 $0xffff, v5  }
0xa5: {  	(v2sf) =	vpush v7, $0xF;
	v5 =	vld [tilespmem:s12+$0x230];
	_ =	sdelay $0x1  }
0xa6: {  	s4 =	simm.s32 $0x0;
	v7, _, _ =	vpop (xrf0);
	(xrf0) =	vadd.scan.msk.s32 $0xffff, v6  }
0xa7: {  	v6 =	vadd.s32 s4, v7;
	v7 =	vld [tilespmem:s12+$0x240]  }
0xa8: {  	v8 =	vbroadcast v6, $0xF  }
0xa9: {  	v9, _, _ =	vpop (xrf0);
	(xrf0) =	vadd.scan.msk.s32 $0xffff, v5  }
0xaa: {  	v5 =	vld [tilespmem:s12+$0x250];
	v8 =	vadd.s32 v8, v9  }
0xab: {  	v9 =	vbroadcast v8, $0xF  }
0xac: {  	v10, _, _ =	vpop (xrf0);
	(xrf0) =	vadd.scan.msk.s32 $0xffff, v7  }
0xad: {  	v59 =	vld [tilespmem:s12+$0x260];
	v7 =	vadd.s32 v9, v10  }
0xae: {  	v10 =	vbroadcast v7, $0xF  }
0xaf: {  	v11, _, _ =	vpop (xrf0);
	(xrf0) =	vadd.scan.msk.s32 $0xffff, v5  }
0xb0: {  	v5 =	vld [tilespmem:s12+$0x270];
	v10 =	vadd.s32 v10, v11  }
0xb1: {  	v11 =	vbroadcast v10, $0xF  }
0xb2: {  	v12, _, _ =	vpop (xrf0);
	(xrf0) =	vadd.scan.msk.s32 $0xffff, v59  }
0xb3: {  	s15 =	spop (v2sf);
	v60 =	vadd.s32 v11, v12  }
0xb4: {  	s4 =	sadd.s32 $0xFFFFFFFF, s15;
	v11 =	vbroadcast v60, $0xF  }
0xb5: {  	v61, _, _ =	vpop (xrf0);
	(xrf0) =	vadd.scan.msk.s32 $0xffff, v5;
	v5 =	vmov s4  }
0xb6: {  	v6 =	vadd.s32 v5, v6;
	v11 =	vadd.s32 v11, v61  }
0xb7: {  	[tilespmem:s12+$0x200] =	vst v6;
	v6 =	vadd.s32 v5, v8;
	v62 =	vbroadcast v11, $0xF  }
0xb8: {  	[tilespmem:s12+$0x210] =	vst v6;
	v6 =	vadd.s32 v5, v7;
	v7, _, _ =	vpop (xrf0)  }
0xb9: {  	[tilespmem:s12+$0x220] =	vst v6;
	v6 =	vadd.s32 v62, v7;
	v7 =	vadd.s32 v5, v10  }
0xba: {  	[tilespmem:s12+$0x230] =	vst v7;
	v7 =	vadd.s32 v5, v60;
	v8 =	vbroadcast v6, $0xF  }
0xbb: {  	v63, _, _ =	vpop (xrf0);
	[tilespmem:s12+$0x240] =	vst v7;
	v7 =	vadd.s32 v5, v11  }
0xbc: {  	[tilespmem:s12+$0x250] =	vst v7;
	v7 =	vadd.s32 v8, v63  }
0xbd: {  	v6 =	vadd.s32 v5, v6;
	(v2sf) =	vpush v7, $0xF  }
0xbe: {  	[tilespmem:s12+$0x260] =	vst v6;
	v6 =	vadd.s32 v5, v7  }
0xbf: {  	s4 =	simm.s32 $0x200;
	[tilespmem:s12+$0x270] =	vst v6;
	s12 =	simm.s32 $0x400  }
.LBB2_10:
0xc0: {  	p2 =	sne.s32 s12, $0xFE00;
	s14 =	sshra.s32 s4, $0x2;
	s4 =	smov.u32 s12  }
0xc1: {  	v6 =	vld [tilespmem:s14+$0x200];
	_ =	sdelay $0x2  }
0xc2: {  	v7 =	vld [tilespmem:s14+$0x210];
	_ =	sdelay $0x1  }
0xc3: {  	(xrf0) =	vadd.scan.msk.s32 $0xffff, v6  }
0xc4: {  	v6 =	vld [tilespmem:s14+$0x220];
	_ =	sdelay $0x1  }
0xc5: {  	(xrf0) =	vadd.scan.msk.s32 $0xffff, v7  }
0xc6: {  	v7 =	vld [tilespmem:s14+$0x230];
	_ =	sdelay $0x1  }
0xc7: {  	v8, _, _ =	vpop (xrf0);
	(xrf0) =	vadd.scan.msk.s32 $0xffff, v6;
	s15 =	spop (v2sf)  }
0xc8: {  	v6 =	vadd.s32 s15, v8;
	v8 =	vld [tilespmem:s14+$0x240]  }
0xc9: {  	v10 =	vadd.s32 v5, v6;
	v6 =	vbroadcast v6, $0xF  }
0xca: {  	[tilespmem:s14+$0x200] =	vst v10;
	v9, _, _ =	vpop (xrf0);
	(xrf0) =	vadd.scan.msk.s32 $0xffff, v7  }
0xcb: {  	v6 =	vadd.s32 v6, v9;
	v7 =	vld [tilespmem:s14+$0x250]  }
0xcc: {  	v10 =	vadd.s32 v5, v6;
	v6 =	vbroadcast v6, $0xF  }
0xcd: {  	[tilespmem:s14+$0x210] =	vst v10;
	v9, _, _ =	vpop (xrf0);
	(xrf0) =	vadd.scan.msk.s32 $0xffff, v8  }
0xce: {  	v6 =	vadd.s32 v6, v9;
	v8 =	vld [tilespmem:s14+$0x260]  }
0xcf: {  	v10 =	vadd.s32 v5, v6;
	v6 =	vbroadcast v6, $0xF  }
0xd0: {  	[tilespmem:s14+$0x220] =	vst v10;
	v9, _, _ =	vpop (xrf0);
	(xrf0) =	vadd.scan.msk.s32 $0xffff, v7  }
0xd1: {  	v6 =	vadd.s32 v6, v9;
	v7 =	vld [tilespmem:s14+$0x270]  }
0xd2: {  	v10 =	vadd.s32 v5, v6;
	v6 =	vbroadcast v6, $0xF  }
0xd3: {  	[tilespmem:s14+$0x230] =	vst v10;
	v9, _, _ =	vpop (xrf0);
	(xrf0) =	vadd.scan.msk.s32 $0xffff, v8  }
0xd4: {  	v6 =	vadd.s32 v6, v9  }
0xd5: {  	v9 =	vadd.s32 v5, v6;
	v6 =	vbroadcast v6, $0xF  }
0xd6: {  	[tilespmem:s14+$0x240] =	vst v9;
	v8, _, _ =	vpop (xrf0);
	(xrf0) =	vadd.scan.msk.s32 $0xffff, v7  }
0xd7: {  	v6 =	vadd.s32 v6, v8  }
0xd8: {  	v8 =	vadd.s32 v5, v6;
	v6 =	vbroadcast v6, $0xF  }
0xd9: {  	[tilespmem:s14+$0x250] =	vst v8;
	v7, _, _ =	vpop (xrf0)  }
0xda: {  	v6 =	vadd.s32 v6, v7  }
0xdb: {  	v8 =	vadd.s32 v5, v6;
	v6 =	vbroadcast v6, $0xF  }
.Ltmp4:
0xdc: {  	[tilespmem:s14+$0x260] =	vst v8;
	v7, _, _ =	vpop (xrf0);
	(pc) =	sbr.rel @p2 .LBB2_10-.Ltmp4, $4  }
0xdd: {  	v6 =	vadd.s32 v6, v7  }
0xde: {  	v7 =	vadd.s32 v5, v6;
	(v2sf) =	vpush v6, $0xF  }
0xdf: {  	[tilespmem:s14+$0x270] =	vst v7  }
0xe0: {  	s12 =	sadd.s32 $0x200, s12  }
0xe1: {  	s4 =	sshra.s32 s4, $0x2  }
0xe2: {  	v6 =	vld [tilespmem:s4+$0x200];
	_ =	sdelay $0x2  }
0xe3: {  	v7 =	vld [tilespmem:s4+$0x210];
	_ =	sdelay $0x1  }
0xe4: {  	(xrf0) =	vadd.scan.msk.s32 $0xffff, v6  }
0xe5: {  	v6 =	vld [tilespmem:s4+$0x220];
	_ =	sdelay $0x1  }
0xe6: {  	(xrf0) =	vadd.scan.msk.s32 $0xffff, v7  }
0xe7: {  	v7 =	vld [tilespmem:s4+$0x230];
	_ =	sdelay $0x1  }
0xe8: {  	v8, _, _ =	vpop (xrf0);
	(xrf0) =	vadd.scan.msk.s32 $0xffff, v6;
	s12 =	spop (v2sf)  }
0xe9: {  	v54 =	vld [tilespmem:s4+$0x240];
	v6 =	vadd.s32 s12, v8  }
0xea: {  	v9 =	vbroadcast v6, $0xF  }
0xeb: {  	v10, _, _ =	vpop (xrf0);
	(xrf0) =	vadd.scan.msk.s32 $0xffff, v7  }
0xec: {  	v55 =	vld [tilespmem:s4+$0x250];
	v7 =	vadd.s32 v9, v10  }
0xed: {  	v10 =	vbroadcast v7, $0xF  }
0xee: {  	v11, _, _ =	vpop (xrf0);
	(xrf0) =	vadd.scan.msk.s32 $0xffff, v54  }
0xef: {  	v57 =	vld [tilespmem:s4+$0x260];
	v56 =	vadd.s32 v10, v11  }
0xf0: {  	v11 =	vbroadcast v56, $0xF  }
0xf1: {  	v12, _, _ =	vpop (xrf0);
	(xrf0) =	vadd.scan.msk.s32 $0xffff, v55  }
0xf2: {  	v59 =	vld [tilespmem:s4+$0x270];
	v58 =	vadd.s32 v11, v12  }
0xf3: {  	v12 =	vbroadcast v58, $0xF  }
0xf4: {  	v13, _, _ =	vpop (xrf0);
	(xrf0) =	vadd.scan.msk.s32 $0xffff, v57  }
0xf5: {  	v60 =	vadd.s32 v12, v13  }
0xf6: {  	v12 =	vbroadcast v60, $0xF  }
0xf7: {  	v61, _, _ =	vpop (xrf0);
	(xrf0) =	vadd.scan.msk.s32 $0xffff, v59  }
0xf8: {  	v62 =	vadd.s32 v12, v61  }
0xf9: {  	v12 =	vbroadcast v62, $0xF  }
0xfa: {  	v63, _, _ =	vpop (xrf0)  }
0xfb: {  	v12 =	vadd.s32 v12, v63  }
0xfc: {  	v13 =	vbroadcast v12, $0xF  }
0xfd: {  	v14, _, _ =	vpop (xrf0)  }
0xfe: {  	v13 =	vadd.s32 v13, v14  }
0xff: {  	(v2sf) =	vpush v13, $0xF;
	_ =	sdelay $0x6  }
0x100: {  	v6 =	vadd.s32 v5, v6  }
0x101: {  	[tilespmem:s4+$0x200] =	vst v6;
	v6 =	vadd.s32 v5, v7  }
0x102: {  	[tilespmem:s4+$0x210] =	vst v6;
	v6 =	vadd.s32 v5, v56  }
0x103: {  	[tilespmem:s4+$0x220] =	vst v6;
	v6 =	vadd.s32 v5, v58  }
0x104: {  	[tilespmem:s4+$0x230] =	vst v6;
	v6 =	vadd.s32 v5, v60  }
0x105: {  	[tilespmem:s4+$0x240] =	vst v6;
	v6 =	vadd.s32 v5, v62  }
0x106: {  	[tilespmem:s4+$0x250] =	vst v6;
	v6 =	vadd.s32 v5, v12  }
0x107: {  	[tilespmem:s4+$0x260] =	vst v6;
	v5 =	vadd.s32 v5, v13  }
0x108: {  	[tilespmem:s4+$0x270] =	vst v5;
	s12 =	spop (v2sf)  }
0x109: {  	_ =	swait.ge [sflag:s10], $0x4000  }
0x10a: {  	[sflag:s10] =	ssyncset.done $0x0  }
0x10b: {  	s4 =	rddreg [dreg:$0xe];
	[sflag:s10] =	ssyncadd.s32 $0xFFFFC000  }
0x10c: {  	[hbm4b:s4+s6] =	stream.linear.scatter [tilespmem:s8], [sflag:$0x5], $0x4000, $0x38;
	[tilespmem:$0x1F2C0] =	vst v63  }
0x10d: {  	_ =	swait.ge [sflag:s1], $0x4000  }
0x10e: {  	[sflag:s1] =	ssyncset.done $0x0  }
0x10f: {  	[sflag:s1] =	ssyncadd.s32 $0xFFFFC000  }
0x110: {  	[bflag:$0x0] =	sbarrier.arrive $0xFFFF  }
0x111: {  	s14 =	rddreg [dreg:$0xf]  }
0x112: {  	[tilespmem:s13], [sflag:$0x5] =	stream.linear.gather [hbm4b:s14+s6], $0x1000, $0x38;
	[tilespmem:$0x1F2C0] =	vst v63  }
0x113: {  	_ =	swait.ge [sflag:s1], $0x1000  }
0x114: {  	[sflag:s1] =	ssyncset.done $0x0  }
0x115: {  	s15 =	rddreg [dreg:$0x10];
	[sflag:s1] =	ssyncadd.s32 $0xFFFFF000  }
0x116: {  	[tilespmem:s16], [sflag:$0x5] =	stream.linear.gather [hbm4b:s15+s6], $0x80, $0x38;
	[tilespmem:$0x1F2C0] =	vst v63  }
0x117: {  	_ =	swait.ge [sflag:s1], $0x80  }
0x118: {  	[sflag:s1] =	ssyncset.done $0x0  }
0x119: {  	[sflag:s1] =	ssyncadd.s32 $0xFFFFFF80  }
0x11a: {  	[tilespmem:s9], [sflag:$0x1] =	stream.indirect.gather [hbm4b:s2+s7], $0x80, s13, s7, $0xb8;
	[tilespmem:$0x1F2C0] =	vst v63  }
0x11b: {  	_ =	swait.ge [sflag:s20], $0x4000  }
0x11c: {  	[sflag:s20] =	ssyncset.done $0x0  }
0x11d: {  	[sflag:s20] =	ssyncadd.s32 $0xFFFFC000  }
0x11e: {  	[spmem:s3] =	stream.indirect.scatter.add.f32 [tilespmem:s9], [sflag:$0x3], $0x80, s11, s7, $0xb8;
	[tilespmem:$0x1F2C0] =	vst v63  }
0x11f: {  	s12 =	simm.s32 $0x4280  }
0x120: {  	[tilespmem:s8], [sflag:$0x2] =	stream.indirect.gather [hbm4b:s2+s7], $0x80, s12, s7, $0xb8;
	[tilespmem:$0x1F2C0] =	vst v63  }
0x121: {  	_ =	swait.ge [sflag:s10], $0x4000  }
0x122: {  	[sflag:s10] =	ssyncset.done $0x0  }
0x123: {  	s14 =	simm.s32 $0x280;
	[sflag:s10] =	ssyncadd.s32 $0xFFFFC000  }
0x124: {  	[spmem:s3] =	stream.indirect.scatter.add.f32 [tilespmem:s8], [sflag:$0x4], $0x80, s14, s7, $0xb8;
	[tilespmem:$0x1F2C0] =	vst v63  }
0x125: {  	_ =	swait.ge [sflag:s21], $0x4000  }
0x126: {  	[sflag:s21] =	ssyncset.done $0x0  }
0x127: {  	s15 =	simm.s32 $0x4300;
	[sflag:s21] =	ssyncadd.s32 $0xFFFFC000  }
0x128: {  	[tilespmem:s9], [sflag:$0x1] =	stream.indirect.gather [hbm4b:s2+s7], $0x80, s15, s7, $0xb8;
	[tilespmem:$0x1F2C0] =	vst v63  }
0x129: {  	_ =	swait.ge [sflag:s20], $0x4000  }
0x12a: {  	[sflag:s20] =	ssyncset.done $0x0  }
0x12b: {  	s12 =	simm.s32 $0x300;
	[sflag:s20] =	ssyncadd.s32 $0xFFFFC000  }
0x12c: {  	[spmem:s3] =	stream.indirect.scatter.add.f32 [tilespmem:s9], [sflag:$0x3], $0x80, s12, s7, $0xb8;
	[tilespmem:$0x1F2C0] =	vst v63  }
0x12d: {  	_ =	swait.ge [sflag:s24], $0x4000  }
0x12e: {  	[sflag:s24] =	ssyncset.done $0x0  }
0x12f: {  	s14 =	simm.s32 $0x4380;
	[sflag:s24] =	ssyncadd.s32 $0xFFFFC000  }
0x130: {  	[tilespmem:s8], [sflag:$0x2] =	stream.indirect.gather [hbm4b:s2+s7], $0x80, s14, s7, $0xb8;
	[tilespmem:$0x1F2C0] =	vst v63  }
0x131: {  	_ =	swait.ge [sflag:s10], $0x4000  }
0x132: {  	[sflag:s10] =	ssyncset.done $0x0  }
0x133: {  	s15 =	simm.s32 $0x380;
	[sflag:s10] =	ssyncadd.s32 $0xFFFFC000  }
0x134: {  	[spmem:s3] =	stream.indirect.scatter.add.f32 [tilespmem:s8], [sflag:$0x4], $0x80, s15, s7, $0xb8;
	[tilespmem:$0x1F2C0] =	vst v63  }
0x135: {  	_ =	swait.ge [sflag:s21], $0x4000  }
0x136: {  	[sflag:s21] =	ssyncset.done $0x0  }
0x137: {  	s4 =	simm.s32 $0xFFFFCC00;
	s12 =	simm.s32 $0x4400;
	[sflag:s21] =	ssyncadd.s32 $0xFFFFC000  }
.LBB2_12:
0x138: {  	[tilespmem:s9], [sflag:$0x1] =	stream.indirect.gather [hbm4b:s2+s7], $0x80, s12, s7, $0xb8;
	[tilespmem:$0x1F2C0] =	vst v63  }
0x139: {  	s12 =	smov.u32 s4  }
0x13a: {  	p2 =	sne.s32 s4, $0xFFFFFC00;
	s4 =	sadd.s32 $0x400, s4;
	_ =	swait.ge [sflag:s20], $0x4000  }
0x13b: {  	s12 =	sshra.s32 s12, $0x2;
	[sflag:s20] =	ssyncset.done $0x0  }
0x13c: {  	s14 =	sadd.s32 $0x1100, s12;
	[sflag:s20] =	ssyncadd.s32 $0xFFFFC000  }
0x13d: {  	[spmem:s3] =	stream.indirect.scatter.add.f32 [tilespmem:s9], [sflag:$0x3], $0x80, s14, s7, $0xb8;
	[tilespmem:$0x1F2C0] =	vst v63  }
0x13e: {  	_ =	swait.ge [sflag:s24], $0x4000  }
0x13f: {  	[sflag:s24] =	ssyncset.done $0x0  }
0x140: {  	s14 =	sadd.s32 $0x5180, s12;
	[sflag:s24] =	ssyncadd.s32 $0xFFFFC000  }
0x141: {  	[tilespmem:s8], [sflag:$0x2] =	stream.indirect.gather [hbm4b:s2+s7], $0x80, s14, s7, $0xb8;
	[tilespmem:$0x1F2C0] =	vst v63  }
0x142: {  	_ =	swait.ge [sflag:s10], $0x4000  }
0x143: {  	[sflag:s10] =	ssyncset.done $0x0  }
.Ltmp5:
0x144: {  	s14 =	sadd.s32 $0x1180, s12;
	[sflag:s10] =	ssyncadd.s32 $0xFFFFC000;
	(pc) =	sbr.rel @p2 .LBB2_12-.Ltmp5, $4  }
0x145: {  	[spmem:s3] =	stream.indirect.scatter.add.f32 [tilespmem:s8], [sflag:$0x4], $0x80, s14, s7, $0xb8;
	[tilespmem:$0x1F2C0] =	vst v63  }
0x146: {  	_ =	swait.ge [sflag:s21], $0x4000  }
0x147: {  	[sflag:s21] =	ssyncset.done $0x0  }
0x148: {  	s12 =	sadd.s32 $0x5200, s12;
	[sflag:s21] =	ssyncadd.s32 $0xFFFFC000  }
0x149: {  	[tilespmem:s9], [sflag:$0x1] =	stream.indirect.gather [hbm4b:s2+s7], $0x80, s12, s7, $0xb8;
	[tilespmem:$0x1F2C0] =	vst v63  }
0x14a: {  	_ =	swait.ge [sflag:s20], $0x4000  }
0x14b: {  	[sflag:s20] =	ssyncset.done $0x0  }
0x14c: {  	s4 =	simm.s32 $0x1100;
	[sflag:s20] =	ssyncadd.s32 $0xFFFFC000  }
0x14d: {  	[spmem:s3] =	stream.indirect.scatter.add.f32 [tilespmem:s9], [sflag:$0x3], $0x80, s4, s7, $0xb8;
	[tilespmem:$0x1F2C0] =	vst v63  }
0x14e: {  	_ =	swait.ge [sflag:s24], $0x4000  }
0x14f: {  	[sflag:s24] =	ssyncset.done $0x0  }
0x150: {  	[sflag:s24] =	ssyncadd.s32 $0xFFFFC000  }
0x151: {  	[tilespmem:s8], [sflag:$0x2] =	stream.indirect.gather [hbm4b:s2+s7], $0x80, s25, s7, $0xb8;
	[tilespmem:$0x1F2C0] =	vst v63  }
0x152: {  	_ =	swait.ge [sflag:s10], $0x4000  }
0x153: {  	[sflag:s10] =	ssyncset.done $0x0  }
0x154: {  	s12 =	simm.s32 $0x1180;
	[sflag:s10] =	ssyncadd.s32 $0xFFFFC000  }
0x155: {  	[spmem:s3] =	stream.indirect.scatter.add.f32 [tilespmem:s8], [sflag:$0x4], $0x80, s12, s7, $0xb8;
	[tilespmem:$0x1F2C0] =	vst v63  }
0x156: {  	_ =	swait.ge [sflag:s21], $0x4000  }
0x157: {  	[sflag:s21] =	ssyncset.done $0x0  }
0x158: {  	[sflag:s21] =	ssyncadd.s32 $0xFFFFC000  }
0x159: {  	[tilespmem:s9], [sflag:$0x1] =	stream.indirect.gather [hbm4b:s2+s7], $0x80, s16, s7, $0xb8;
	[tilespmem:$0x1F2C0] =	vst v63  }
0x15a: {  	s14 =	rddreg [dreg:$0x10]  }
0x15b: {  	[tilespmem:s13], [sflag:$0x5] =	stream.linear.gather [hbm4b:s14+s6], $0x1000, $0x38;
	[tilespmem:$0x1F2C0] =	vst v63  }
0x15c: {  	_ =	swait.ge [sflag:s1], $0x1000  }
0x15d: {  	[sflag:s1] =	ssyncset.done $0x0  }
0x15e: {  	s15 =	rddreg [dreg:$0x12];
	[sflag:s1] =	ssyncadd.s32 $0xFFFFF000  }
0x15f: {  	[tilespmem:s23], [sflag:$0x5] =	stream.linear.gather [hbm4b:s15+s6], $0x80, $0x38;
	[tilespmem:$0x1F2C0] =	vst v63  }
0x160: {  	_ =	swait.ge [sflag:s1], $0x80  }
0x161: {  	[sflag:s1] =	ssyncset.done $0x0  }
0x162: {  	[sflag:s1] =	ssyncadd.s32 $0xFFFFFF80  }
0x163: {  	_ =	swait.ge [sflag:s20], $0x4000  }
0x164: {  	[sflag:s20] =	ssyncset.done $0x0  }
0x165: {  	s12 =	simm.s32 $0x1200;
	[sflag:s20] =	ssyncadd.s32 $0xFFFFC000  }
0x166: {  	[spmem:s3] =	stream.indirect.scatter.add.f32 [tilespmem:s9], [sflag:$0x3], $0x80, s12, s7, $0xb8;
	[tilespmem:$0x1F2C0] =	vst v63  }
0x167: {  	_ =	swait.ge [sflag:s24], $0x4000  }
0x168: {  	[sflag:s24] =	ssyncset.done $0x0  }
0x169: {  	s14 =	simm.s32 $0x4280;
	[sflag:s24] =	ssyncadd.s32 $0xFFFFC000  }
0x16a: {  	[tilespmem:s8], [sflag:$0x2] =	stream.indirect.gather [hbm4b:s2+s7], $0x80, s14, s7, $0xb8;
	[tilespmem:$0x1F2C0] =	vst v63  }
0x16b: {  	_ =	swait.ge [sflag:s10], $0x4000  }
0x16c: {  	[sflag:s10] =	ssyncset.done $0x0  }
0x16d: {  	s15 =	simm.s32 $0x1280;
	[sflag:s10] =	ssyncadd.s32 $0xFFFFC000  }
0x16e: {  	[spmem:s3] =	stream.indirect.scatter.add.f32 [tilespmem:s8], [sflag:$0x4], $0x80, s15, s7, $0xb8;
	[tilespmem:$0x1F2C0] =	vst v63  }
0x16f: {  	_ =	swait.ge [sflag:s21], $0x4000  }
0x170: {  	[sflag:s21] =	ssyncset.done $0x0  }
0x171: {  	s4 =	simm.s32 $0xFFFFC800;
	s12 =	simm.s32 $0x4300;
	[sflag:s21] =	ssyncadd.s32 $0xFFFFC000  }
.LBB2_14:
0x172: {  	[tilespmem:s9], [sflag:$0x1] =	stream.indirect.gather [hbm4b:s2+s7], $0x80, s12, s7, $0xb8;
	[tilespmem:$0x1F2C0] =	vst v63  }
0x173: {  	s12 =	smov.u32 s4  }
0x174: {  	p2 =	sne.s32 s4, $0xFFFFFC00;
	s4 =	sadd.s32 $0x400, s4;
	_ =	swait.ge [sflag:s20], $0x4000  }
0x175: {  	s12 =	sshra.s32 s12, $0x2;
	[sflag:s20] =	ssyncset.done $0x0  }
0x176: {  	s14 =	sadd.s32 $0x2100, s12;
	[sflag:s20] =	ssyncadd.s32 $0xFFFFC000  }
0x177: {  	[spmem:s3] =	stream.indirect.scatter.add.f32 [tilespmem:s9], [sflag:$0x3], $0x80, s14, s7, $0xb8;
	[tilespmem:$0x1F2C0] =	vst v63  }
0x178: {  	_ =	swait.ge [sflag:s24], $0x4000  }
0x179: {  	[sflag:s24] =	ssyncset.done $0x0  }
0x17a: {  	s14 =	sadd.s32 $0x5180, s12;
	[sflag:s24] =	ssyncadd.s32 $0xFFFFC000  }
0x17b: {  	[tilespmem:s8], [sflag:$0x2] =	stream.indirect.gather [hbm4b:s2+s7], $0x80, s14, s7, $0xb8;
	[tilespmem:$0x1F2C0] =	vst v63  }
0x17c: {  	_ =	swait.ge [sflag:s10], $0x4000  }
0x17d: {  	[sflag:s10] =	ssyncset.done $0x0  }
.Ltmp6:
0x17e: {  	s14 =	sadd.s32 $0x2180, s12;
	[sflag:s10] =	ssyncadd.s32 $0xFFFFC000;
	(pc) =	sbr.rel @p2 .LBB2_14-.Ltmp6, $4  }
0x17f: {  	[spmem:s3] =	stream.indirect.scatter.add.f32 [tilespmem:s8], [sflag:$0x4], $0x80, s14, s7, $0xb8;
	[tilespmem:$0x1F2C0] =	vst v63  }
0x180: {  	_ =	swait.ge [sflag:s21], $0x4000  }
0x181: {  	[sflag:s21] =	ssyncset.done $0x0  }
0x182: {  	s12 =	sadd.s32 $0x5200, s12;
	[sflag:s21] =	ssyncadd.s32 $0xFFFFC000  }
0x183: {  	[tilespmem:s9], [sflag:$0x1] =	stream.indirect.gather [hbm4b:s2+s7], $0x80, s12, s7, $0xb8;
	[tilespmem:$0x1F2C0] =	vst v63  }
0x184: {  	_ =	swait.ge [sflag:s20], $0x4000  }
0x185: {  	[sflag:s20] =	ssyncset.done $0x0  }
0x186: {  	s4 =	simm.s32 $0x2100;
	[sflag:s20] =	ssyncadd.s32 $0xFFFFC000  }
0x187: {  	[spmem:s3] =	stream.indirect.scatter.add.f32 [tilespmem:s9], [sflag:$0x3], $0x80, s4, s7, $0xb8;
	[tilespmem:$0x1F2C0] =	vst v63  }
0x188: {  	_ =	swait.ge [sflag:s24], $0x4000  }
0x189: {  	[sflag:s24] =	ssyncset.done $0x0  }
0x18a: {  	[sflag:s24] =	ssyncadd.s32 $0xFFFFC000  }
0x18b: {  	[tilespmem:s8], [sflag:$0x2] =	stream.indirect.gather [hbm4b:s2+s7], $0x80, s25, s7, $0xb8;
	[tilespmem:$0x1F2C0] =	vst v63  }
0x18c: {  	_ =	swait.ge [sflag:s10], $0x4000  }
0x18d: {  	[sflag:s10] =	ssyncset.done $0x0  }
0x18e: {  	s12 =	simm.s32 $0x2180;
	[sflag:s10] =	ssyncadd.s32 $0xFFFFC000  }
0x18f: {  	[spmem:s3] =	stream.indirect.scatter.add.f32 [tilespmem:s8], [sflag:$0x4], $0x80, s12, s7, $0xb8;
	[tilespmem:$0x1F2C0] =	vst v63  }
0x190: {  	_ =	swait.ge [sflag:s21], $0x4000  }
0x191: {  	[sflag:s21] =	ssyncset.done $0x0  }
0x192: {  	[sflag:s21] =	ssyncadd.s32 $0xFFFFC000  }
0x193: {  	[tilespmem:s9], [sflag:$0x1] =	stream.indirect.gather [hbm4b:s2+s7], $0x80, s23, s7, $0xb8;
	[tilespmem:$0x1F2C0] =	vst v63  }
0x194: {  	s14 =	rddreg [dreg:$0x12]  }
0x195: {  	[tilespmem:s13], [sflag:$0x5] =	stream.linear.gather [hbm4b:s14+s6], $0x1000, $0x38;
	[tilespmem:$0x1F2C0] =	vst v63  }
0x196: {  	_ =	swait.ge [sflag:s1], $0x1000  }
0x197: {  	[sflag:s1] =	ssyncset.done $0x0  }
0x198: {  	s15 =	rddreg [dreg:$0x13];
	[sflag:s1] =	ssyncadd.s32 $0xFFFFF000  }
0x199: {  	[tilespmem:s16], [sflag:$0x5] =	stream.linear.gather [hbm4b:s15+s6], $0x80, $0x38;
	[tilespmem:$0x1F2C0] =	vst v63  }
0x19a: {  	_ =	swait.ge [sflag:s1], $0x80  }
0x19b: {  	[sflag:s1] =	ssyncset.done $0x0  }
0x19c: {  	[sflag:s1] =	ssyncadd.s32 $0xFFFFFF80  }
0x19d: {  	_ =	swait.ge [sflag:s20], $0x4000  }
0x19e: {  	[sflag:s20] =	ssyncset.done $0x0  }
0x19f: {  	s12 =	simm.s32 $0x2200;
	[sflag:s20] =	ssyncadd.s32 $0xFFFFC000  }
0x1a0: {  	[spmem:s3] =	stream.indirect.scatter.add.f32 [tilespmem:s9], [sflag:$0x3], $0x80, s12, s7, $0xb8;
	[tilespmem:$0x1F2C0] =	vst v63  }
0x1a1: {  	_ =	swait.ge [sflag:s24], $0x4000  }
0x1a2: {  	[sflag:s24] =	ssyncset.done $0x0  }
0x1a3: {  	s14 =	simm.s32 $0x4280;
	[sflag:s24] =	ssyncadd.s32 $0xFFFFC000  }
0x1a4: {  	[tilespmem:s8], [sflag:$0x2] =	stream.indirect.gather [hbm4b:s2+s7], $0x80, s14, s7, $0xb8;
	[tilespmem:$0x1F2C0] =	vst v63  }
0x1a5: {  	_ =	swait.ge [sflag:s10], $0x4000  }
0x1a6: {  	[sflag:s10] =	ssyncset.done $0x0  }
0x1a7: {  	s15 =	simm.s32 $0x2280;
	[sflag:s10] =	ssyncadd.s32 $0xFFFFC000  }
0x1a8: {  	[spmem:s3] =	stream.indirect.scatter.add.f32 [tilespmem:s8], [sflag:$0x4], $0x80, s15, s7, $0xb8;
	[tilespmem:$0x1F2C0] =	vst v63  }
0x1a9: {  	_ =	swait.ge [sflag:s21], $0x4000  }
0x1aa: {  	[sflag:s21] =	ssyncset.done $0x0  }
0x1ab: {  	s4 =	simm.s32 $0xFFFFC800;
	s12 =	simm.s32 $0x4300;
	[sflag:s21] =	ssyncadd.s32 $0xFFFFC000  }
.LBB2_16:
0x1ac: {  	[tilespmem:s9], [sflag:$0x1] =	stream.indirect.gather [hbm4b:s2+s7], $0x80, s12, s7, $0xb8;
	[tilespmem:$0x1F2C0] =	vst v63  }
0x1ad: {  	s12 =	smov.u32 s4  }
0x1ae: {  	p2 =	sne.s32 s4, $0xFFFFFC00;
	s4 =	sadd.s32 $0x400, s4;
	_ =	swait.ge [sflag:s20], $0x4000  }
0x1af: {  	s12 =	sshra.s32 s12, $0x2;
	[sflag:s20] =	ssyncset.done $0x0  }
0x1b0: {  	s14 =	sadd.s32 $0x3100, s12;
	[sflag:s20] =	ssyncadd.s32 $0xFFFFC000  }
0x1b1: {  	[spmem:s3] =	stream.indirect.scatter.add.f32 [tilespmem:s9], [sflag:$0x3], $0x80, s14, s7, $0xb8;
	[tilespmem:$0x1F2C0] =	vst v63  }
0x1b2: {  	_ =	swait.ge [sflag:s24], $0x4000  }
0x1b3: {  	[sflag:s24] =	ssyncset.done $0x0  }
0x1b4: {  	s14 =	sadd.s32 $0x5180, s12;
	[sflag:s24] =	ssyncadd.s32 $0xFFFFC000  }
0x1b5: {  	[tilespmem:s8], [sflag:$0x2] =	stream.indirect.gather [hbm4b:s2+s7], $0x80, s14, s7, $0xb8;
	[tilespmem:$0x1F2C0] =	vst v63  }
0x1b6: {  	_ =	swait.ge [sflag:s10], $0x4000  }
0x1b7: {  	[sflag:s10] =	ssyncset.done $0x0  }
.Ltmp7:
0x1b8: {  	s14 =	sadd.s32 $0x3180, s12;
	[sflag:s10] =	ssyncadd.s32 $0xFFFFC000;
	(pc) =	sbr.rel @p2 .LBB2_16-.Ltmp7, $4  }
0x1b9: {  	[spmem:s3] =	stream.indirect.scatter.add.f32 [tilespmem:s8], [sflag:$0x4], $0x80, s14, s7, $0xb8;
	[tilespmem:$0x1F2C0] =	vst v63  }
0x1ba: {  	_ =	swait.ge [sflag:s21], $0x4000  }
0x1bb: {  	[sflag:s21] =	ssyncset.done $0x0  }
0x1bc: {  	s12 =	sadd.s32 $0x5200, s12;
	[sflag:s21] =	ssyncadd.s32 $0xFFFFC000  }
0x1bd: {  	[tilespmem:s9], [sflag:$0x1] =	stream.indirect.gather [hbm4b:s2+s7], $0x80, s12, s7, $0xb8;
	[tilespmem:$0x1F2C0] =	vst v63  }
0x1be: {  	_ =	swait.ge [sflag:s20], $0x4000  }
0x1bf: {  	[sflag:s20] =	ssyncset.done $0x0  }
0x1c0: {  	s4 =	simm.s32 $0x3100;
	[sflag:s20] =	ssyncadd.s32 $0xFFFFC000  }
0x1c1: {  	[spmem:s3] =	stream.indirect.scatter.add.f32 [tilespmem:s9], [sflag:$0x3], $0x80, s4, s7, $0xb8;
	[tilespmem:$0x1F2C0] =	vst v63  }
0x1c2: {  	_ =	swait.ge [sflag:s24], $0x4000  }
0x1c3: {  	[sflag:s24] =	ssyncset.done $0x0  }
0x1c4: {  	[sflag:s24] =	ssyncadd.s32 $0xFFFFC000  }
0x1c5: {  	[tilespmem:s8], [sflag:$0x2] =	stream.indirect.gather [hbm4b:s2+s7], $0x80, s25, s7, $0xb8;
	[tilespmem:$0x1F2C0] =	vst v63  }
0x1c6: {  	_ =	swait.ge [sflag:s10], $0x4000  }
0x1c7: {  	[sflag:s10] =	ssyncset.done $0x0  }
0x1c8: {  	s14 =	simm.s32 $0x3180;
	[sflag:s10] =	ssyncadd.s32 $0xFFFFC000  }
0x1c9: {  	[spmem:s3] =	stream.indirect.scatter.add.f32 [tilespmem:s8], [sflag:$0x4], $0x80, s14, s7, $0xb8;
	[tilespmem:$0x1F2C0] =	vst v63  }
0x1ca: {  	_ =	swait.ge [sflag:s21], $0x4000  }
0x1cb: {  	[sflag:s21] =	ssyncset.done $0x0  }
0x1cc: {  	[sflag:s21] =	ssyncadd.s32 $0xFFFFC000  }
0x1cd: {  	[tilespmem:s9], [sflag:$0x1] =	stream.indirect.gather [hbm4b:s2+s7], $0x80, s16, s7, $0xb8;
	[tilespmem:$0x1F2C0] =	vst v63  }
0x1ce: {  	s15 =	rddreg [dreg:$0x13]  }
0x1cf: {  	[tilespmem:s13], [sflag:$0x5] =	stream.linear.gather [hbm4b:s15+s6], $0x1000, $0x38;
	[tilespmem:$0x1F2C0] =	vst v63  }
0x1d0: {  	_ =	swait.ge [sflag:s1], $0x1000  }
0x1d1: {  	[sflag:s1] =	ssyncset.done $0x0  }
0x1d2: {  	[sflag:s1] =	ssyncadd.s32 $0xFFFFF000  }
0x1d3: {  	_ =	swait.ge [sflag:s20], $0x4000  }
0x1d4: {  	[sflag:s20] =	ssyncset.done $0x0  }
0x1d5: {  	s12 =	simm.s32 $0x3200;
	[sflag:s20] =	ssyncadd.s32 $0xFFFFC000  }
0x1d6: {  	[spmem:s3] =	stream.indirect.scatter.add.f32 [tilespmem:s9], [sflag:$0x3], $0x80, s12, s7, $0xb8;
	[tilespmem:$0x1F2C0] =	vst v63  }
0x1d7: {  	_ =	swait.ge [sflag:s24], $0x4000  }
0x1d8: {  	[sflag:s24] =	ssyncset.done $0x0  }
0x1d9: {  	s14 =	simm.s32 $0x4280;
	[sflag:s24] =	ssyncadd.s32 $0xFFFFC000  }
0x1da: {  	[tilespmem:s8], [sflag:$0x2] =	stream.indirect.gather [hbm4b:s2+s7], $0x80, s14, s7, $0xb8;
	[tilespmem:$0x1F2C0] =	vst v63  }
0x1db: {  	_ =	swait.ge [sflag:s10], $0x4000  }
0x1dc: {  	[sflag:s10] =	ssyncset.done $0x0  }
0x1dd: {  	s15 =	simm.s32 $0x3280;
	[sflag:s10] =	ssyncadd.s32 $0xFFFFC000  }
0x1de: {  	[spmem:s3] =	stream.indirect.scatter.add.f32 [tilespmem:s8], [sflag:$0x4], $0x80, s15, s7, $0xb8;
	[tilespmem:$0x1F2C0] =	vst v63  }
0x1df: {  	_ =	swait.ge [sflag:s21], $0x4000  }
0x1e0: {  	[sflag:s21] =	ssyncset.done $0x0  }
0x1e1: {  	s4 =	simm.s32 $0xFFFFC800;
	s12 =	simm.s32 $0x4300;
	[sflag:s21] =	ssyncadd.s32 $0xFFFFC000  }
.LBB2_18:
0x1e2: {  	[tilespmem:s9], [sflag:$0x1] =	stream.indirect.gather [hbm4b:s2+s7], $0x80, s12, s7, $0xb8;
	[tilespmem:$0x1F2C0] =	vst v63  }
0x1e3: {  	s12 =	smov.u32 s4  }
0x1e4: {  	p2 =	sne.s32 s4, $0xFFFFFC00;
	s4 =	sadd.s32 $0x400, s4;
	_ =	swait.ge [sflag:s20], $0x4000  }
0x1e5: {  	s12 =	sshra.s32 s12, $0x2;
	[sflag:s20] =	ssyncset.done $0x0  }
0x1e6: {  	s14 =	sadd.s32 $0x4100, s12;
	[sflag:s20] =	ssyncadd.s32 $0xFFFFC000  }
0x1e7: {  	[spmem:s3] =	stream.indirect.scatter.add.f32 [tilespmem:s9], [sflag:$0x3], $0x80, s14, s7, $0xb8;
	[tilespmem:$0x1F2C0] =	vst v63  }
0x1e8: {  	_ =	swait.ge [sflag:s24], $0x4000  }
0x1e9: {  	[sflag:s24] =	ssyncset.done $0x0  }
0x1ea: {  	s14 =	sadd.s32 $0x5180, s12;
	[sflag:s24] =	ssyncadd.s32 $0xFFFFC000  }
0x1eb: {  	[tilespmem:s8], [sflag:$0x2] =	stream.indirect.gather [hbm4b:s2+s7], $0x80, s14, s7, $0xb8;
	[tilespmem:$0x1F2C0] =	vst v63  }
0x1ec: {  	_ =	swait.ge [sflag:s10], $0x4000  }
0x1ed: {  	[sflag:s10] =	ssyncset.done $0x0  }
.Ltmp8:
0x1ee: {  	s14 =	sadd.s32 $0x4180, s12;
	[sflag:s10] =	ssyncadd.s32 $0xFFFFC000;
	(pc) =	sbr.rel @p2 .LBB2_18-.Ltmp8, $4  }
0x1ef: {  	[spmem:s3] =	stream.indirect.scatter.add.f32 [tilespmem:s8], [sflag:$0x4], $0x80, s14, s7, $0xb8;
	[tilespmem:$0x1F2C0] =	vst v63  }
0x1f0: {  	_ =	swait.ge [sflag:s21], $0x4000  }
0x1f1: {  	[sflag:s21] =	ssyncset.done $0x0  }
0x1f2: {  	s12 =	sadd.s32 $0x5200, s12;
	[sflag:s21] =	ssyncadd.s32 $0xFFFFC000  }
0x1f3: {  	[tilespmem:s9], [sflag:$0x1] =	stream.indirect.gather [hbm4b:s2+s7], $0x80, s12, s7, $0xb8;
	[tilespmem:$0x1F2C0] =	vst v63  }
0x1f4: {  	_ =	swait.ge [sflag:s20], $0x4000  }
0x1f5: {  	[sflag:s20] =	ssyncset.done $0x0  }
0x1f6: {  	s4 =	simm.s32 $0x4100;
	[sflag:s20] =	ssyncadd.s32 $0xFFFFC000  }
0x1f7: {  	[spmem:s3] =	stream.indirect.scatter.add.f32 [tilespmem:s9], [sflag:$0x3], $0x80, s4, s7, $0xb8;
	[tilespmem:$0x1F2C0] =	vst v63  }
0x1f8: {  	_ =	swait.ge [sflag:s24], $0x4000  }
0x1f9: {  	[sflag:s24] =	ssyncset.done $0x0  }
0x1fa: {  	[sflag:s24] =	ssyncadd.s32 $0xFFFFC000  }
0x1fb: {  	[tilespmem:s8], [sflag:$0x2] =	stream.indirect.gather [hbm4b:s2+s7], $0x80, s25, s7, $0xb8;
	[tilespmem:$0x1F2C0] =	vst v63  }
0x1fc: {  	_ =	swait.ge [sflag:s10], $0x4000  }
0x1fd: {  	[sflag:s10] =	ssyncset.done $0x0  }
0x1fe: {  	s15 =	simm.s32 $0x4180;
	[sflag:s10] =	ssyncadd.s32 $0xFFFFC000  }
0x1ff: {  	[spmem:s3] =	stream.indirect.scatter.add.f32 [tilespmem:s8], [sflag:$0x4], $0x80, s15, s7, $0xb8;
	[tilespmem:$0x1F2C0] =	vst v63  }
0x200: {  	_ =	swait.ge [sflag:s21], $0x4000  }
0x201: {  	[sflag:s21] =	ssyncset.done $0x0  }
0x202: {  	[sflag:s21] =	ssyncadd.s32 $0xFFFFC000  }
0x203: {  	_ =	swait.ge [sflag:s24], $0x4000  }
0x204: {  	[sflag:s24] =	ssyncset.done $0x0  }
0x205: {  	[sflag:s24] =	ssyncadd.s32 $0xFFFFC000  }
0x206: {  	s17 =	sshll.u32 s17, $0x6;
	[bflag:$0x0] =	sbarrier.arrive $0xFFFF  }
0x207: {  	s12 =	sshrl.u32 s22, $0x3;
	s4 =	sor.u32 $0x1C05, s17;
	s14 =	rddreg [dreg:$0x11]  }
0x208: {  	[hbm:s14], [sflag:s4] =	dma.local [spmem:s12], $0x2000  }
0x209: {  	_ =	swait.ge [sflag:s1], $0x2000  }
0x20a: {  	[sflag:s1] =	ssyncset.done $0x0  }
0x20b: {  	s15 =	simm.s32 $0x200;
	s14 =	simm.s32 $0x0;
	[sflag:s1] =	ssyncadd.s32 $0xFFFFE000  }
.LBB2_20:
0x20c: {  	p2 =	sne.s32 s15, $0xFE00;
	[tilespmem:s14+$0x53F0] =	vst v2  }
0x20d: {  	[tilespmem:s14+$0x5380] =	vst v2  }
0x20e: {  	[tilespmem:s14+$0x5390] =	vst v2  }
.Ltmp9:
0x20f: {  	[tilespmem:s14+$0x53A0] =	vst v2;
	(pc) =	sbr.rel @p2 .LBB2_20-.Ltmp9, $4  }
0x210: {  	[tilespmem:s14+$0x53B0] =	vst v2  }
0x211: {  	[tilespmem:s14+$0x53C0] =	vst v2  }
0x212: {  	[tilespmem:s14+$0x53D0] =	vst v2  }
0x213: {  	[tilespmem:s14+$0x53E0] =	vst v2;
	s14 =	sshra.s32 s15, $0x2;
	s15 =	sadd.s32 $0x200, s15  }
0x214: {  	[tilespmem:s14+$0x53F0] =	vst v2  }
0x215: {  	[tilespmem:s14+$0x5380] =	vst v2  }
0x216: {  	[tilespmem:s14+$0x5390] =	vst v2  }
0x217: {  	[tilespmem:s14+$0x53A0] =	vst v2  }
0x218: {  	[tilespmem:s14+$0x53B0] =	vst v2  }
0x219: {  	[tilespmem:s14+$0x53C0] =	vst v2  }
0x21a: {  	[tilespmem:s14+$0x53D0] =	vst v2  }
0x21b: {  	[tilespmem:s14+$0x53E0] =	vst v2  }
0x21c: {  	[spmem:s22] =	stream.linear.scatter [tilespmem:s9], [sflag:$0x5], $0x4000, $0x38;
	[tilespmem:$0x1F2C0] =	vst v63  }
0x21d: {  	_ =	swait.ge [sflag:s1], $0x4000  }
0x21e: {  	[sflag:s1] =	ssyncset.done $0x0  }
0x21f: {  	[sflag:s1] =	ssyncadd.s32 $0xFFFFC000  }
0x220: {  	[spmem:s28] =	stream.linear.scatter [tilespmem:s9], [sflag:$0x5], $0x4000, $0x38;
	[tilespmem:$0x1F2C0] =	vst v63  }
0x221: {  	_ =	swait.ge [sflag:s1], $0x4000  }
0x222: {  	[sflag:s1] =	ssyncset.done $0x0  }
0x223: {  	[sflag:s1] =	ssyncadd.s32 $0xFFFFC000  }
0x224: {  	[spmem:s29] =	stream.linear.scatter [tilespmem:s9], [sflag:$0x5], $0x4000, $0x38;
	[tilespmem:$0x1F2C0] =	vst v63  }
0x225: {  	_ =	swait.ge [sflag:s1], $0x4000  }
0x226: {  	[sflag:s1] =	ssyncset.done $0x0  }
0x227: {  	[sflag:s1] =	ssyncadd.s32 $0xFFFFC000  }
0x228: {  	[spmem:s30] =	stream.linear.scatter [tilespmem:s9], [sflag:$0x5], $0x4000, $0x38;
	[tilespmem:$0x1F2C0] =	vst v63  }
0x229: {  	_ =	swait.ge [sflag:s1], $0x4000  }
0x22a: {  	[sflag:s1] =	ssyncset.done $0x0  }
0x22b: {  	[sflag:s1] =	ssyncadd.s32 $0xFFFFC000  }
0x22c: {  	[bflag:$0x0] =	sbarrier.arrive $0xFFFF  }
0x22d: {  	s15 =	rddreg [dreg:$0x14]  }
0x22e: {  	[tilespmem:s13], [sflag:$0x5] =	stream.linear.gather [hbm4b:s15+s6], $0x1000, $0x38;
	[tilespmem:$0x1F2C0] =	vst v63  }
0x22f: {  	_ =	swait.ge [sflag:s1], $0x1000  }
0x230: {  	[sflag:s1] =	ssyncset.done $0x0  }
0x231: {  	s17 =	rddreg [dreg:$0x15];
	[sflag:s1] =	ssyncadd.s32 $0xFFFFF000  }
0x232: {  	[tilespmem:s16], [sflag:$0x5] =	stream.linear.gather [hbm4b:s17+s6], $0x80, $0x38;
	[tilespmem:$0x1F2C0] =	vst v63  }
0x233: {  	_ =	swait.ge [sflag:s1], $0x80  }
0x234: {  	[sflag:s1] =	ssyncset.done $0x0  }
0x235: {  	[sflag:s1] =	ssyncadd.s32 $0xFFFFFF80  }
0x236: {  	[tilespmem:s9], [sflag:$0x1] =	stream.indirect.gather [spmem:s5], $0x80, s13, s7, $0xb8;
	[tilespmem:$0x1F2C0] =	vst v63  }
0x237: {  	_ =	swait.ge [sflag:s20], $0x4000  }
0x238: {  	[sflag:s20] =	ssyncset.done $0x0  }
0x239: {  	[sflag:s20] =	ssyncadd.s32 $0xFFFFC000  }
0x23a: {  	[spmem:s3] =	stream.indirect.scatter.add.f32 [tilespmem:s9], [sflag:$0x3], $0x80, s11, s7, $0xb8;
	[tilespmem:$0x1F2C0] =	vst v63  }
0x23b: {  	s15 =	simm.s32 $0x4280  }
0x23c: {  	[tilespmem:s8], [sflag:$0x2] =	stream.indirect.gather [spmem:s5], $0x80, s15, s7, $0xb8;
	[tilespmem:$0x1F2C0] =	vst v63  }
0x23d: {  	_ =	swait.ge [sflag:s10], $0x4000  }
0x23e: {  	[sflag:s10] =	ssyncset.done $0x0  }
0x23f: {  	s17 =	simm.s32 $0x280;
	[sflag:s10] =	ssyncadd.s32 $0xFFFFC000  }
0x240: {  	[spmem:s3] =	stream.indirect.scatter.add.f32 [tilespmem:s8], [sflag:$0x4], $0x80, s17, s7, $0xb8;
	[tilespmem:$0x1F2C0] =	vst v63  }
0x241: {  	_ =	swait.ge [sflag:s21], $0x4000  }
0x242: {  	[sflag:s21] =	ssyncset.done $0x0  }
0x243: {  	s15 =	simm.s32 $0x4300;
	[sflag:s21] =	ssyncadd.s32 $0xFFFFC000  }
0x244: {  	[tilespmem:s9], [sflag:$0x1] =	stream.indirect.gather [spmem:s5], $0x80, s15, s7, $0xb8;
	[tilespmem:$0x1F2C0] =	vst v63  }
0x245: {  	_ =	swait.ge [sflag:s20], $0x4000  }
0x246: {  	[sflag:s20] =	ssyncset.done $0x0  }
0x247: {  	s17 =	simm.s32 $0x300;
	[sflag:s20] =	ssyncadd.s32 $0xFFFFC000  }
0x248: {  	[spmem:s3] =	stream.indirect.scatter.add.f32 [tilespmem:s9], [sflag:$0x3], $0x80, s17, s7, $0xb8;
	[tilespmem:$0x1F2C0] =	vst v63  }
0x249: {  	_ =	swait.ge [sflag:s24], $0x4000  }
0x24a: {  	[sflag:s24] =	ssyncset.done $0x0  }
0x24b: {  	s15 =	simm.s32 $0x4380;
	[sflag:s24] =	ssyncadd.s32 $0xFFFFC000  }
0x24c: {  	[tilespmem:s8], [sflag:$0x2] =	stream.indirect.gather [spmem:s5], $0x80, s15, s7, $0xb8;
	[tilespmem:$0x1F2C0] =	vst v63  }
0x24d: {  	_ =	swait.ge [sflag:s10], $0x4000  }
0x24e: {  	[sflag:s10] =	ssyncset.done $0x0  }
0x24f: {  	s17 =	simm.s32 $0x380;
	[sflag:s10] =	ssyncadd.s32 $0xFFFFC000  }
0x250: {  	[spmem:s3] =	stream.indirect.scatter.add.f32 [tilespmem:s8], [sflag:$0x4], $0x80, s17, s7, $0xb8;
	[tilespmem:$0x1F2C0] =	vst v63  }
0x251: {  	_ =	swait.ge [sflag:s21], $0x4000  }
0x252: {  	[sflag:s21] =	ssyncset.done $0x0  }
0x253: {  	s14 =	simm.s32 $0xFFFFCC00;
	s15 =	simm.s32 $0x4400;
	[sflag:s21] =	ssyncadd.s32 $0xFFFFC000  }
.LBB2_22:
0x254: {  	[tilespmem:s9], [sflag:$0x1] =	stream.indirect.gather [spmem:s5], $0x80, s15, s7, $0xb8;
	[tilespmem:$0x1F2C0] =	vst v63  }
0x255: {  	s15 =	smov.u32 s14  }
0x256: {  	p2 =	sne.s32 s14, $0xFFFFFC00;
	s14 =	sadd.s32 $0x400, s14;
	_ =	swait.ge [sflag:s20], $0x4000  }
0x257: {  	s15 =	sshra.s32 s15, $0x2;
	[sflag:s20] =	ssyncset.done $0x0  }
0x258: {  	s17 =	sadd.s32 $0x1100, s15;
	[sflag:s20] =	ssyncadd.s32 $0xFFFFC000  }
0x259: {  	[spmem:s3] =	stream.indirect.scatter.add.f32 [tilespmem:s9], [sflag:$0x3], $0x80, s17, s7, $0xb8;
	[tilespmem:$0x1F2C0] =	vst v63  }
0x25a: {  	_ =	swait.ge [sflag:s24], $0x4000  }
0x25b: {  	[sflag:s24] =	ssyncset.done $0x0  }
0x25c: {  	s17 =	sadd.s32 $0x5180, s15;
	[sflag:s24] =	ssyncadd.s32 $0xFFFFC000  }
0x25d: {  	[tilespmem:s8], [sflag:$0x2] =	stream.indirect.gather [spmem:s5], $0x80, s17, s7, $0xb8;
	[tilespmem:$0x1F2C0] =	vst v63  }
0x25e: {  	_ =	swait.ge [sflag:s10], $0x4000  }
0x25f: {  	[sflag:s10] =	ssyncset.done $0x0  }
.Ltmp10:
0x260: {  	s17 =	sadd.s32 $0x1180, s15;
	[sflag:s10] =	ssyncadd.s32 $0xFFFFC000;
	(pc) =	sbr.rel @p2 .LBB2_22-.Ltmp10, $4  }
0x261: {  	[spmem:s3] =	stream.indirect.scatter.add.f32 [tilespmem:s8], [sflag:$0x4], $0x80, s17, s7, $0xb8;
	[tilespmem:$0x1F2C0] =	vst v63  }
0x262: {  	_ =	swait.ge [sflag:s21], $0x4000  }
0x263: {  	[sflag:s21] =	ssyncset.done $0x0  }
0x264: {  	s15 =	sadd.s32 $0x5200, s15;
	[sflag:s21] =	ssyncadd.s32 $0xFFFFC000  }
0x265: {  	[tilespmem:s9], [sflag:$0x1] =	stream.indirect.gather [spmem:s5], $0x80, s15, s7, $0xb8;
	[tilespmem:$0x1F2C0] =	vst v63  }
0x266: {  	_ =	swait.ge [sflag:s20], $0x4000  }
0x267: {  	[sflag:s20] =	ssyncset.done $0x0  }
0x268: {  	s14 =	simm.s32 $0x1100;
	[sflag:s20] =	ssyncadd.s32 $0xFFFFC000  }
0x269: {  	[spmem:s3] =	stream.indirect.scatter.add.f32 [tilespmem:s9], [sflag:$0x3], $0x80, s14, s7, $0xb8;
	[tilespmem:$0x1F2C0] =	vst v63  }
0x26a: {  	_ =	swait.ge [sflag:s24], $0x4000  }
0x26b: {  	[sflag:s24] =	ssyncset.done $0x0  }
0x26c: {  	[sflag:s24] =	ssyncadd.s32 $0xFFFFC000  }
0x26d: {  	[tilespmem:s8], [sflag:$0x2] =	stream.indirect.gather [spmem:s5], $0x80, s25, s7, $0xb8;
	[tilespmem:$0x1F2C0] =	vst v63  }
0x26e: {  	_ =	swait.ge [sflag:s10], $0x4000  }
0x26f: {  	[sflag:s10] =	ssyncset.done $0x0  }
0x270: {  	s17 =	simm.s32 $0x1180;
	[sflag:s10] =	ssyncadd.s32 $0xFFFFC000  }
0x271: {  	[spmem:s3] =	stream.indirect.scatter.add.f32 [tilespmem:s8], [sflag:$0x4], $0x80, s17, s7, $0xb8;
	[tilespmem:$0x1F2C0] =	vst v63  }
0x272: {  	_ =	swait.ge [sflag:s21], $0x4000  }
0x273: {  	[sflag:s21] =	ssyncset.done $0x0  }
0x274: {  	[sflag:s21] =	ssyncadd.s32 $0xFFFFC000  }
0x275: {  	[tilespmem:s9], [sflag:$0x1] =	stream.indirect.gather [spmem:s5], $0x80, s16, s7, $0xb8;
	[tilespmem:$0x1F2C0] =	vst v63  }
0x276: {  	s15 =	rddreg [dreg:$0x15]  }
0x277: {  	[tilespmem:s13], [sflag:$0x5] =	stream.linear.gather [hbm4b:s15+s6], $0x1000, $0x38;
	[tilespmem:$0x1F2C0] =	vst v63  }
0x278: {  	_ =	swait.ge [sflag:s1], $0x1000  }
0x279: {  	[sflag:s1] =	ssyncset.done $0x0  }
0x27a: {  	[sflag:s1] =	ssyncadd.s32 $0xFFFFF000  }
0x27b: {  	[tilespmem:s23], [sflag:$0x5] =	stream.linear.gather [hbm4b:s18+s6], $0x80, $0x38;
	[tilespmem:$0x1F2C0] =	vst v63  }
0x27c: {  	_ =	swait.ge [sflag:s1], $0x80  }
0x27d: {  	[sflag:s1] =	ssyncset.done $0x0  }
0x27e: {  	[sflag:s1] =	ssyncadd.s32 $0xFFFFFF80  }
0x27f: {  	_ =	swait.ge [sflag:s20], $0x4000  }
0x280: {  	[sflag:s20] =	ssyncset.done $0x0  }
0x281: {  	s17 =	simm.s32 $0x1200;
	[sflag:s20] =	ssyncadd.s32 $0xFFFFC000  }
0x282: {  	[spmem:s3] =	stream.indirect.scatter.add.f32 [tilespmem:s9], [sflag:$0x3], $0x80, s17, s7, $0xb8;
	[tilespmem:$0x1F2C0] =	vst v63  }
0x283: {  	_ =	swait.ge [sflag:s24], $0x4000  }
0x284: {  	[sflag:s24] =	ssyncset.done $0x0  }
0x285: {  	s15 =	simm.s32 $0x4280;
	[sflag:s24] =	ssyncadd.s32 $0xFFFFC000  }
0x286: {  	[tilespmem:s8], [sflag:$0x2] =	stream.indirect.gather [spmem:s5], $0x80, s15, s7, $0xb8;
	[tilespmem:$0x1F2C0] =	vst v63  }
0x287: {  	_ =	swait.ge [sflag:s10], $0x4000  }
0x288: {  	[sflag:s10] =	ssyncset.done $0x0  }
0x289: {  	s17 =	simm.s32 $0x1280;
	[sflag:s10] =	ssyncadd.s32 $0xFFFFC000  }
0x28a: {  	[spmem:s3] =	stream.indirect.scatter.add.f32 [tilespmem:s8], [sflag:$0x4], $0x80, s17, s7, $0xb8;
	[tilespmem:$0x1F2C0] =	vst v63  }
0x28b: {  	_ =	swait.ge [sflag:s21], $0x4000  }
0x28c: {  	[sflag:s21] =	ssyncset.done $0x0  }
0x28d: {  	s14 =	simm.s32 $0xFFFFC800;
	s15 =	simm.s32 $0x4300;
	[sflag:s21] =	ssyncadd.s32 $0xFFFFC000  }
.LBB2_24:
0x28e: {  	[tilespmem:s9], [sflag:$0x1] =	stream.indirect.gather [spmem:s5], $0x80, s15, s7, $0xb8;
	[tilespmem:$0x1F2C0] =	vst v63  }
0x28f: {  	s15 =	smov.u32 s14  }
0x290: {  	p2 =	sne.s32 s14, $0xFFFFFC00;
	s14 =	sadd.s32 $0x400, s14;
	_ =	swait.ge [sflag:s20], $0x4000  }
0x291: {  	s15 =	sshra.s32 s15, $0x2;
	[sflag:s20] =	ssyncset.done $0x0  }
0x292: {  	s17 =	sadd.s32 $0x2100, s15;
	[sflag:s20] =	ssyncadd.s32 $0xFFFFC000  }
0x293: {  	[spmem:s3] =	stream.indirect.scatter.add.f32 [tilespmem:s9], [sflag:$0x3], $0x80, s17, s7, $0xb8;
	[tilespmem:$0x1F2C0] =	vst v63  }
0x294: {  	_ =	swait.ge [sflag:s24], $0x4000  }
0x295: {  	[sflag:s24] =	ssyncset.done $0x0  }
0x296: {  	s17 =	sadd.s32 $0x5180, s15;
	[sflag:s24] =	ssyncadd.s32 $0xFFFFC000  }
0x297: {  	[tilespmem:s8], [sflag:$0x2] =	stream.indirect.gather [spmem:s5], $0x80, s17, s7, $0xb8;
	[tilespmem:$0x1F2C0] =	vst v63  }
0x298: {  	_ =	swait.ge [sflag:s10], $0x4000  }
0x299: {  	[sflag:s10] =	ssyncset.done $0x0  }
.Ltmp11:
0x29a: {  	s17 =	sadd.s32 $0x2180, s15;
	[sflag:s10] =	ssyncadd.s32 $0xFFFFC000;
	(pc) =	sbr.rel @p2 .LBB2_24-.Ltmp11, $4  }
0x29b: {  	[spmem:s3] =	stream.indirect.scatter.add.f32 [tilespmem:s8], [sflag:$0x4], $0x80, s17, s7, $0xb8;
	[tilespmem:$0x1F2C0] =	vst v63  }
0x29c: {  	_ =	swait.ge [sflag:s21], $0x4000  }
0x29d: {  	[sflag:s21] =	ssyncset.done $0x0  }
0x29e: {  	s15 =	sadd.s32 $0x5200, s15;
	[sflag:s21] =	ssyncadd.s32 $0xFFFFC000  }
0x29f: {  	[tilespmem:s9], [sflag:$0x1] =	stream.indirect.gather [spmem:s5], $0x80, s15, s7, $0xb8;
	[tilespmem:$0x1F2C0] =	vst v63  }
0x2a0: {  	_ =	swait.ge [sflag:s20], $0x4000  }
0x2a1: {  	[sflag:s20] =	ssyncset.done $0x0  }
0x2a2: {  	s14 =	simm.s32 $0x2100;
	[sflag:s20] =	ssyncadd.s32 $0xFFFFC000  }
0x2a3: {  	[spmem:s3] =	stream.indirect.scatter.add.f32 [tilespmem:s9], [sflag:$0x3], $0x80, s14, s7, $0xb8;
	[tilespmem:$0x1F2C0] =	vst v63  }
0x2a4: {  	_ =	swait.ge [sflag:s24], $0x4000  }
0x2a5: {  	[sflag:s24] =	ssyncset.done $0x0  }
0x2a6: {  	[sflag:s24] =	ssyncadd.s32 $0xFFFFC000  }
0x2a7: {  	[tilespmem:s8], [sflag:$0x2] =	stream.indirect.gather [spmem:s5], $0x80, s25, s7, $0xb8;
	[tilespmem:$0x1F2C0] =	vst v63  }
0x2a8: {  	_ =	swait.ge [sflag:s10], $0x4000  }
0x2a9: {  	[sflag:s10] =	ssyncset.done $0x0  }
0x2aa: {  	s15 =	simm.s32 $0x2180;
	[sflag:s10] =	ssyncadd.s32 $0xFFFFC000  }
0x2ab: {  	[spmem:s3] =	stream.indirect.scatter.add.f32 [tilespmem:s8], [sflag:$0x4], $0x80, s15, s7, $0xb8;
	[tilespmem:$0x1F2C0] =	vst v63  }
0x2ac: {  	_ =	swait.ge [sflag:s21], $0x4000  }
0x2ad: {  	[sflag:s21] =	ssyncset.done $0x0  }
0x2ae: {  	[sflag:s21] =	ssyncadd.s32 $0xFFFFC000  }
0x2af: {  	[tilespmem:s9], [sflag:$0x1] =	stream.indirect.gather [spmem:s5], $0x80, s23, s7, $0xb8;
	[tilespmem:$0x1F2C0] =	vst v63  }
0x2b0: {  	_ = 	snop  }
0x2b1: {  	[tilespmem:s13], [sflag:$0x5] =	stream.linear.gather [hbm4b:s18+s6], $0x1000, $0x38;
	[tilespmem:$0x1F2C0] =	vst v63  }
0x2b2: {  	_ =	swait.ge [sflag:s1], $0x1000  }
0x2b3: {  	[sflag:s1] =	ssyncset.done $0x0  }
0x2b4: {  	[sflag:s1] =	ssyncadd.s32 $0xFFFFF000  }
0x2b5: {  	[tilespmem:s16], [sflag:$0x5] =	stream.linear.gather [hbm4b:s19+s6], $0x80, $0x38;
	[tilespmem:$0x1F2C0] =	vst v63  }
0x2b6: {  	_ =	swait.ge [sflag:s1], $0x80  }
0x2b7: {  	[sflag:s1] =	ssyncset.done $0x0  }
0x2b8: {  	[sflag:s1] =	ssyncadd.s32 $0xFFFFFF80  }
0x2b9: {  	_ =	swait.ge [sflag:s20], $0x4000  }
0x2ba: {  	[sflag:s20] =	ssyncset.done $0x0  }
0x2bb: {  	s17 =	simm.s32 $0x2200;
	[sflag:s20] =	ssyncadd.s32 $0xFFFFC000  }
0x2bc: {  	[spmem:s3] =	stream.indirect.scatter.add.f32 [tilespmem:s9], [sflag:$0x3], $0x80, s17, s7, $0xb8;
	[tilespmem:$0x1F2C0] =	vst v63  }
0x2bd: {  	_ =	swait.ge [sflag:s24], $0x4000  }
0x2be: {  	[sflag:s24] =	ssyncset.done $0x0  }
0x2bf: {  	s15 =	simm.s32 $0x4280;
	[sflag:s24] =	ssyncadd.s32 $0xFFFFC000  }
0x2c0: {  	[tilespmem:s8], [sflag:$0x2] =	stream.indirect.gather [spmem:s5], $0x80, s15, s7, $0xb8;
	[tilespmem:$0x1F2C0] =	vst v63  }
0x2c1: {  	_ =	swait.ge [sflag:s10], $0x4000  }
0x2c2: {  	[sflag:s10] =	ssyncset.done $0x0  }
0x2c3: {  	s17 =	simm.s32 $0x2280;
	[sflag:s10] =	ssyncadd.s32 $0xFFFFC000  }
0x2c4: {  	[spmem:s3] =	stream.indirect.scatter.add.f32 [tilespmem:s8], [sflag:$0x4], $0x80, s17, s7, $0xb8;
	[tilespmem:$0x1F2C0] =	vst v63  }
0x2c5: {  	_ =	swait.ge [sflag:s21], $0x4000  }
0x2c6: {  	[sflag:s21] =	ssyncset.done $0x0  }
0x2c7: {  	s14 =	simm.s32 $0xFFFFC800;
	s15 =	simm.s32 $0x4300;
	[sflag:s21] =	ssyncadd.s32 $0xFFFFC000  }
.LBB2_26:
0x2c8: {  	[tilespmem:s9], [sflag:$0x1] =	stream.indirect.gather [spmem:s5], $0x80, s15, s7, $0xb8;
	[tilespmem:$0x1F2C0] =	vst v63  }
0x2c9: {  	s15 =	smov.u32 s14  }
0x2ca: {  	p2 =	sne.s32 s14, $0xFFFFFC00;
	s14 =	sadd.s32 $0x400, s14;
	_ =	swait.ge [sflag:s20], $0x4000  }
0x2cb: {  	s15 =	sshra.s32 s15, $0x2;
	[sflag:s20] =	ssyncset.done $0x0  }
0x2cc: {  	s17 =	sadd.s32 $0x3100, s15;
	[sflag:s20] =	ssyncadd.s32 $0xFFFFC000  }
0x2cd: {  	[spmem:s3] =	stream.indirect.scatter.add.f32 [tilespmem:s9], [sflag:$0x3], $0x80, s17, s7, $0xb8;
	[tilespmem:$0x1F2C0] =	vst v63  }
0x2ce: {  	_ =	swait.ge [sflag:s24], $0x4000  }
0x2cf: {  	[sflag:s24] =	ssyncset.done $0x0  }
0x2d0: {  	s17 =	sadd.s32 $0x5180, s15;
	[sflag:s24] =	ssyncadd.s32 $0xFFFFC000  }
0x2d1: {  	[tilespmem:s8], [sflag:$0x2] =	stream.indirect.gather [spmem:s5], $0x80, s17, s7, $0xb8;
	[tilespmem:$0x1F2C0] =	vst v63  }
0x2d2: {  	_ =	swait.ge [sflag:s10], $0x4000  }
0x2d3: {  	[sflag:s10] =	ssyncset.done $0x0  }
.Ltmp12:
0x2d4: {  	s17 =	sadd.s32 $0x3180, s15;
	[sflag:s10] =	ssyncadd.s32 $0xFFFFC000;
	(pc) =	sbr.rel @p2 .LBB2_26-.Ltmp12, $4  }
0x2d5: {  	[spmem:s3] =	stream.indirect.scatter.add.f32 [tilespmem:s8], [sflag:$0x4], $0x80, s17, s7, $0xb8;
	[tilespmem:$0x1F2C0] =	vst v63  }
0x2d6: {  	_ =	swait.ge [sflag:s21], $0x4000  }
0x2d7: {  	[sflag:s21] =	ssyncset.done $0x0  }
0x2d8: {  	s15 =	sadd.s32 $0x5200, s15;
	[sflag:s21] =	ssyncadd.s32 $0xFFFFC000  }
0x2d9: {  	[tilespmem:s9], [sflag:$0x1] =	stream.indirect.gather [spmem:s5], $0x80, s15, s7, $0xb8;
	[tilespmem:$0x1F2C0] =	vst v63  }
0x2da: {  	_ =	swait.ge [sflag:s20], $0x4000  }
0x2db: {  	[sflag:s20] =	ssyncset.done $0x0  }
0x2dc: {  	s14 =	simm.s32 $0x3100;
	[sflag:s20] =	ssyncadd.s32 $0xFFFFC000  }
0x2dd: {  	[spmem:s3] =	stream.indirect.scatter.add.f32 [tilespmem:s9], [sflag:$0x3], $0x80, s14, s7, $0xb8;
	[tilespmem:$0x1F2C0] =	vst v63  }
0x2de: {  	_ =	swait.ge [sflag:s24], $0x4000  }
0x2df: {  	[sflag:s24] =	ssyncset.done $0x0  }
0x2e0: {  	[sflag:s24] =	ssyncadd.s32 $0xFFFFC000  }
0x2e1: {  	[tilespmem:s8], [sflag:$0x2] =	stream.indirect.gather [spmem:s5], $0x80, s25, s7, $0xb8;
	[tilespmem:$0x1F2C0] =	vst v63  }
0x2e2: {  	_ =	swait.ge [sflag:s10], $0x4000  }
0x2e3: {  	[sflag:s10] =	ssyncset.done $0x0  }
0x2e4: {  	s15 =	simm.s32 $0x3180;
	[sflag:s10] =	ssyncadd.s32 $0xFFFFC000  }
0x2e5: {  	[spmem:s3] =	stream.indirect.scatter.add.f32 [tilespmem:s8], [sflag:$0x4], $0x80, s15, s7, $0xb8;
	[tilespmem:$0x1F2C0] =	vst v63  }
0x2e6: {  	_ =	swait.ge [sflag:s21], $0x4000  }
0x2e7: {  	[sflag:s21] =	ssyncset.done $0x0  }
0x2e8: {  	[sflag:s21] =	ssyncadd.s32 $0xFFFFC000  }
0x2e9: {  	[tilespmem:s9], [sflag:$0x1] =	stream.indirect.gather [spmem:s5], $0x80, s16, s7, $0xb8;
	[tilespmem:$0x1F2C0] =	vst v63  }
0x2ea: {  	_ = 	snop  }
0x2eb: {  	[tilespmem:s13], [sflag:$0x5] =	stream.linear.gather [hbm4b:s19+s6], $0x1000, $0x38;
	[tilespmem:$0x1F2C0] =	vst v63  }
0x2ec: {  	_ =	swait.ge [sflag:s1], $0x1000  }
0x2ed: {  	[sflag:s1] =	ssyncset.done $0x0  }
0x2ee: {  	[sflag:s1] =	ssyncadd.s32 $0xFFFFF000  }
0x2ef: {  	_ =	swait.ge [sflag:s20], $0x4000  }
0x2f0: {  	[sflag:s20] =	ssyncset.done $0x0  }
0x2f1: {  	s17 =	simm.s32 $0x3200;
	[sflag:s20] =	ssyncadd.s32 $0xFFFFC000  }
0x2f2: {  	[spmem:s3] =	stream.indirect.scatter.add.f32 [tilespmem:s9], [sflag:$0x3], $0x80, s17, s7, $0xb8;
	[tilespmem:$0x1F2C0] =	vst v63  }
0x2f3: {  	_ =	swait.ge [sflag:s24], $0x4000  }
0x2f4: {  	[sflag:s24] =	ssyncset.done $0x0  }
0x2f5: {  	s15 =	simm.s32 $0x4280;
	[sflag:s24] =	ssyncadd.s32 $0xFFFFC000  }
0x2f6: {  	[tilespmem:s8], [sflag:$0x2] =	stream.indirect.gather [spmem:s5], $0x80, s15, s7, $0xb8;
	[tilespmem:$0x1F2C0] =	vst v63  }
0x2f7: {  	_ =	swait.ge [sflag:s10], $0x4000  }
0x2f8: {  	[sflag:s10] =	ssyncset.done $0x0  }
0x2f9: {  	s17 =	simm.s32 $0x3280;
	[sflag:s10] =	ssyncadd.s32 $0xFFFFC000  }
0x2fa: {  	[spmem:s3] =	stream.indirect.scatter.add.f32 [tilespmem:s8], [sflag:$0x4], $0x80, s17, s7, $0xb8;
	[tilespmem:$0x1F2C0] =	vst v63  }
0x2fb: {  	_ =	swait.ge [sflag:s21], $0x4000  }
0x2fc: {  	[sflag:s21] =	ssyncset.done $0x0  }
0x2fd: {  	s14 =	simm.s32 $0xFFFFC800;
	s15 =	simm.s32 $0x4300;
	[sflag:s21] =	ssyncadd.s32 $0xFFFFC000  }
.LBB2_28:
0x2fe: {  	[tilespmem:s9], [sflag:$0x1] =	stream.indirect.gather [spmem:s5], $0x80, s15, s7, $0xb8;
	[tilespmem:$0x1F2C0] =	vst v63  }
0x2ff: {  	s15 =	smov.u32 s14  }
0x300: {  	p2 =	sne.s32 s14, $0xFFFFFC00;
	s14 =	sadd.s32 $0x400, s14;
	_ =	swait.ge [sflag:s20], $0x4000  }
0x301: {  	s15 =	sshra.s32 s15, $0x2;
	[sflag:s20] =	ssyncset.done $0x0  }
0x302: {  	s17 =	sadd.s32 $0x4100, s15;
	[sflag:s20] =	ssyncadd.s32 $0xFFFFC000  }
0x303: {  	[spmem:s3] =	stream.indirect.scatter.add.f32 [tilespmem:s9], [sflag:$0x3], $0x80, s17, s7, $0xb8;
	[tilespmem:$0x1F2C0] =	vst v63  }
0x304: {  	_ =	swait.ge [sflag:s24], $0x4000  }
0x305: {  	[sflag:s24] =	ssyncset.done $0x0  }
0x306: {  	s17 =	sadd.s32 $0x5180, s15;
	[sflag:s24] =	ssyncadd.s32 $0xFFFFC000  }
0x307: {  	[tilespmem:s8], [sflag:$0x2] =	stream.indirect.gather [spmem:s5], $0x80, s17, s7, $0xb8;
	[tilespmem:$0x1F2C0] =	vst v63  }
0x308: {  	_ =	swait.ge [sflag:s10], $0x4000  }
0x309: {  	[sflag:s10] =	ssyncset.done $0x0  }
.Ltmp13:
0x30a: {  	s17 =	sadd.s32 $0x4180, s15;
	[sflag:s10] =	ssyncadd.s32 $0xFFFFC000;
	(pc) =	sbr.rel @p2 .LBB2_28-.Ltmp13, $4  }
0x30b: {  	[spmem:s3] =	stream.indirect.scatter.add.f32 [tilespmem:s8], [sflag:$0x4], $0x80, s17, s7, $0xb8;
	[tilespmem:$0x1F2C0] =	vst v63  }
0x30c: {  	_ =	swait.ge [sflag:s21], $0x4000  }
0x30d: {  	[sflag:s21] =	ssyncset.done $0x0  }
0x30e: {  	s15 =	sadd.s32 $0x5200, s15;
	[sflag:s21] =	ssyncadd.s32 $0xFFFFC000  }
0x30f: {  	[tilespmem:s9], [sflag:$0x1] =	stream.indirect.gather [spmem:s5], $0x80, s15, s7, $0xb8;
	[tilespmem:$0x1F2C0] =	vst v63  }
0x310: {  	_ =	swait.ge [sflag:s20], $0x4000  }
0x311: {  	[sflag:s20] =	ssyncset.done $0x0  }
0x312: {  	s14 =	simm.s32 $0x4100;
	[sflag:s20] =	ssyncadd.s32 $0xFFFFC000  }
0x313: {  	[spmem:s3] =	stream.indirect.scatter.add.f32 [tilespmem:s9], [sflag:$0x3], $0x80, s14, s7, $0xb8;
	[tilespmem:$0x1F2C0] =	vst v63  }
0x314: {  	_ =	swait.ge [sflag:s24], $0x4000  }
0x315: {  	[sflag:s24] =	ssyncset.done $0x0  }
0x316: {  	[sflag:s24] =	ssyncadd.s32 $0xFFFFC000  }
0x317: {  	[tilespmem:s8], [sflag:$0x2] =	stream.indirect.gather [spmem:s5], $0x80, s25, s7, $0xb8;
	[tilespmem:$0x1F2C0] =	vst v63  }
0x318: {  	_ =	swait.ge [sflag:s10], $0x4000  }
0x319: {  	[sflag:s10] =	ssyncset.done $0x0  }
0x31a: {  	s17 =	simm.s32 $0x4180;
	[sflag:s10] =	ssyncadd.s32 $0xFFFFC000  }
0x31b: {  	[spmem:s3] =	stream.indirect.scatter.add.f32 [tilespmem:s8], [sflag:$0x4], $0x80, s17, s7, $0xb8;
	[tilespmem:$0x1F2C0] =	vst v63  }
0x31c: {  	_ =	swait.ge [sflag:s21], $0x4000  }
0x31d: {  	[sflag:s21] =	ssyncset.done $0x0  }
0x31e: {  	[sflag:s21] =	ssyncadd.s32 $0xFFFFC000  }
0x31f: {  	_ =	swait.ge [sflag:s24], $0x4000  }
0x320: {  	[sflag:s24] =	ssyncset.done $0x0  }
0x321: {  	[sflag:s24] =	ssyncadd.s32 $0xFFFFC000  }
0x322: {  	[bflag:$0x0] =	sbarrier.arrive $0xFFFF  }
0x323: {  	s15 =	rddreg [dreg:$0x18]  }
0x324: {  	[hbm:s15], [sflag:s4] =	dma.local [spmem:s12], $0x2000  }
0x325: {  	_ =	swait.ge [sflag:s1], $0x2000  }
0x326: {  	s26 =	sadd.s32 $0x1, s26;
	s17 =	rddreg [dreg:$0x19]  }
0x327: {  	p2 =	sne.s32 s26, s17  }
.Ltmp14:
0x328: {  	_ = 	snop;
	(pc) =	sbr.rel @p2 .LBB2_1-.Ltmp14, $3  }
0x329: {  	_ =	sdelay $0x1  }
0x32a: {  	[sflag:s1] =	ssyncset.done $0x0  }
0x32b: {  	[sflag:s1] =	ssyncadd.s32 $0xFFFFE000;
	s17 =	stileid.u32  }
0x32c: {  	_ =	sfence.sel $0x180000  }
0x32d: {  	[bflag:$0x0] =	sbarrier.arrive $0xFFFF  }
0x32e: {  	_ =	strace $0x90000047  }
0x32f: {  	[bflag:$0x2] =	sbarrier.arrive $0xFFFF  }
0x330: {  	p0 =	sne.s32 s17, $0x0;
	s0 =	rddreg [dreg:$0xa]  }
0x331: {  	s0 =	sadd.s32 @!p0 $0x100000, s0  }
0x332: {  	[sflag:s0] =	ssyncadd.tile.s32 @!p0 $0x1;
	_ =	shalt  }
.Lfunc_end2:
_tile_overlayer_lowered:
.L_overlay_start_2:
0x333: {  	(tag) =	ssettag $0x2  }
0x334: {  	s0 =	rddreg [dreg:$0x0];
	s2 =	stileid.u32  }
0x335: {  	s1 =	rddreg [dreg:$0x1];
	p0 =	sne.s32 s2, $0x0  }
0x336: {  	s3 =	rddreg [dreg:$0x2];
	[bflag:$0x3] =	sbarrier.arrive $0xFFFF;
	s2 =	simm.s32 @!p0 $0x1C05  }
0x337: {  	[timem:s3], [sflag:s2] =	dma.local @!p0 [hbm:s0], s1  }
0x338: {  	s0 =	simm.s32 @!p0 $0x5  }
0x339: {  	_ =	swait.ge @!p0 [sflag:s0], s1  }
0x33a: {  	s1 =	ssub.s32 @!p0 $0x0, s1;
	[sflag:s0] =	ssyncset.done @!p0 $0x0  }
0x33b: {  	[sflag:s0] =	ssyncadd.s32 @!p0 s1  }
0x33c: {  	[bflag:$0x3] =	sbarrier.arrive $0xFFFF  }
0x33d: {  	_ =	shalt  }

</sc_bundles>
